<compile_context>
chip_gen: v7x
topology: tpu7x:2x2x1
jax: 0.10.2.dev20260603
libtpu: 0.0.44.dev20260713+nightly
codegen_flags: <defaults>
</compile_context>

<pallas_src>
import functools

import jax
import jax.numpy as jnp
from jax import lax
from jax.experimental import pallas as pl
from jax.experimental.pallas import tpu as pltpu
from jax.experimental.pallas import tpu_sc as plsc

D_MODEL = 64
D_PAD = 128
T_PAD = 137
MAX_SEQ_LEN = 200
BATCH = 4096
NUM_WORKERS = 32
PANEL = BATCH // NUM_WORKERS
NBUF = 2
LANES = 16
VPR = D_MODEL // LANES
RUNROLL = 4


def _pos_encoding():
    positions = jnp.arange(0, MAX_SEQ_LEN, dtype=jnp.float32)[:, None]
    dimensions = jnp.arange(0, D_MODEL, dtype=jnp.float32)
    denominators = jnp.power(10000.0, 2.0 * dimensions / D_MODEL)
    pe = positions / denominators
    pe = pe.at[:, 0::2].set(jnp.sin(pe[:, 0::2]))
    pe = pe.at[:, 1::2].set(jnp.cos(pe[:, 1::2]))
    return pe


@functools.partial(
    pl.kernel,
    mesh=plsc.VectorSubcoreMesh(core_axis_name="c", subcore_axis_name="s"),
    out_type=jax.ShapeDtypeStruct((MAX_SEQ_LEN, D_MODEL, BATCH), jnp.float32),
    scratch_types=[
        pltpu.VMEM((MAX_SEQ_LEN, PANEL), jnp.int32),
        pltpu.VMEM((PANEL, D_MODEL), jnp.float32),
        pltpu.VMEM((PANEL, D_MODEL), jnp.float32),
        pltpu.VMEM((D_MODEL, T_PAD), jnp.float32),
        pltpu.VMEM((D_MODEL, T_PAD), jnp.float32),
        pltpu.VMEM((MAX_SEQ_LEN, D_MODEL), jnp.float32),
        pltpu.SemaphoreType.DMA,
        pltpu.SemaphoreType.DMA,
    ],
    compiler_params=pltpu.CompilerParams(
        needs_layout_passes=False, use_tc_tiling_on_sc=False),
)
def _embed(xt_hbm, table_hbm, pe_hbm, out_hbm,
           idx_v, g_v0, g_v1, t_v0, t_v1, pe_v, gsem, ssem):
    g_bufs = (g_v0, g_v1)
    t_bufs = (t_v0, t_v1)
    wid = lax.axis_index("s") * 2 + lax.axis_index("c")
    b0 = wid * PANEL
    pltpu.sync_copy(pe_hbm, pe_v)
    pltpu.sync_copy(xt_hbm.at[:, pl.ds(b0, PANEL)], idx_v)

    pltpu.async_copy(table_hbm.at[idx_v.at[0]], g_v0, gsem)

    crows = [lax.iota(jnp.int32, LANES) + c * LANES for c in range(VPR)]

    def group(gg, carry):
        for b in range(NBUF):
            s = gg * NBUF + b
            b1 = (b + 1) % NBUF
            g_b, t_b = g_bufs[b], t_bufs[b]

            pltpu.make_async_copy(
                table_hbm.at[idx_v.at[s]], g_b, gsem).wait()

            @pl.when(s + 1 < MAX_SEQ_LEN)
            def _prefetch():
                @pl.when(s >= 1)
                def _drain():
                    pltpu.make_async_copy(
                        t_bufs[b1].at[:, pl.ds(0, PANEL)],
                        out_hbm.at[s - 1, :, pl.ds(b0, PANEL)], ssem).wait()

                pltpu.async_copy(
                    table_hbm.at[idx_v.at[s + 1]], g_bufs[b1], gsem)

            for c in range(VPR):
                crow = crows[c]
                pv = pe_v[s, pl.ds(c * LANES, LANES)]

                @plsc.parallel_loop(0, PANEL, step=RUNROLL, unroll=4, carry=pv)
                def tbody(rr, pvc, crow=crow, c=c, g_b=g_b, t_b=t_b):
                    for u in range(RUNROLL):
                        r = rr + u
                        val = g_b[r, pl.ds(c * LANES, LANES)] + pvc
                        plsc.store_scatter(
                            t_b, [crow, lax.broadcast(r, (LANES,))], val)
                    return pvc

            pltpu.async_copy(
                t_b.at[:, pl.ds(0, PANEL)],
                out_hbm.at[s, :, pl.ds(b0, PANEL)], ssem)
        return carry

    lax.fori_loop(0, MAX_SEQ_LEN // NBUF, group, 0)

    last = MAX_SEQ_LEN - 1
    pltpu.make_async_copy(
        t_bufs[last % NBUF].at[:, pl.ds(0, PANEL)],
        out_hbm.at[last, :, pl.ds(b0, PANEL)], ssem).wait()


def kernel(x, table):
    batch, seq_len = x.shape
    xt2 = (jnp.swapaxes(x, 0, 1) * 2).astype(jnp.int32)
    table2 = jnp.pad(table, ((0, 0), (0, D_MODEL))).reshape(-1, D_MODEL)
    out_t = _embed(xt2, table2, _pos_encoding())
    return jnp.transpose(out_t, (2, 0, 1))

# --- scband reference (transcript-rebuilt; emitter-appended) ---
"""Pipeline reference for scband-positional-embedding-47940424958057 (READ-ONLY COPY).

The authoritative reference and input builder live on the scoring server;
editing this copy changes nothing except your own understanding.
"""

import jax, jax.numpy as jnp
import numpy as np

D_MODEL = 64
VOCAB = 100000
MAX_SEQ_LEN = 200
PAD_TOKEN = 0


def _get_pos_encoding(max_seq_len, d_model):
    positions = jnp.arange(0, max_seq_len, dtype=jnp.float32)[:, None]
    dimensions = jnp.arange(0, d_model, dtype=jnp.float32)
    denominators = jnp.power(10000.0, 2.0 * dimensions / d_model)
    pe = positions / denominators
    pe = pe.at[:, 0::2].set(jnp.sin(pe[:, 0::2]))
    pe = pe.at[:, 1::2].set(jnp.cos(pe[:, 1::2]))
    return pe[None, :, :]


def setup_inputs(seed: int = 0) -> dict:
    key = jax.random.key(seed)
    k1, k2 = jax.random.split(key)
    x = jax.random.randint(k1, (4096, 200), 0, VOCAB, dtype=jnp.int64 if jax.config.read('jax_enable_x64') else jnp.int32)
    table = jax.random.normal(k2, (VOCAB, D_MODEL), dtype=jnp.float32)
    # padding_idx row is zero-initialized in torch nn.Embedding
    table = table.at[PAD_TOKEN].set(0.0)
    return {"x": x, "table": table}


def reference(x, table):
    batch, seq_len = x.shape
    pe = _get_pos_encoding(MAX_SEQ_LEN, D_MODEL)
    # embedding lookup with padding_idx semantics (pad rows map to zero vector)
    emb = jnp.take(table, x, axis=0)
    emb = jnp.where((x == PAD_TOKEN)[:, :, None], 0.0, emb)
    encodings = emb + pe[:, :seq_len, :]
    return encodings

if __name__ == "__main__":
    import jax
    _d = setup_inputs()
    print(jax.jit(kernel)(*tuple(_d.values())))

</pallas_src>

<mosaic_0001>
#map = affine_map<(d0, d1) -> (0, 0)>
#map1 = affine_map<(d0, d1) -> (0, 0, 0)>
module attributes {stable_mosaic.version = 14 : i64} {
  func.func @_embed(%arg0: i32, %arg1: i32, %arg2: memref<200x4096xi32, #tpu.memory_space<hbm>>, %arg3: memref<200000x64xf32, #tpu.memory_space<hbm>>, %arg4: memref<200x64xf32, #tpu.memory_space<hbm>>, %arg5: memref<200x64x4096xf32, #tpu.memory_space<hbm>>, %arg6: memref<200x128xi32, #tpu.memory_space<vmem>>, %arg7: memref<128x64xf32, #tpu.memory_space<vmem>>, %arg8: memref<128x64xf32, #tpu.memory_space<vmem>>, %arg9: memref<64x137xf32, #tpu.memory_space<vmem>>, %arg10: memref<64x137xf32, #tpu.memory_space<vmem>>, %arg11: memref<200x64xf32, #tpu.memory_space<vmem>>, %arg12: memref<!tpu.dma_semaphore, #tpu.memory_space<semaphore_mem>>, %arg13: memref<!tpu.dma_semaphore, #tpu.memory_space<semaphore_mem>>) attributes {dimension_semantics = [#tpu.dimension_semantics<core_parallel>, #tpu.dimension_semantics<subcore_parallel>], iteration_bounds = array<i64: 2, 16>, scalar_prefetch = 0 : i64, scratch_operands = 8 : i64, tpu.core_type = #tpu.core_type<sc_vector_subcore>, window_params = [{transform_indices = #map}, {transform_indices = #map}, {transform_indices = #map}, {transform_indices = #map1}]} {
    %mul3A = arith.constant 2 : i32
    %mul3A_0 = arith.muli %arg1, %mul3A : i32
    %add3A = arith.addi %mul3A_0, %arg0 : i32
    %mul3A_1 = arith.constant 128 : i32
    %mul3A_2 = arith.muli %add3A, %mul3A_1 : i32
    "tpu.region"() ({
      %run_scoped3A = tpu.sem_alloc : memref<!tpu.dma_semaphore, #tpu.memory_space<semaphore_mem>>
      tpu.enqueue_dma source(%arg4 : memref<200x64xf32, #tpu.memory_space<hbm>>) target(%arg11 : memref<200x64xf32, #tpu.memory_space<vmem>>) target_semaphore(%run_scoped3A : memref<!tpu.dma_semaphore, #tpu.memory_space<semaphore_mem>>)
      tpu.wait_dma2 semaphore(%run_scoped3A : memref<!tpu.dma_semaphore, #tpu.memory_space<semaphore_mem>>) src(%arg4 : memref<200x64xf32, #tpu.memory_space<hbm>>) dst(%arg11 : memref<200x64xf32, #tpu.memory_space<vmem>>)
      tpu.yield
    }) : () -> ()
    "tpu.region"() ({
      %run_scoped3A = tpu.sem_alloc : memref<!tpu.dma_semaphore, #tpu.memory_space<semaphore_mem>>
      %dma_start3A_41 = arith.constant 0 : i32
      %dma_start3A_42 = tpu.memref_slice %arg2[%dma_start3A_41, %mul3A_2] : memref<200x4096xi32, #tpu.memory_space<hbm>> -> memref<200x128xi32, #tpu.memory_space<hbm>>
      %dma_start3A_43 = arith.constant 0 : i32
      %dma_start3A_44 = tpu.memref_slice %arg2[%dma_start3A_43, %mul3A_2] : memref<200x4096xi32, #tpu.memory_space<hbm>> -> memref<200x128xi32, #tpu.memory_space<hbm>>
      tpu.enqueue_dma source(%dma_start3A_44 : memref<200x128xi32, #tpu.memory_space<hbm>>) target(%arg6 : memref<200x128xi32, #tpu.memory_space<vmem>>) target_semaphore(%run_scoped3A : memref<!tpu.dma_semaphore, #tpu.memory_space<semaphore_mem>>)
      %dma_wait3A_45 = arith.constant 0 : i32
      %dma_wait3A_46 = tpu.memref_slice %arg2[%dma_wait3A_45, %mul3A_2] : memref<200x4096xi32, #tpu.memory_space<hbm>> -> memref<200x128xi32, #tpu.memory_space<hbm>>
      %dma_wait3A_47 = arith.constant 0 : i32
      %dma_wait3A_48 = tpu.memref_slice %arg2[%dma_wait3A_47, %mul3A_2] : memref<200x4096xi32, #tpu.memory_space<hbm>> -> memref<200x128xi32, #tpu.memory_space<hbm>>
      tpu.wait_dma2 semaphore(%run_scoped3A : memref<!tpu.dma_semaphore, #tpu.memory_space<semaphore_mem>>) src(%dma_wait3A_48 : memref<200x128xi32, #tpu.memory_space<hbm>>) dst(%arg6 : memref<200x128xi32, #tpu.memory_space<vmem>>)
      tpu.yield
    }) : () -> ()
    %dma_start3A = arith.constant 0 : i32
    %dma_start3A_3 = arith.constant 0 : i32
    %dma_start3A_4 = tpu.memref_slice %arg6[%dma_start3A, %dma_start3A_3] : memref<200x128xi32, #tpu.memory_space<vmem>> -> memref<1x128xi32, #tpu.memory_space<vmem>>
    %dma_start3A_5 = tpu.memref_squeeze %dma_start3A_4 : memref<1x128xi32, #tpu.memory_space<vmem>> -> memref<128xi32, #tpu.memory_space<vmem>>
    %dma_start3A_6 = arith.constant 0 : i32
    %dma_start3A_7 = arith.constant 0 : i32
    %dma_start3A_8 = tpu.memref_slice %arg3[%dma_start3A_6, %dma_start3A_7] : memref<200000x64xf32, #tpu.memory_space<hbm>> -> memref<200000x64xf32, #tpu.memory_space<hbm>>
    tpu.enqueue_indirect_dma source(%dma_start3A_8 : memref<200000x64xf32, #tpu.memory_space<hbm>>) target(%arg7 : memref<128x64xf32, #tpu.memory_space<vmem>>) offsets(%dma_start3A_5 : memref<128xi32, #tpu.memory_space<vmem>>) semaphore(%arg12 : memref<!tpu.dma_semaphore, #tpu.memory_space<semaphore_mem>>)
    %iota3A = tpu.iota {dimensions = array<i32: 0>} : vector<16xi32>
    %add3A_9 = arith.constant 0 : i32
    %add3A_10 = vector.broadcast %add3A_9 : i32 to vector<16xi32>
    %add3A_11 = arith.addi %iota3A, %add3A_10 : vector<16xi32>
    %iota3A_12 = tpu.iota {dimensions = array<i32: 0>} : vector<16xi32>
    %add3A_13 = arith.constant 16 : i32
    %add3A_14 = vector.broadcast %add3A_13 : i32 to vector<16xi32>
    %add3A_15 = arith.addi %iota3A_12, %add3A_14 : vector<16xi32>
    %iota3A_16 = tpu.iota {dimensions = array<i32: 0>} : vector<16xi32>
    %add3A_17 = arith.constant 32 : i32
    %add3A_18 = vector.broadcast %add3A_17 : i32 to vector<16xi32>
    %add3A_19 = arith.addi %iota3A_16, %add3A_18 : vector<16xi32>
    %iota3A_20 = tpu.iota {dimensions = array<i32: 0>} : vector<16xi32>
    %add3A_21 = arith.constant 48 : i32
    %add3A_22 = vector.broadcast %add3A_21 : i32 to vector<16xi32>
    %add3A_23 = arith.addi %iota3A_20, %add3A_22 : vector<16xi32>
    %scan3A = arith.constant 0 : i32
    %scan3A_24 = arith.constant 0 : i32
    %scan3A_25 = arith.constant 100 : i32
    %scan3A_26 = arith.addi %scan3A_24, %scan3A_25 : i32
    %scan3A_27 = arith.constant 1 : i32
    scf.for %scan3A_41 = %scan3A_24 to %scan3A_26 step %scan3A_27  : i32 {
      %mul3A_42 = arith.constant 2 : i32
      %mul3A_43 = arith.muli %scan3A_41, %mul3A_42 : i32
      %add3A_44 = arith.constant 0 : i32
      %add3A_45 = arith.addi %mul3A_43, %add3A_44 : i32
      %dma_wait3A_46 = arith.constant 0 : i32
      %dma_wait3A_47 = tpu.memref_slice %arg6[%add3A_45, %dma_wait3A_46] : memref<200x128xi32, #tpu.memory_space<vmem>> -> memref<1x128xi32, #tpu.memory_space<vmem>>
      %dma_wait3A_48 = tpu.memref_squeeze %dma_wait3A_47 : memref<1x128xi32, #tpu.memory_space<vmem>> -> memref<128xi32, #tpu.memory_space<vmem>>
      %dma_wait3A_49 = arith.constant 0 : i32
      %dma_wait3A_50 = arith.constant 0 : i32
      %dma_wait3A_51 = tpu.memref_slice %arg3[%dma_wait3A_49, %dma_wait3A_50] : memref<200000x64xf32, #tpu.memory_space<hbm>> -> memref<200000x64xf32, #tpu.memory_space<hbm>>
      tpu.wait_indirect_dma semaphore(%arg12 : memref<!tpu.dma_semaphore, #tpu.memory_space<semaphore_mem>>) src(%dma_wait3A_51 : memref<200000x64xf32, #tpu.memory_space<hbm>>) dst(%arg7 : memref<128x64xf32, #tpu.memory_space<vmem>>)
      %add3A_52 = arith.constant 1 : i32
      %add3A_53 = arith.addi %add3A_45, %add3A_52 : i32
      %lt3A = arith.constant 200 : i32
      %lt3A_54 = arith.cmpi slt, %add3A_53, %lt3A : i32
      %convert_element_type3A = arith.extui %lt3A_54 : i1 to i32
      %cond3A = arith.constant 0 : i32
      %cond3A_55 = arith.cmpi ne, %convert_element_type3A, %cond3A : i32
      scf.if %cond3A_55 {
        %ge3A = arith.constant 1 : i32
        %ge3A_151 = arith.cmpi sge, %add3A_45, %ge3A : i32
        %convert_element_type3A_152 = arith.extui %ge3A_151 : i1 to i32
        %cond3A_153 = arith.constant 0 : i32
        %cond3A_154 = arith.cmpi ne, %convert_element_type3A_152, %cond3A_153 : i32
        scf.if %cond3A_154 {
          %sub3A = arith.constant 1 : i32
          %sub3A_163 = arith.subi %add3A_45, %sub3A : i32
          %dma_wait3A_164 = arith.constant 0 : i32
          %dma_wait3A_165 = arith.constant 0 : i32
          %dma_wait3A_166 = tpu.memref_slice %arg10[%dma_wait3A_164, %dma_wait3A_165] : memref<64x137xf32, #tpu.memory_space<vmem>> -> memref<64x128xf32, #tpu.memory_space<vmem>>
          %dma_wait3A_167 = arith.constant 0 : i32
          %dma_wait3A_168 = tpu.memref_slice %arg5[%sub3A_163, %dma_wait3A_167, %mul3A_2] : memref<200x64x4096xf32, #tpu.memory_space<hbm>> -> memref<1x64x128xf32, #tpu.memory_space<hbm>>
          %dma_wait3A_169 = tpu.memref_squeeze %dma_wait3A_168 : memref<1x64x128xf32, #tpu.memory_space<hbm>> -> memref<64x128xf32, #tpu.memory_space<hbm>>
          %dma_wait3A_170 = arith.constant 0 : i32
          %dma_wait3A_171 = tpu.memref_slice %arg5[%sub3A_163, %dma_wait3A_170, %mul3A_2] : memref<200x64x4096xf32, #tpu.memory_space<hbm>> -> memref<1x64x128xf32, #tpu.memory_space<hbm>>
          %dma_wait3A_172 = tpu.memref_squeeze %dma_wait3A_171 : memref<1x64x128xf32, #tpu.memory_space<hbm>> -> memref<64x128xf32, #tpu.memory_space<hbm>>
          %dma_wait3A_173 = arith.constant 0 : i32
          %dma_wait3A_174 = arith.constant 0 : i32
          %dma_wait3A_175 = tpu.memref_slice %arg10[%dma_wait3A_173, %dma_wait3A_174] : memref<64x137xf32, #tpu.memory_space<vmem>> -> memref<64x128xf32, #tpu.memory_space<vmem>>
          tpu.wait_dma2 semaphore(%arg13 : memref<!tpu.dma_semaphore, #tpu.memory_space<semaphore_mem>>) src(%dma_wait3A_175 : memref<64x128xf32, #tpu.memory_space<vmem>>) dst(%dma_wait3A_172 : memref<64x128xf32, #tpu.memory_space<hbm>>)
        } else {
        }
        %add3A_155 = arith.constant 1 : i32
        %add3A_156 = arith.addi %add3A_45, %add3A_155 : i32
        %dma_start3A_157 = arith.constant 0 : i32
        %dma_start3A_158 = tpu.memref_slice %arg6[%add3A_156, %dma_start3A_157] : memref<200x128xi32, #tpu.memory_space<vmem>> -> memref<1x128xi32, #tpu.memory_space<vmem>>
        %dma_start3A_159 = tpu.memref_squeeze %dma_start3A_158 : memref<1x128xi32, #tpu.memory_space<vmem>> -> memref<128xi32, #tpu.memory_space<vmem>>
        %dma_start3A_160 = arith.constant 0 : i32
        %dma_start3A_161 = arith.constant 0 : i32
        %dma_start3A_162 = tpu.memref_slice %arg3[%dma_start3A_160, %dma_start3A_161] : memref<200000x64xf32, #tpu.memory_space<hbm>> -> memref<200000x64xf32, #tpu.memory_space<hbm>>
        tpu.enqueue_indirect_dma source(%dma_start3A_162 : memref<200000x64xf32, #tpu.memory_space<hbm>>) target(%arg8 : memref<128x64xf32, #tpu.memory_space<vmem>>) offsets(%dma_start3A_159 : memref<128xi32, #tpu.memory_space<vmem>>) semaphore(%arg12 : memref<!tpu.dma_semaphore, #tpu.memory_space<semaphore_mem>>)
      } else {
      }
      %get3A = arith.index_cast %add3A_45 : i32 to index
      %get3A_56 = arith.constant 0 : index
      %get3A_57 = tpu.vector_load %arg11[%get3A, %get3A_56] {strides = array<i32>} : memref<200x64xf32, #tpu.memory_space<vmem>>, vector<16xf32>,
      %parallel_loop3A = arith.constant 0 : i32
      %parallel_loop3A_58 = arith.constant 128 : i32
      %parallel_loop3A_59 = arith.constant 4 : i32
      %parallel_loop3A_60 = scf.for %parallel_loop3A_151 = %parallel_loop3A to %parallel_loop3A_58 step %parallel_loop3A_59 iter_args(%parallel_loop3A_152 = %get3A_57) -> (vector<16xf32>)  : i32 {
        %parallel_loop3A_153 = arith.constant 0 : i32
        %parallel_loop3A_154 = arith.addi %parallel_loop3A_151, %parallel_loop3A_153 : i32
        %parallel_loop3A_155 = arith.index_cast %parallel_loop3A_154 : i32 to index
        %parallel_loop3A_156 = arith.constant 0 : index
        %parallel_loop3A_157 = tpu.vector_load %arg7[%parallel_loop3A_155, %parallel_loop3A_156] {strides = array<i32>} : memref<128x64xf32, #tpu.memory_space<vmem>>, vector<16xf32>,
        %parallel_loop3A_158 = arith.addf %parallel_loop3A_157, %parallel_loop3A_152 : vector<16xf32>
        %parallel_loop3A_159 = vector.broadcast %parallel_loop3A_154 : i32 to vector<16xi32>
        tpu.vector_store_idx %arg9[%add3A_11, %parallel_loop3A_159], %parallel_loop3A_158 : memref<64x137xf32, #tpu.memory_space<vmem>>[vector<16xi32>, vector<16xi32>], vector<16xf32>,
        %parallel_loop3A_160 = arith.constant 1 : i32
        %parallel_loop3A_161 = arith.addi %parallel_loop3A_151, %parallel_loop3A_160 : i32
        %parallel_loop3A_162 = arith.index_cast %parallel_loop3A_161 : i32 to index
        %parallel_loop3A_163 = arith.constant 0 : index
        %parallel_loop3A_164 = tpu.vector_load %arg7[%parallel_loop3A_162, %parallel_loop3A_163] {strides = array<i32>} : memref<128x64xf32, #tpu.memory_space<vmem>>, vector<16xf32>,
        %parallel_loop3A_165 = arith.addf %parallel_loop3A_164, %parallel_loop3A_152 : vector<16xf32>
        %parallel_loop3A_166 = vector.broadcast %parallel_loop3A_161 : i32 to vector<16xi32>
        tpu.vector_store_idx %arg9[%add3A_11, %parallel_loop3A_166], %parallel_loop3A_165 : memref<64x137xf32, #tpu.memory_space<vmem>>[vector<16xi32>, vector<16xi32>], vector<16xf32>,
        %parallel_loop3A_167 = arith.constant 2 : i32
        %parallel_loop3A_168 = arith.addi %parallel_loop3A_151, %parallel_loop3A_167 : i32
        %parallel_loop3A_169 = arith.index_cast %parallel_loop3A_168 : i32 to index
        %parallel_loop3A_170 = arith.constant 0 : index
        %parallel_loop3A_171 = tpu.vector_load %arg7[%parallel_loop3A_169, %parallel_loop3A_170] {strides = array<i32>} : memref<128x64xf32, #tpu.memory_space<vmem>>, vector<16xf32>,
        %parallel_loop3A_172 = arith.addf %parallel_loop3A_171, %parallel_loop3A_152 : vector<16xf32>
        %parallel_loop3A_173 = vector.broadcast %parallel_loop3A_168 : i32 to vector<16xi32>
        tpu.vector_store_idx %arg9[%add3A_11, %parallel_loop3A_173], %parallel_loop3A_172 : memref<64x137xf32, #tpu.memory_space<vmem>>[vector<16xi32>, vector<16xi32>], vector<16xf32>,
        %parallel_loop3A_174 = arith.constant 3 : i32
        %parallel_loop3A_175 = arith.addi %parallel_loop3A_151, %parallel_loop3A_174 : i32
        %parallel_loop3A_176 = arith.index_cast %parallel_loop3A_175 : i32 to index
        %parallel_loop3A_177 = arith.constant 0 : index
        %parallel_loop3A_178 = tpu.vector_load %arg7[%parallel_loop3A_176, %parallel_loop3A_177] {strides = array<i32>} : memref<128x64xf32, #tpu.memory_space<vmem>>, vector<16xf32>,
        %parallel_loop3A_179 = arith.addf %parallel_loop3A_178, %parallel_loop3A_152 : vector<16xf32>
        %parallel_loop3A_180 = vector.broadcast %parallel_loop3A_175 : i32 to vector<16xi32>
        tpu.vector_store_idx %arg9[%add3A_11, %parallel_loop3A_180], %parallel_loop3A_179 : memref<64x137xf32, #tpu.memory_space<vmem>>[vector<16xi32>, vector<16xi32>], vector<16xf32>,
        scf.yield %parallel_loop3A_152 : vector<16xf32>
      } {sc.loop_unroll_factor = 4 : i64, sc.parallel_access}
      %get3A_61 = arith.index_cast %add3A_45 : i32 to index
      %get3A_62 = arith.constant 16 : index
      %get3A_63 = tpu.vector_load %arg11[%get3A_61, %get3A_62] {strides = array<i32>} : memref<200x64xf32, #tpu.memory_space<vmem>>, vector<16xf32>,
      %parallel_loop3A_64 = arith.constant 0 : i32
      %parallel_loop3A_65 = arith.constant 128 : i32
      %parallel_loop3A_66 = arith.constant 4 : i32
      %parallel_loop3A_67 = scf.for %parallel_loop3A_151 = %parallel_loop3A_64 to %parallel_loop3A_65 step %parallel_loop3A_66 iter_args(%parallel_loop3A_152 = %get3A_63) -> (vector<16xf32>)  : i32 {
        %parallel_loop3A_153 = arith.constant 0 : i32
        %parallel_loop3A_154 = arith.addi %parallel_loop3A_151, %parallel_loop3A_153 : i32
        %parallel_loop3A_155 = arith.index_cast %parallel_loop3A_154 : i32 to index
        %parallel_loop3A_156 = arith.constant 16 : index
        %parallel_loop3A_157 = tpu.vector_load %arg7[%parallel_loop3A_155, %parallel_loop3A_156] {strides = array<i32>} : memref<128x64xf32, #tpu.memory_space<vmem>>, vector<16xf32>,
        %parallel_loop3A_158 = arith.addf %parallel_loop3A_157, %parallel_loop3A_152 : vector<16xf32>
        %parallel_loop3A_159 = vector.broadcast %parallel_loop3A_154 : i32 to vector<16xi32>
        tpu.vector_store_idx %arg9[%add3A_15, %parallel_loop3A_159], %parallel_loop3A_158 : memref<64x137xf32, #tpu.memory_space<vmem>>[vector<16xi32>, vector<16xi32>], vector<16xf32>,
        %parallel_loop3A_160 = arith.constant 1 : i32
        %parallel_loop3A_161 = arith.addi %parallel_loop3A_151, %parallel_loop3A_160 : i32
        %parallel_loop3A_162 = arith.index_cast %parallel_loop3A_161 : i32 to index
        %parallel_loop3A_163 = arith.constant 16 : index
        %parallel_loop3A_164 = tpu.vector_load %arg7[%parallel_loop3A_162, %parallel_loop3A_163] {strides = array<i32>} : memref<128x64xf32, #tpu.memory_space<vmem>>, vector<16xf32>,
        %parallel_loop3A_165 = arith.addf %parallel_loop3A_164, %parallel_loop3A_152 : vector<16xf32>
        %parallel_loop3A_166 = vector.broadcast %parallel_loop3A_161 : i32 to vector<16xi32>
        tpu.vector_store_idx %arg9[%add3A_15, %parallel_loop3A_166], %parallel_loop3A_165 : memref<64x137xf32, #tpu.memory_space<vmem>>[vector<16xi32>, vector<16xi32>], vector<16xf32>,
        %parallel_loop3A_167 = arith.constant 2 : i32
        %parallel_loop3A_168 = arith.addi %parallel_loop3A_151, %parallel_loop3A_167 : i32
        %parallel_loop3A_169 = arith.index_cast %parallel_loop3A_168 : i32 to index
        %parallel_loop3A_170 = arith.constant 16 : index
        %parallel_loop3A_171 = tpu.vector_load %arg7[%parallel_loop3A_169, %parallel_loop3A_170] {strides = array<i32>} : memref<128x64xf32, #tpu.memory_space<vmem>>, vector<16xf32>,
        %parallel_loop3A_172 = arith.addf %parallel_loop3A_171, %parallel_loop3A_152 : vector<16xf32>
        %parallel_loop3A_173 = vector.broadcast %parallel_loop3A_168 : i32 to vector<16xi32>
        tpu.vector_store_idx %arg9[%add3A_15, %parallel_loop3A_173], %parallel_loop3A_172 : memref<64x137xf32, #tpu.memory_space<vmem>>[vector<16xi32>, vector<16xi32>], vector<16xf32>,
        %parallel_loop3A_174 = arith.constant 3 : i32
        %parallel_loop3A_175 = arith.addi %parallel_loop3A_151, %parallel_loop3A_174 : i32
        %parallel_loop3A_176 = arith.index_cast %parallel_loop3A_175 : i32 to index
        %parallel_loop3A_177 = arith.constant 16 : index
        %parallel_loop3A_178 = tpu.vector_load %arg7[%parallel_loop3A_176, %parallel_loop3A_177] {strides = array<i32>} : memref<128x64xf32, #tpu.memory_space<vmem>>, vector<16xf32>,
        %parallel_loop3A_179 = arith.addf %parallel_loop3A_178, %parallel_loop3A_152 : vector<16xf32>
        %parallel_loop3A_180 = vector.broadcast %parallel_loop3A_175 : i32 to vector<16xi32>
        tpu.vector_store_idx %arg9[%add3A_15, %parallel_loop3A_180], %parallel_loop3A_179 : memref<64x137xf32, #tpu.memory_space<vmem>>[vector<16xi32>, vector<16xi32>], vector<16xf32>,
        scf.yield %parallel_loop3A_152 : vector<16xf32>
      } {sc.loop_unroll_factor = 4 : i64, sc.parallel_access}
      %get3A_68 = arith.index_cast %add3A_45 : i32 to index
      %get3A_69 = arith.constant 32 : index
      %get3A_70 = tpu.vector_load %arg11[%get3A_68, %get3A_69] {strides = array<i32>} : memref<200x64xf32, #tpu.memory_space<vmem>>, vector<16xf32>,
      %parallel_loop3A_71 = arith.constant 0 : i32
      %parallel_loop3A_72 = arith.constant 128 : i32
      %parallel_loop3A_73 = arith.constant 4 : i32
      %parallel_loop3A_74 = scf.for %parallel_loop3A_151 = %parallel_loop3A_71 to %parallel_loop3A_72 step %parallel_loop3A_73 iter_args(%parallel_loop3A_152 = %get3A_70) -> (vector<16xf32>)  : i32 {
        %parallel_loop3A_153 = arith.constant 0 : i32
        %parallel_loop3A_154 = arith.addi %parallel_loop3A_151, %parallel_loop3A_153 : i32
        %parallel_loop3A_155 = arith.index_cast %parallel_loop3A_154 : i32 to index
        %parallel_loop3A_156 = arith.constant 32 : index
        %parallel_loop3A_157 = tpu.vector_load %arg7[%parallel_loop3A_155, %parallel_loop3A_156] {strides = array<i32>} : memref<128x64xf32, #tpu.memory_space<vmem>>, vector<16xf32>,
        %parallel_loop3A_158 = arith.addf %parallel_loop3A_157, %parallel_loop3A_152 : vector<16xf32>
        %parallel_loop3A_159 = vector.broadcast %parallel_loop3A_154 : i32 to vector<16xi32>
        tpu.vector_store_idx %arg9[%add3A_19, %parallel_loop3A_159], %parallel_loop3A_158 : memref<64x137xf32, #tpu.memory_space<vmem>>[vector<16xi32>, vector<16xi32>], vector<16xf32>,
        %parallel_loop3A_160 = arith.constant 1 : i32
        %parallel_loop3A_161 = arith.addi %parallel_loop3A_151, %parallel_loop3A_160 : i32
        %parallel_loop3A_162 = arith.index_cast %parallel_loop3A_161 : i32 to index
        %parallel_loop3A_163 = arith.constant 32 : index
        %parallel_loop3A_164 = tpu.vector_load %arg7[%parallel_loop3A_162, %parallel_loop3A_163] {strides = array<i32>} : memref<128x64xf32, #tpu.memory_space<vmem>>, vector<16xf32>,
        %parallel_loop3A_165 = arith.addf %parallel_loop3A_164, %parallel_loop3A_152 : vector<16xf32>
        %parallel_loop3A_166 = vector.broadcast %parallel_loop3A_161 : i32 to vector<16xi32>
        tpu.vector_store_idx %arg9[%add3A_19, %parallel_loop3A_166], %parallel_loop3A_165 : memref<64x137xf32, #tpu.memory_space<vmem>>[vector<16xi32>, vector<16xi32>], vector<16xf32>,
        %parallel_loop3A_167 = arith.constant 2 : i32
        %parallel_loop3A_168 = arith.addi %parallel_loop3A_151, %parallel_loop3A_167 : i32
        %parallel_loop3A_169 = arith.index_cast %parallel_loop3A_168 : i32 to index
        %parallel_loop3A_170 = arith.constant 32 : index
        %parallel_loop3A_171 = tpu.vector_load %arg7[%parallel_loop3A_169, %parallel_loop3A_170] {strides = array<i32>} : memref<128x64xf32, #tpu.memory_space<vmem>>, vector<16xf32>,
        %parallel_loop3A_172 = arith.addf %parallel_loop3A_171, %parallel_loop3A_152 : vector<16xf32>
        %parallel_loop3A_173 = vector.broadcast %parallel_loop3A_168 : i32 to vector<16xi32>
        tpu.vector_store_idx %arg9[%add3A_19, %parallel_loop3A_173], %parallel_loop3A_172 : memref<64x137xf32, #tpu.memory_space<vmem>>[vector<16xi32>, vector<16xi32>], vector<16xf32>,
        %parallel_loop3A_174 = arith.constant 3 : i32
        %parallel_loop3A_175 = arith.addi %parallel_loop3A_151, %parallel_loop3A_174 : i32
        %parallel_loop3A_176 = arith.index_cast %parallel_loop3A_175 : i32 to index
        %parallel_loop3A_177 = arith.constant 32 : index
        %parallel_loop3A_178 = tpu.vector_load %arg7[%parallel_loop3A_176, %parallel_loop3A_177] {strides = array<i32>} : memref<128x64xf32, #tpu.memory_space<vmem>>, vector<16xf32>,
        %parallel_loop3A_179 = arith.addf %parallel_loop3A_178, %parallel_loop3A_152 : vector<16xf32>
        %parallel_loop3A_180 = vector.broadcast %parallel_loop3A_175 : i32 to vector<16xi32>
        tpu.vector_store_idx %arg9[%add3A_19, %parallel_loop3A_180], %parallel_loop3A_179 : memref<64x137xf32, #tpu.memory_space<vmem>>[vector<16xi32>, vector<16xi32>], vector<16xf32>,
        scf.yield %parallel_loop3A_152 : vector<16xf32>
      } {sc.loop_unroll_factor = 4 : i64, sc.parallel_access}
      %get3A_75 = arith.index_cast %add3A_45 : i32 to index
      %get3A_76 = arith.constant 48 : index
      %get3A_77 = tpu.vector_load %arg11[%get3A_75, %get3A_76] {strides = array<i32>} : memref<200x64xf32, #tpu.memory_space<vmem>>, vector<16xf32>,
      %parallel_loop3A_78 = arith.constant 0 : i32
      %parallel_loop3A_79 = arith.constant 128 : i32
      %parallel_loop3A_80 = arith.constant 4 : i32
      %parallel_loop3A_81 = scf.for %parallel_loop3A_151 = %parallel_loop3A_78 to %parallel_loop3A_79 step %parallel_loop3A_80 iter_args(%parallel_loop3A_152 = %get3A_77) -> (vector<16xf32>)  : i32 {
        %parallel_loop3A_153 = arith.constant 0 : i32
        %parallel_loop3A_154 = arith.addi %parallel_loop3A_151, %parallel_loop3A_153 : i32
        %parallel_loop3A_155 = arith.index_cast %parallel_loop3A_154 : i32 to index
        %parallel_loop3A_156 = arith.constant 48 : index
        %parallel_loop3A_157 = tpu.vector_load %arg7[%parallel_loop3A_155, %parallel_loop3A_156] {strides = array<i32>} : memref<128x64xf32, #tpu.memory_space<vmem>>, vector<16xf32>,
        %parallel_loop3A_158 = arith.addf %parallel_loop3A_157, %parallel_loop3A_152 : vector<16xf32>
        %parallel_loop3A_159 = vector.broadcast %parallel_loop3A_154 : i32 to vector<16xi32>
        tpu.vector_store_idx %arg9[%add3A_23, %parallel_loop3A_159], %parallel_loop3A_158 : memref<64x137xf32, #tpu.memory_space<vmem>>[vector<16xi32>, vector<16xi32>], vector<16xf32>,
        %parallel_loop3A_160 = arith.constant 1 : i32
        %parallel_loop3A_161 = arith.addi %parallel_loop3A_151, %parallel_loop3A_160 : i32
        %parallel_loop3A_162 = arith.index_cast %parallel_loop3A_161 : i32 to index
        %parallel_loop3A_163 = arith.constant 48 : index
        %parallel_loop3A_164 = tpu.vector_load %arg7[%parallel_loop3A_162, %parallel_loop3A_163] {strides = array<i32>} : memref<128x64xf32, #tpu.memory_space<vmem>>, vector<16xf32>,
        %parallel_loop3A_165 = arith.addf %parallel_loop3A_164, %parallel_loop3A_152 : vector<16xf32>
        %parallel_loop3A_166 = vector.broadcast %parallel_loop3A_161 : i32 to vector<16xi32>
        tpu.vector_store_idx %arg9[%add3A_23, %parallel_loop3A_166], %parallel_loop3A_165 : memref<64x137xf32, #tpu.memory_space<vmem>>[vector<16xi32>, vector<16xi32>], vector<16xf32>,
        %parallel_loop3A_167 = arith.constant 2 : i32
        %parallel_loop3A_168 = arith.addi %parallel_loop3A_151, %parallel_loop3A_167 : i32
        %parallel_loop3A_169 = arith.index_cast %parallel_loop3A_168 : i32 to index
        %parallel_loop3A_170 = arith.constant 48 : index
        %parallel_loop3A_171 = tpu.vector_load %arg7[%parallel_loop3A_169, %parallel_loop3A_170] {strides = array<i32>} : memref<128x64xf32, #tpu.memory_space<vmem>>, vector<16xf32>,
        %parallel_loop3A_172 = arith.addf %parallel_loop3A_171, %parallel_loop3A_152 : vector<16xf32>
        %parallel_loop3A_173 = vector.broadcast %parallel_loop3A_168 : i32 to vector<16xi32>
        tpu.vector_store_idx %arg9[%add3A_23, %parallel_loop3A_173], %parallel_loop3A_172 : memref<64x137xf32, #tpu.memory_space<vmem>>[vector<16xi32>, vector<16xi32>], vector<16xf32>,
        %parallel_loop3A_174 = arith.constant 3 : i32
        %parallel_loop3A_175 = arith.addi %parallel_loop3A_151, %parallel_loop3A_174 : i32
        %parallel_loop3A_176 = arith.index_cast %parallel_loop3A_175 : i32 to index
        %parallel_loop3A_177 = arith.constant 48 : index
        %parallel_loop3A_178 = tpu.vector_load %arg7[%parallel_loop3A_176, %parallel_loop3A_177] {strides = array<i32>} : memref<128x64xf32, #tpu.memory_space<vmem>>, vector<16xf32>,
        %parallel_loop3A_179 = arith.addf %parallel_loop3A_178, %parallel_loop3A_152 : vector<16xf32>
        %parallel_loop3A_180 = vector.broadcast %parallel_loop3A_175 : i32 to vector<16xi32>
        tpu.vector_store_idx %arg9[%add3A_23, %parallel_loop3A_180], %parallel_loop3A_179 : memref<64x137xf32, #tpu.memory_space<vmem>>[vector<16xi32>, vector<16xi32>], vector<16xf32>,
        scf.yield %parallel_loop3A_152 : vector<16xf32>
      } {sc.loop_unroll_factor = 4 : i64, sc.parallel_access}
      %dma_start3A_82 = arith.constant 0 : i32
      %dma_start3A_83 = arith.constant 0 : i32
      %dma_start3A_84 = tpu.memref_slice %arg9[%dma_start3A_82, %dma_start3A_83] : memref<64x137xf32, #tpu.memory_space<vmem>> -> memref<64x128xf32, #tpu.memory_space<vmem>>
      %dma_start3A_85 = arith.constant 0 : i32
      %dma_start3A_86 = tpu.memref_slice %arg5[%add3A_45, %dma_start3A_85, %mul3A_2] : memref<200x64x4096xf32, #tpu.memory_space<hbm>> -> memref<1x64x128xf32, #tpu.memory_space<hbm>>
      %dma_start3A_87 = tpu.memref_squeeze %dma_start3A_86 : memref<1x64x128xf32, #tpu.memory_space<hbm>> -> memref<64x128xf32, #tpu.memory_space<hbm>>
      %dma_start3A_88 = arith.constant 0 : i32
      %dma_start3A_89 = tpu.memref_slice %arg5[%add3A_45, %dma_start3A_88, %mul3A_2] : memref<200x64x4096xf32, #tpu.memory_space<hbm>> -> memref<1x64x128xf32, #tpu.memory_space<hbm>>
      %dma_start3A_90 = tpu.memref_squeeze %dma_start3A_89 : memref<1x64x128xf32, #tpu.memory_space<hbm>> -> memref<64x128xf32, #tpu.memory_space<hbm>>
      %dma_start3A_91 = arith.constant 0 : i32
      %dma_start3A_92 = arith.constant 0 : i32
      %dma_start3A_93 = tpu.memref_slice %arg9[%dma_start3A_91, %dma_start3A_92] : memref<64x137xf32, #tpu.memory_space<vmem>> -> memref<64x128xf32, #tpu.memory_space<vmem>>
      tpu.enqueue_dma source(%dma_start3A_93 : memref<64x128xf32, #tpu.memory_space<vmem>>) target(%dma_start3A_90 : memref<64x128xf32, #tpu.memory_space<hbm>>) target_semaphore(%arg13 : memref<!tpu.dma_semaphore, #tpu.memory_space<semaphore_mem>>)
      %mul3A_94 = arith.constant 2 : i32
      %mul3A_95 = arith.muli %scan3A_41, %mul3A_94 : i32
      %add3A_96 = arith.constant 1 : i32
      %add3A_97 = arith.addi %mul3A_95, %add3A_96 : i32
      %dma_wait3A_98 = arith.constant 0 : i32
      %dma_wait3A_99 = tpu.memref_slice %arg6[%add3A_97, %dma_wait3A_98] : memref<200x128xi32, #tpu.memory_space<vmem>> -> memref<1x128xi32, #tpu.memory_space<vmem>>
      %dma_wait3A_100 = tpu.memref_squeeze %dma_wait3A_99 : memref<1x128xi32, #tpu.memory_space<vmem>> -> memref<128xi32, #tpu.memory_space<vmem>>
      %dma_wait3A_101 = arith.constant 0 : i32
      %dma_wait3A_102 = arith.constant 0 : i32
      %dma_wait3A_103 = tpu.memref_slice %arg3[%dma_wait3A_101, %dma_wait3A_102] : memref<200000x64xf32, #tpu.memory_space<hbm>> -> memref<200000x64xf32, #tpu.memory_space<hbm>>
      tpu.wait_indirect_dma semaphore(%arg12 : memref<!tpu.dma_semaphore, #tpu.memory_space<semaphore_mem>>) src(%dma_wait3A_103 : memref<200000x64xf32, #tpu.memory_space<hbm>>) dst(%arg8 : memref<128x64xf32, #tpu.memory_space<vmem>>)
      %add3A_104 = arith.constant 1 : i32
      %add3A_105 = arith.addi %add3A_97, %add3A_104 : i32
      %lt3A_106 = arith.constant 200 : i32
      %lt3A_107 = arith.cmpi slt, %add3A_105, %lt3A_106 : i32
      %convert_element_type3A_108 = arith.extui %lt3A_107 : i1 to i32
      %cond3A_109 = arith.constant 0 : i32
      %cond3A_110 = arith.cmpi ne, %convert_element_type3A_108, %cond3A_109 : i32
      scf.if %cond3A_110 {
        %ge3A = arith.constant 1 : i32
        %ge3A_151 = arith.cmpi sge, %add3A_97, %ge3A : i32
        %convert_element_type3A_152 = arith.extui %ge3A_151 : i1 to i32
        %cond3A_153 = arith.constant 0 : i32
        %cond3A_154 = arith.cmpi ne, %convert_element_type3A_152, %cond3A_153 : i32
        scf.if %cond3A_154 {
          %sub3A = arith.constant 1 : i32
          %sub3A_163 = arith.subi %add3A_97, %sub3A : i32
          %dma_wait3A_164 = arith.constant 0 : i32
          %dma_wait3A_165 = arith.constant 0 : i32
          %dma_wait3A_166 = tpu.memref_slice %arg9[%dma_wait3A_164, %dma_wait3A_165] : memref<64x137xf32, #tpu.memory_space<vmem>> -> memref<64x128xf32, #tpu.memory_space<vmem>>
          %dma_wait3A_167 = arith.constant 0 : i32
          %dma_wait3A_168 = tpu.memref_slice %arg5[%sub3A_163, %dma_wait3A_167, %mul3A_2] : memref<200x64x4096xf32, #tpu.memory_space<hbm>> -> memref<1x64x128xf32, #tpu.memory_space<hbm>>
          %dma_wait3A_169 = tpu.memref_squeeze %dma_wait3A_168 : memref<1x64x128xf32, #tpu.memory_space<hbm>> -> memref<64x128xf32, #tpu.memory_space<hbm>>
          %dma_wait3A_170 = arith.constant 0 : i32
          %dma_wait3A_171 = tpu.memref_slice %arg5[%sub3A_163, %dma_wait3A_170, %mul3A_2] : memref<200x64x4096xf32, #tpu.memory_space<hbm>> -> memref<1x64x128xf32, #tpu.memory_space<hbm>>
          %dma_wait3A_172 = tpu.memref_squeeze %dma_wait3A_171 : memref<1x64x128xf32, #tpu.memory_space<hbm>> -> memref<64x128xf32, #tpu.memory_space<hbm>>
          %dma_wait3A_173 = arith.constant 0 : i32
          %dma_wait3A_174 = arith.constant 0 : i32
          %dma_wait3A_175 = tpu.memref_slice %arg9[%dma_wait3A_173, %dma_wait3A_174] : memref<64x137xf32, #tpu.memory_space<vmem>> -> memref<64x128xf32, #tpu.memory_space<vmem>>
          tpu.wait_dma2 semaphore(%arg13 : memref<!tpu.dma_semaphore, #tpu.memory_space<semaphore_mem>>) src(%dma_wait3A_175 : memref<64x128xf32, #tpu.memory_space<vmem>>) dst(%dma_wait3A_172 : memref<64x128xf32, #tpu.memory_space<hbm>>)
        } else {
        }
        %add3A_155 = arith.constant 1 : i32
        %add3A_156 = arith.addi %add3A_97, %add3A_155 : i32
        %dma_start3A_157 = arith.constant 0 : i32
        %dma_start3A_158 = tpu.memref_slice %arg6[%add3A_156, %dma_start3A_157] : memref<200x128xi32, #tpu.memory_space<vmem>> -> memref<1x128xi32, #tpu.memory_space<vmem>>
        %dma_start3A_159 = tpu.memref_squeeze %dma_start3A_158 : memref<1x128xi32, #tpu.memory_space<vmem>> -> memref<128xi32, #tpu.memory_space<vmem>>
        %dma_start3A_160 = arith.constant 0 : i32
        %dma_start3A_161 = arith.constant 0 : i32
        %dma_start3A_162 = tpu.memref_slice %arg3[%dma_start3A_160, %dma_start3A_161] : memref<200000x64xf32, #tpu.memory_space<hbm>> -> memref<200000x64xf32, #tpu.memory_space<hbm>>
        tpu.enqueue_indirect_dma source(%dma_start3A_162 : memref<200000x64xf32, #tpu.memory_space<hbm>>) target(%arg7 : memref<128x64xf32, #tpu.memory_space<vmem>>) offsets(%dma_start3A_159 : memref<128xi32, #tpu.memory_space<vmem>>) semaphore(%arg12 : memref<!tpu.dma_semaphore, #tpu.memory_space<semaphore_mem>>)
      } else {
      }
      %get3A_111 = arith.index_cast %add3A_97 : i32 to index
      %get3A_112 = arith.constant 0 : index
      %get3A_113 = tpu.vector_load %arg11[%get3A_111, %get3A_112] {strides = array<i32>} : memref<200x64xf32, #tpu.memory_space<vmem>>, vector<16xf32>,
      %parallel_loop3A_114 = arith.constant 0 : i32
      %parallel_loop3A_115 = arith.constant 128 : i32
      %parallel_loop3A_116 = arith.constant 4 : i32
      %parallel_loop3A_117 = scf.for %parallel_loop3A_151 = %parallel_loop3A_114 to %parallel_loop3A_115 step %parallel_loop3A_116 iter_args(%parallel_loop3A_152 = %get3A_113) -> (vector<16xf32>)  : i32 {
        %parallel_loop3A_153 = arith.constant 0 : i32
        %parallel_loop3A_154 = arith.addi %parallel_loop3A_151, %parallel_loop3A_153 : i32
        %parallel_loop3A_155 = arith.index_cast %parallel_loop3A_154 : i32 to index
        %parallel_loop3A_156 = arith.constant 0 : index
        %parallel_loop3A_157 = tpu.vector_load %arg8[%parallel_loop3A_155, %parallel_loop3A_156] {strides = array<i32>} : memref<128x64xf32, #tpu.memory_space<vmem>>, vector<16xf32>,
        %parallel_loop3A_158 = arith.addf %parallel_loop3A_157, %parallel_loop3A_152 : vector<16xf32>
        %parallel_loop3A_159 = vector.broadcast %parallel_loop3A_154 : i32 to vector<16xi32>
        tpu.vector_store_idx %arg10[%add3A_11, %parallel_loop3A_159], %parallel_loop3A_158 : memref<64x137xf32, #tpu.memory_space<vmem>>[vector<16xi32>, vector<16xi32>], vector<16xf32>,
        %parallel_loop3A_160 = arith.constant 1 : i32
        %parallel_loop3A_161 = arith.addi %parallel_loop3A_151, %parallel_loop3A_160 : i32
        %parallel_loop3A_162 = arith.index_cast %parallel_loop3A_161 : i32 to index
        %parallel_loop3A_163 = arith.constant 0 : index
        %parallel_loop3A_164 = tpu.vector_load %arg8[%parallel_loop3A_162, %parallel_loop3A_163] {strides = array<i32>} : memref<128x64xf32, #tpu.memory_space<vmem>>, vector<16xf32>,
        %parallel_loop3A_165 = arith.addf %parallel_loop3A_164, %parallel_loop3A_152 : vector<16xf32>
        %parallel_loop3A_166 = vector.broadcast %parallel_loop3A_161 : i32 to vector<16xi32>
        tpu.vector_store_idx %arg10[%add3A_11, %parallel_loop3A_166], %parallel_loop3A_165 : memref<64x137xf32, #tpu.memory_space<vmem>>[vector<16xi32>, vector<16xi32>], vector<16xf32>,
        %parallel_loop3A_167 = arith.constant 2 : i32
        %parallel_loop3A_168 = arith.addi %parallel_loop3A_151, %parallel_loop3A_167 : i32
        %parallel_loop3A_169 = arith.index_cast %parallel_loop3A_168 : i32 to index
        %parallel_loop3A_170 = arith.constant 0 : index
        %parallel_loop3A_171 = tpu.vector_load %arg8[%parallel_loop3A_169, %parallel_loop3A_170] {strides = array<i32>} : memref<128x64xf32, #tpu.memory_space<vmem>>, vector<16xf32>,
        %parallel_loop3A_172 = arith.addf %parallel_loop3A_171, %parallel_loop3A_152 : vector<16xf32>
        %parallel_loop3A_173 = vector.broadcast %parallel_loop3A_168 : i32 to vector<16xi32>
        tpu.vector_store_idx %arg10[%add3A_11, %parallel_loop3A_173], %parallel_loop3A_172 : memref<64x137xf32, #tpu.memory_space<vmem>>[vector<16xi32>, vector<16xi32>], vector<16xf32>,
        %parallel_loop3A_174 = arith.constant 3 : i32
        %parallel_loop3A_175 = arith.addi %parallel_loop3A_151, %parallel_loop3A_174 : i32
        %parallel_loop3A_176 = arith.index_cast %parallel_loop3A_175 : i32 to index
        %parallel_loop3A_177 = arith.constant 0 : index
        %parallel_loop3A_178 = tpu.vector_load %arg8[%parallel_loop3A_176, %parallel_loop3A_177] {strides = array<i32>} : memref<128x64xf32, #tpu.memory_space<vmem>>, vector<16xf32>,
        %parallel_loop3A_179 = arith.addf %parallel_loop3A_178, %parallel_loop3A_152 : vector<16xf32>
        %parallel_loop3A_180 = vector.broadcast %parallel_loop3A_175 : i32 to vector<16xi32>
        tpu.vector_store_idx %arg10[%add3A_11, %parallel_loop3A_180], %parallel_loop3A_179 : memref<64x137xf32, #tpu.memory_space<vmem>>[vector<16xi32>, vector<16xi32>], vector<16xf32>,
        scf.yield %parallel_loop3A_152 : vector<16xf32>
      } {sc.loop_unroll_factor = 4 : i64, sc.parallel_access}
      %get3A_118 = arith.index_cast %add3A_97 : i32 to index
      %get3A_119 = arith.constant 16 : index
      %get3A_120 = tpu.vector_load %arg11[%get3A_118, %get3A_119] {strides = array<i32>} : memref<200x64xf32, #tpu.memory_space<vmem>>, vector<16xf32>,
      %parallel_loop3A_121 = arith.constant 0 : i32
      %parallel_loop3A_122 = arith.constant 128 : i32
      %parallel_loop3A_123 = arith.constant 4 : i32
      %parallel_loop3A_124 = scf.for %parallel_loop3A_151 = %parallel_loop3A_121 to %parallel_loop3A_122 step %parallel_loop3A_123 iter_args(%parallel_loop3A_152 = %get3A_120) -> (vector<16xf32>)  : i32 {
        %parallel_loop3A_153 = arith.constant 0 : i32
        %parallel_loop3A_154 = arith.addi %parallel_loop3A_151, %parallel_loop3A_153 : i32
        %parallel_loop3A_155 = arith.index_cast %parallel_loop3A_154 : i32 to index
        %parallel_loop3A_156 = arith.constant 16 : index
        %parallel_loop3A_157 = tpu.vector_load %arg8[%parallel_loop3A_155, %parallel_loop3A_156] {strides = array<i32>} : memref<128x64xf32, #tpu.memory_space<vmem>>, vector<16xf32>,
        %parallel_loop3A_158 = arith.addf %parallel_loop3A_157, %parallel_loop3A_152 : vector<16xf32>
        %parallel_loop3A_159 = vector.broadcast %parallel_loop3A_154 : i32 to vector<16xi32>
        tpu.vector_store_idx %arg10[%add3A_15, %parallel_loop3A_159], %parallel_loop3A_158 : memref<64x137xf32, #tpu.memory_space<vmem>>[vector<16xi32>, vector<16xi32>], vector<16xf32>,
        %parallel_loop3A_160 = arith.constant 1 : i32
        %parallel_loop3A_161 = arith.addi %parallel_loop3A_151, %parallel_loop3A_160 : i32
        %parallel_loop3A_162 = arith.index_cast %parallel_loop3A_161 : i32 to index
        %parallel_loop3A_163 = arith.constant 16 : index
        %parallel_loop3A_164 = tpu.vector_load %arg8[%parallel_loop3A_162, %parallel_loop3A_163] {strides = array<i32>} : memref<128x64xf32, #tpu.memory_space<vmem>>, vector<16xf32>,
        %parallel_loop3A_165 = arith.addf %parallel_loop3A_164, %parallel_loop3A_152 : vector<16xf32>
        %parallel_loop3A_166 = vector.broadcast %parallel_loop3A_161 : i32 to vector<16xi32>
        tpu.vector_store_idx %arg10[%add3A_15, %parallel_loop3A_166], %parallel_loop3A_165 : memref<64x137xf32, #tpu.memory_space<vmem>>[vector<16xi32>, vector<16xi32>], vector<16xf32>,
        %parallel_loop3A_167 = arith.constant 2 : i32
        %parallel_loop3A_168 = arith.addi %parallel_loop3A_151, %parallel_loop3A_167 : i32
        %parallel_loop3A_169 = arith.index_cast %parallel_loop3A_168 : i32 to index
        %parallel_loop3A_170 = arith.constant 16 : index
        %parallel_loop3A_171 = tpu.vector_load %arg8[%parallel_loop3A_169, %parallel_loop3A_170] {strides = array<i32>} : memref<128x64xf32, #tpu.memory_space<vmem>>, vector<16xf32>,
        %parallel_loop3A_172 = arith.addf %parallel_loop3A_171, %parallel_loop3A_152 : vector<16xf32>
        %parallel_loop3A_173 = vector.broadcast %parallel_loop3A_168 : i32 to vector<16xi32>
        tpu.vector_store_idx %arg10[%add3A_15, %parallel_loop3A_173], %parallel_loop3A_172 : memref<64x137xf32, #tpu.memory_space<vmem>>[vector<16xi32>, vector<16xi32>], vector<16xf32>,
        %parallel_loop3A_174 = arith.constant 3 : i32
        %parallel_loop3A_175 = arith.addi %parallel_loop3A_151, %parallel_loop3A_174 : i32
        %parallel_loop3A_176 = arith.index_cast %parallel_loop3A_175 : i32 to index
        %parallel_loop3A_177 = arith.constant 16 : index
        %parallel_loop3A_178 = tpu.vector_load %arg8[%parallel_loop3A_176, %parallel_loop3A_177] {strides = array<i32>} : memref<128x64xf32, #tpu.memory_space<vmem>>, vector<16xf32>,
        %parallel_loop3A_179 = arith.addf %parallel_loop3A_178, %parallel_loop3A_152 : vector<16xf32>
        %parallel_loop3A_180 = vector.broadcast %parallel_loop3A_175 : i32 to vector<16xi32>
        tpu.vector_store_idx %arg10[%add3A_15, %parallel_loop3A_180], %parallel_loop3A_179 : memref<64x137xf32, #tpu.memory_space<vmem>>[vector<16xi32>, vector<16xi32>], vector<16xf32>,
        scf.yield %parallel_loop3A_152 : vector<16xf32>
      } {sc.loop_unroll_factor = 4 : i64, sc.parallel_access}
      %get3A_125 = arith.index_cast %add3A_97 : i32 to index
      %get3A_126 = arith.constant 32 : index
      %get3A_127 = tpu.vector_load %arg11[%get3A_125, %get3A_126] {strides = array<i32>} : memref<200x64xf32, #tpu.memory_space<vmem>>, vector<16xf32>,
      %parallel_loop3A_128 = arith.constant 0 : i32
      %parallel_loop3A_129 = arith.constant 128 : i32
      %parallel_loop3A_130 = arith.constant 4 : i32
      %parallel_loop3A_131 = scf.for %parallel_loop3A_151 = %parallel_loop3A_128 to %parallel_loop3A_129 step %parallel_loop3A_130 iter_args(%parallel_loop3A_152 = %get3A_127) -> (vector<16xf32>)  : i32 {
        %parallel_loop3A_153 = arith.constant 0 : i32
        %parallel_loop3A_154 = arith.addi %parallel_loop3A_151, %parallel_loop3A_153 : i32
        %parallel_loop3A_155 = arith.index_cast %parallel_loop3A_154 : i32 to index
        %parallel_loop3A_156 = arith.constant 32 : index
        %parallel_loop3A_157 = tpu.vector_load %arg8[%parallel_loop3A_155, %parallel_loop3A_156] {strides = array<i32>} : memref<128x64xf32, #tpu.memory_space<vmem>>, vector<16xf32>,
        %parallel_loop3A_158 = arith.addf %parallel_loop3A_157, %parallel_loop3A_152 : vector<16xf32>
        %parallel_loop3A_159 = vector.broadcast %parallel_loop3A_154 : i32 to vector<16xi32>
        tpu.vector_store_idx %arg10[%add3A_19, %parallel_loop3A_159], %parallel_loop3A_158 : memref<64x137xf32, #tpu.memory_space<vmem>>[vector<16xi32>, vector<16xi32>], vector<16xf32>,
        %parallel_loop3A_160 = arith.constant 1 : i32
        %parallel_loop3A_161 = arith.addi %parallel_loop3A_151, %parallel_loop3A_160 : i32
        %parallel_loop3A_162 = arith.index_cast %parallel_loop3A_161 : i32 to index
        %parallel_loop3A_163 = arith.constant 32 : index
        %parallel_loop3A_164 = tpu.vector_load %arg8[%parallel_loop3A_162, %parallel_loop3A_163] {strides = array<i32>} : memref<128x64xf32, #tpu.memory_space<vmem>>, vector<16xf32>,
        %parallel_loop3A_165 = arith.addf %parallel_loop3A_164, %parallel_loop3A_152 : vector<16xf32>
        %parallel_loop3A_166 = vector.broadcast %parallel_loop3A_161 : i32 to vector<16xi32>
        tpu.vector_store_idx %arg10[%add3A_19, %parallel_loop3A_166], %parallel_loop3A_165 : memref<64x137xf32, #tpu.memory_space<vmem>>[vector<16xi32>, vector<16xi32>], vector<16xf32>,
        %parallel_loop3A_167 = arith.constant 2 : i32
        %parallel_loop3A_168 = arith.addi %parallel_loop3A_151, %parallel_loop3A_167 : i32
        %parallel_loop3A_169 = arith.index_cast %parallel_loop3A_168 : i32 to index
        %parallel_loop3A_170 = arith.constant 32 : index
        %parallel_loop3A_171 = tpu.vector_load %arg8[%parallel_loop3A_169, %parallel_loop3A_170] {strides = array<i32>} : memref<128x64xf32, #tpu.memory_space<vmem>>, vector<16xf32>,
        %parallel_loop3A_172 = arith.addf %parallel_loop3A_171, %parallel_loop3A_152 : vector<16xf32>
        %parallel_loop3A_173 = vector.broadcast %parallel_loop3A_168 : i32 to vector<16xi32>
        tpu.vector_store_idx %arg10[%add3A_19, %parallel_loop3A_173], %parallel_loop3A_172 : memref<64x137xf32, #tpu.memory_space<vmem>>[vector<16xi32>, vector<16xi32>], vector<16xf32>,
        %parallel_loop3A_174 = arith.constant 3 : i32
        %parallel_loop3A_175 = arith.addi %parallel_loop3A_151, %parallel_loop3A_174 : i32
        %parallel_loop3A_176 = arith.index_cast %parallel_loop3A_175 : i32 to index
        %parallel_loop3A_177 = arith.constant 32 : index
        %parallel_loop3A_178 = tpu.vector_load %arg8[%parallel_loop3A_176, %parallel_loop3A_177] {strides = array<i32>} : memref<128x64xf32, #tpu.memory_space<vmem>>, vector<16xf32>,
        %parallel_loop3A_179 = arith.addf %parallel_loop3A_178, %parallel_loop3A_152 : vector<16xf32>
        %parallel_loop3A_180 = vector.broadcast %parallel_loop3A_175 : i32 to vector<16xi32>
        tpu.vector_store_idx %arg10[%add3A_19, %parallel_loop3A_180], %parallel_loop3A_179 : memref<64x137xf32, #tpu.memory_space<vmem>>[vector<16xi32>, vector<16xi32>], vector<16xf32>,
        scf.yield %parallel_loop3A_152 : vector<16xf32>
      } {sc.loop_unroll_factor = 4 : i64, sc.parallel_access}
      %get3A_132 = arith.index_cast %add3A_97 : i32 to index
      %get3A_133 = arith.constant 48 : index
      %get3A_134 = tpu.vector_load %arg11[%get3A_132, %get3A_133] {strides = array<i32>} : memref<200x64xf32, #tpu.memory_space<vmem>>, vector<16xf32>,
      %parallel_loop3A_135 = arith.constant 0 : i32
      %parallel_loop3A_136 = arith.constant 128 : i32
      %parallel_loop3A_137 = arith.constant 4 : i32
      %parallel_loop3A_138 = scf.for %parallel_loop3A_151 = %parallel_loop3A_135 to %parallel_loop3A_136 step %parallel_loop3A_137 iter_args(%parallel_loop3A_152 = %get3A_134) -> (vector<16xf32>)  : i32 {
        %parallel_loop3A_153 = arith.constant 0 : i32
        %parallel_loop3A_154 = arith.addi %parallel_loop3A_151, %parallel_loop3A_153 : i32
        %parallel_loop3A_155 = arith.index_cast %parallel_loop3A_154 : i32 to index
        %parallel_loop3A_156 = arith.constant 48 : index
        %parallel_loop3A_157 = tpu.vector_load %arg8[%parallel_loop3A_155, %parallel_loop3A_156] {strides = array<i32>} : memref<128x64xf32, #tpu.memory_space<vmem>>, vector<16xf32>,
        %parallel_loop3A_158 = arith.addf %parallel_loop3A_157, %parallel_loop3A_152 : vector<16xf32>
        %parallel_loop3A_159 = vector.broadcast %parallel_loop3A_154 : i32 to vector<16xi32>
        tpu.vector_store_idx %arg10[%add3A_23, %parallel_loop3A_159], %parallel_loop3A_158 : memref<64x137xf32, #tpu.memory_space<vmem>>[vector<16xi32>, vector<16xi32>], vector<16xf32>,
        %parallel_loop3A_160 = arith.constant 1 : i32
        %parallel_loop3A_161 = arith.addi %parallel_loop3A_151, %parallel_loop3A_160 : i32
        %parallel_loop3A_162 = arith.index_cast %parallel_loop3A_161 : i32 to index
        %parallel_loop3A_163 = arith.constant 48 : index
        %parallel_loop3A_164 = tpu.vector_load %arg8[%parallel_loop3A_162, %parallel_loop3A_163] {strides = array<i32>} : memref<128x64xf32, #tpu.memory_space<vmem>>, vector<16xf32>,
        %parallel_loop3A_165 = arith.addf %parallel_loop3A_164, %parallel_loop3A_152 : vector<16xf32>
        %parallel_loop3A_166 = vector.broadcast %parallel_loop3A_161 : i32 to vector<16xi32>
        tpu.vector_store_idx %arg10[%add3A_23, %parallel_loop3A_166], %parallel_loop3A_165 : memref<64x137xf32, #tpu.memory_space<vmem>>[vector<16xi32>, vector<16xi32>], vector<16xf32>,
        %parallel_loop3A_167 = arith.constant 2 : i32
        %parallel_loop3A_168 = arith.addi %parallel_loop3A_151, %parallel_loop3A_167 : i32
        %parallel_loop3A_169 = arith.index_cast %parallel_loop3A_168 : i32 to index
        %parallel_loop3A_170 = arith.constant 48 : index
        %parallel_loop3A_171 = tpu.vector_load %arg8[%parallel_loop3A_169, %parallel_loop3A_170] {strides = array<i32>} : memref<128x64xf32, #tpu.memory_space<vmem>>, vector<16xf32>,
        %parallel_loop3A_172 = arith.addf %parallel_loop3A_171, %parallel_loop3A_152 : vector<16xf32>
        %parallel_loop3A_173 = vector.broadcast %parallel_loop3A_168 : i32 to vector<16xi32>
        tpu.vector_store_idx %arg10[%add3A_23, %parallel_loop3A_173], %parallel_loop3A_172 : memref<64x137xf32, #tpu.memory_space<vmem>>[vector<16xi32>, vector<16xi32>], vector<16xf32>,
        %parallel_loop3A_174 = arith.constant 3 : i32
        %parallel_loop3A_175 = arith.addi %parallel_loop3A_151, %parallel_loop3A_174 : i32
        %parallel_loop3A_176 = arith.index_cast %parallel_loop3A_175 : i32 to index
        %parallel_loop3A_177 = arith.constant 48 : index
        %parallel_loop3A_178 = tpu.vector_load %arg8[%parallel_loop3A_176, %parallel_loop3A_177] {strides = array<i32>} : memref<128x64xf32, #tpu.memory_space<vmem>>, vector<16xf32>,
        %parallel_loop3A_179 = arith.addf %parallel_loop3A_178, %parallel_loop3A_152 : vector<16xf32>
        %parallel_loop3A_180 = vector.broadcast %parallel_loop3A_175 : i32 to vector<16xi32>
        tpu.vector_store_idx %arg10[%add3A_23, %parallel_loop3A_180], %parallel_loop3A_179 : memref<64x137xf32, #tpu.memory_space<vmem>>[vector<16xi32>, vector<16xi32>], vector<16xf32>,
        scf.yield %parallel_loop3A_152 : vector<16xf32>
      } {sc.loop_unroll_factor = 4 : i64, sc.parallel_access}
      %dma_start3A_139 = arith.constant 0 : i32
      %dma_start3A_140 = arith.constant 0 : i32
      %dma_start3A_141 = tpu.memref_slice %arg10[%dma_start3A_139, %dma_start3A_140] : memref<64x137xf32, #tpu.memory_space<vmem>> -> memref<64x128xf32, #tpu.memory_space<vmem>>
      %dma_start3A_142 = arith.constant 0 : i32
      %dma_start3A_143 = tpu.memref_slice %arg5[%add3A_97, %dma_start3A_142, %mul3A_2] : memref<200x64x4096xf32, #tpu.memory_space<hbm>> -> memref<1x64x128xf32, #tpu.memory_space<hbm>>
      %dma_start3A_144 = tpu.memref_squeeze %dma_start3A_143 : memref<1x64x128xf32, #tpu.memory_space<hbm>> -> memref<64x128xf32, #tpu.memory_space<hbm>>
      %dma_start3A_145 = arith.constant 0 : i32
      %dma_start3A_146 = tpu.memref_slice %arg5[%add3A_97, %dma_start3A_145, %mul3A_2] : memref<200x64x4096xf32, #tpu.memory_space<hbm>> -> memref<1x64x128xf32, #tpu.memory_space<hbm>>
      %dma_start3A_147 = tpu.memref_squeeze %dma_start3A_146 : memref<1x64x128xf32, #tpu.memory_space<hbm>> -> memref<64x128xf32, #tpu.memory_space<hbm>>
      %dma_start3A_148 = arith.constant 0 : i32
      %dma_start3A_149 = arith.constant 0 : i32
      %dma_start3A_150 = tpu.memref_slice %arg10[%dma_start3A_148, %dma_start3A_149] : memref<64x137xf32, #tpu.memory_space<vmem>> -> memref<64x128xf32, #tpu.memory_space<vmem>>
      tpu.enqueue_dma source(%dma_start3A_150 : memref<64x128xf32, #tpu.memory_space<vmem>>) target(%dma_start3A_147 : memref<64x128xf32, #tpu.memory_space<hbm>>) target_semaphore(%arg13 : memref<!tpu.dma_semaphore, #tpu.memory_space<semaphore_mem>>)
    }
    %scan3A_28 = arith.constant 100 : i32
    %dma_wait3A = arith.constant 199 : i32
    %dma_wait3A_29 = arith.constant 0 : i32
    %dma_wait3A_30 = arith.constant 0 : i32
    %dma_wait3A_31 = tpu.memref_slice %arg10[%dma_wait3A_29, %dma_wait3A_30] : memref<64x137xf32, #tpu.memory_space<vmem>> -> memref<64x128xf32, #tpu.memory_space<vmem>>
    %dma_wait3A_32 = arith.constant 0 : i32
    %dma_wait3A_33 = tpu.memref_slice %arg5[%dma_wait3A, %dma_wait3A_32, %mul3A_2] : memref<200x64x4096xf32, #tpu.memory_space<hbm>> -> memref<1x64x128xf32, #tpu.memory_space<hbm>>
    %dma_wait3A_34 = tpu.memref_squeeze %dma_wait3A_33 : memref<1x64x128xf32, #tpu.memory_space<hbm>> -> memref<64x128xf32, #tpu.memory_space<hbm>>
    %dma_wait3A_35 = arith.constant 0 : i32
    %dma_wait3A_36 = tpu.memref_slice %arg5[%dma_wait3A, %dma_wait3A_35, %mul3A_2] : memref<200x64x4096xf32, #tpu.memory_space<hbm>> -> memref<1x64x128xf32, #tpu.memory_space<hbm>>
    %dma_wait3A_37 = tpu.memref_squeeze %dma_wait3A_36 : memref<1x64x128xf32, #tpu.memory_space<hbm>> -> memref<64x128xf32, #tpu.memory_space<hbm>>
    %dma_wait3A_38 = arith.constant 0 : i32
    %dma_wait3A_39 = arith.constant 0 : i32
    %dma_wait3A_40 = tpu.memref_slice %arg10[%dma_wait3A_38, %dma_wait3A_39] : memref<64x137xf32, #tpu.memory_space<vmem>> -> memref<64x128xf32, #tpu.memory_space<vmem>>
    tpu.wait_dma2 semaphore(%arg13 : memref<!tpu.dma_semaphore, #tpu.memory_space<semaphore_mem>>) src(%dma_wait3A_40 : memref<64x128xf32, #tpu.memory_space<vmem>>) dst(%dma_wait3A_37 : memref<64x128xf32, #tpu.memory_space<hbm>>)
    return
  }
}

</mosaic_0001>

<sc_bundles>
// kernel: kernel.3.cloned.1.call-start
scs
__scs_entry_jumppad:
0x0: {  	(pc) =	sbr.rel $0x88, $3  }
0x1: {  	(tag) =	ssettag $0x0;
	lr =	simm.s32 $0x1  }
0x2: {  	[smem:$0x3F9F] =	sst lr;
	_ =	strace $0xD0000000  }
0x3: {  	_ = 	snop  }
0x4: {  	_ = 	snop  }
0x5: {  	_ = 	snop  }
0x6: {  	_ = 	snop  }
0x7: {  	_ = 	snop  }
__scs_overlays_trampoline_lowered:
0x8: {  	[smem:$0x3FAE] =	sst s0  }
0x9: {  	[smem:$0x3FAF] =	sst s1  }
0xa: {  	[smem:$0x3FB0] =	sst s2  }
0xb: {  	[smem:$0x3FB1] =	sst s3  }
0xc: {  	[smem:$0x3FB2] =	sst s4  }
0xd: {  	[smem:$0x3FB3] =	sst s5  }
0xe: {  	[smem:$0x3FB4] =	sst s6  }
0xf: {  	[smem:$0x3FB5] =	sst s7  }
0x10: {  	[smem:$0x3FB6] =	sst s8  }
0x11: {  	[smem:$0x3FB7] =	sst s9;
	s0 =	simm.s32 @!p0 $0x0  }
0x12: {  	s1 =	sld [smem:$0x3F9D];
	s0 =	simm.s32 @p0 $0x1  }
0x13: {  	[smem:$0x3FB8] =	sst s0;
	s0 =	simm.s32 @!p1 $0x0  }
0x14: {  	s2 =	sld [smem:$0x3F9C];
	s0 =	simm.s32 @p1 $0x1  }
0x15: {  	[smem:$0x3FB9] =	sst s0;
	s0 =	simm.s32 @!p2 $0x0  }
0x16: {  	s3 =	sld [smem:$0x3FDB];
	s0 =	simm.s32 @p2 $0x1  }
0x17: {  	s4 =	simm.s32 $0x1BF5;
	[smem:$0x3FBB] =	sst s0  }
0x18: {  	s0 =	sld [smem:$0x3F9E];
	_ =	swait.ge [sflag:s4], $0x0  }
0x19: {  	s7 =	sld [smem:$0x3F9F]  }
0x1a: {  	s8 =	sadd.s32 $0xFFFFE003, lr  }
0x1b: {  	s9 =	sadd.s32 $0xFFFFFEF7, lr;
	s5 =	simm.s32 $0xFFFFFFFF;
	p2 =	slt.u32 s8, $0xFFFFF086  }
0x1c: {  	p1 =	slt.u32 s9, $0xF7A;
	s5 =	simm.s32 @!p2 $0x0  }
0x1d: {  	s5 =	simm.s32 @p1 $0x1;
	p0 =	seq.s32 s7, s2  }
0x1e: {  	s7 =	smul.u32 @!p0 $0xF7A, s2;
	p2 =	seq.s32 @!p0 s5, $0x0  }
0x1f: {  	s9 =	smul.u32 $0xF7A, s1;
	s8 =	simm.s32 @!p0 $0x1BF5;
	p2 =	por !p2, p0  }
0x20: {  	[sflag:s8] =	ssyncset.s32 @!p0 $0xFFFFF086;
	s6 =	sadd.s32 @!p0 s3, s7;
	s7 =	simm.s32 @!p0 $0x108  }
0x21: {  	s3 =	sadd.s32 s3, s9;
	s6 =	sadd.s32 @!p0 $0x88, s6;
	s7 =	simm.s32 @p2 $0x1082  }
0x22: {  	[simem:s7], [sflag:s8] =	dma.local @!p0 [hbm:s6], $0xF7A  }
0x23: {  	s9 =	sor.u32 $0xD0000000, s2;
	s6 =	simm.s32 $0x108;
	_ =	swait.ge @!p0 [sflag:s8], $0x0  }
0x24: {  	s3 =	sadd.s32 $0x88, s3;
	s6 =	simm.s32 @!p1 $0x1082;
	[sflag:s4] =	ssyncset.s32 $0xFFFFF086  }
0x25: {  	[simem:s6], [sflag:s4] =	dma.local [hbm:s3], $0xF7A  }
0x26: {  	[smem:$0x3F9F] =	sst s1;
	(tag) =	ssettag s2;
	_ =	strace s9  }
0x27: {  	s1 =	sld [smem:$0x3FAF]  }
0x28: {  	s2 =	sld [smem:$0x3FB0]  }
0x29: {  	s4 =	sld [smem:$0x3FB2]  }
0x2a: {  	p0 =	seq.s32 s5, $0x0;
	s5 =	sld [smem:$0x3FB3]  }
0x2b: {  	s6 =	sld [smem:$0x3FB4]  }
0x2c: {  	s7 =	sld [smem:$0x3FB5]  }
0x2d: {  	s3 =	simm.s32 $0x108;
	s8 =	sld [smem:$0x3FB6]  }
0x2e: {  	s3 =	simm.s32 @!p0 $0x1082;
	s9 =	sld [smem:$0x3FB7]  }
0x2f: {  	lr =	sadd.s32 s0, s3;
	s0 =	sld [smem:$0x3FAE]  }
0x30: {  	s3 =	sld [smem:$0x3FB1]  }
0x31: {  	[smem:$0x3FBA] =	sst s10  }
0x32: {  	s10 =	sld [smem:$0x3FB8];
	_ =	sdelay $0x3  }
0x33: {  	p0 =	seq.s32 s10, $0x1;
	s10 =	sld [smem:$0x3FBA];
	_ =	sdelay $0x3  }
0x34: {  	[smem:$0x3FBA] =	sst s10  }
0x35: {  	s10 =	sld [smem:$0x3FB9];
	_ =	sdelay $0x3  }
0x36: {  	p1 =	seq.s32 s10, $0x1;
	s10 =	sld [smem:$0x3FBA];
	_ =	sdelay $0x3  }
0x37: {  	[smem:$0x3FBA] =	sst s10  }
0x38: {  	s10 =	sld [smem:$0x3FBB]  }
0x39: {  	_ = 	snop;
	(pc) =	sbr.ind lr, $3  }
0x3a: {  	_ = 	snop  }
0x3b: {  	_ = 	snop  }
0x3c: {  	p2 =	seq.s32 s10, $0x1;
	s10 =	sld [smem:$0x3FBA]  }
0x3d: {  	_ =	shalt  }
0x3e: {  	_ =	shalt  }
0x3f: {  	_ =	shalt  }
0x40: {  	_ =	shalt  }
0x41: {  	_ =	shalt  }
0x42: {  	_ =	shalt  }
0x43: {  	_ =	shalt  }
0x44: {  	_ =	shalt  }
0x45: {  	_ =	shalt  }
0x46: {  	_ =	shalt  }
0x47: {  	_ =	shalt  }
0x48: {  	_ =	shalt  }
0x49: {  	_ =	shalt  }
0x4a: {  	_ =	shalt  }
0x4b: {  	_ =	shalt  }
0x4c: {  	_ =	shalt  }
0x4d: {  	_ =	shalt  }
0x4e: {  	_ =	shalt  }
0x4f: {  	_ =	shalt  }
0x50: {  	_ =	shalt  }
0x51: {  	_ =	shalt  }
0x52: {  	_ =	shalt  }
0x53: {  	_ =	shalt  }
0x54: {  	_ =	shalt  }
0x55: {  	_ =	shalt  }
0x56: {  	_ =	shalt  }
0x57: {  	_ =	shalt  }
0x58: {  	_ =	shalt  }
0x59: {  	_ =	shalt  }
0x5a: {  	_ =	shalt  }
0x5b: {  	_ =	shalt  }
0x5c: {  	_ =	shalt  }
0x5d: {  	_ =	shalt  }
0x5e: {  	_ =	shalt  }
0x5f: {  	_ =	shalt  }
0x60: {  	_ =	shalt  }
0x61: {  	_ =	shalt  }
0x62: {  	_ =	shalt  }
0x63: {  	_ =	shalt  }
0x64: {  	_ =	shalt  }
0x65: {  	_ =	shalt  }
0x66: {  	_ =	shalt  }
0x67: {  	_ =	shalt  }
0x68: {  	_ =	shalt  }
0x69: {  	_ =	shalt  }
0x6a: {  	_ =	shalt  }
0x6b: {  	_ =	shalt  }
0x6c: {  	_ =	shalt  }
0x6d: {  	_ =	shalt  }
0x6e: {  	_ =	shalt  }
0x6f: {  	_ =	shalt  }
0x70: {  	_ =	shalt  }
0x71: {  	_ =	shalt  }
0x72: {  	_ =	shalt  }
0x73: {  	_ =	shalt  }
0x74: {  	_ =	shalt  }
0x75: {  	_ =	shalt  }
0x76: {  	_ =	shalt  }
0x77: {  	_ =	shalt  }
0x78: {  	_ =	shalt  }
0x79: {  	_ =	shalt  }
0x7a: {  	_ =	shalt  }
0x7b: {  	_ =	shalt  }
0x7c: {  	_ =	shalt  }
0x7d: {  	_ =	shalt  }
0x7e: {  	_ =	shalt  }
0x7f: {  	_ =	shalt  }
0x80: {  	_ =	shalt  }
0x81: {  	_ =	shalt  }
0x82: {  	_ =	shalt  }
0x83: {  	_ =	shalt  }
0x84: {  	_ =	shalt  }
0x85: {  	_ =	shalt  }
0x86: {  	_ =	shalt  }
0x87: {  	_ =	shalt  }
.Lfunc_end0:
.L_simem_size_0:
called_computation_lowered:
.L_overlay_start_0:
0x88: {  	s2 =	sld [smem:$0x3FD9]  }
0x89: {  	s3 =	sld [smem:$0x3FFE];
	_ =	sdelay $0x1  }
0x8a: {  	s1 =	srdreg.scid  }
0x8b: {  	s0 =	sand.u32 $0x1, s1  }
0x8c: {  	s16 =	sshll.u32 s0, $0xA;
	s2 =	sadd.s32 s3, s2  }
0x8d: {  	s2 =	sadd.s32 s2, s16  }
0x8e: {  	[smem:$0x3FC6] =	sst s2  }
0x8f: {  	_ = 	snop  }
0x90: {  	(tm) =	ssettm $0x1  }
0x91: {  	s17 =	sld [smem:$0x3FFB];
	_ =	sdelay $0x3  }
0x92: {  	_ =	strace s17  }
0x93: {  	s2 =	sld [smem:$0x3FFC];
	_ =	sdelay $0x3  }
0x94: {  	_ =	strace s2  }
0x95: {  	s2 =	sld [smem:$0x3FFD];
	_ =	sdelay $0x3  }
0x96: {  	_ =	strace s2  }
0x97: {  	_ =	strace $0x8FFFFFFF  }
0x98: {  	s18 =	sld [smem:$0x3FDB];
	_ =	sdelay $0x1  }
0x99: {  	s19 =	simm.s32 $_scs_section_size  }
0x9a: {  	s4 =	simm.s32 $_size__tile_overlayer_lowered;
	s5 =	simm.s32 $_tile_overlayer_lowered  }
0x9b: {  	s22 =	simm.s32 $0x1BFF;
	s21 =	sshll.u32 s5, $0x1;
	s2 =	sadd.s32 s19, s18  }
0x9c: {  	s6 =	simm.s32 $0x0;
	s20 =	sshll.u32 s4, $0x1;
	s4 =	sadd.s32 s21, s2  }
0x9d: {  	[timem:s6], [sflag:s22] =	dma.local [hbm:s4], s20  }
0x9e: {  	_ =	swait.ge [sflag:s22], s20  }
0x9f: {  	s3 =	ssub.s32 $0x0, s20;
	[sflag:s22] =	ssyncset.done $0x0  }
0xa0: {  	[sflag:s22] =	ssyncadd.s32 s3;
	_ =	sdelay $0x1  }
0xa1: {  	s23 =	simm.s32 $0x1B8B  }
0xa2: {  	_ =	swait.ge [sflag:s23], $0x1  }
0xa3: {  	[sflag:s23] =	ssyncset.done $0x0  }
0xa4: {  	s25 =	simm.s32 $0x1B8E;
	s24 =	sld [smem:$0x3FFE];
	[sflag:s23] =	ssyncadd.s32 $0xFFFFFFFF  }
0xa5: {  	s26 =	simm.s32 $execute0_lowered;
	[smem:$0x3FD2] =	sst s25  }
0xa6: {  	s4 =	sshll.u32 s26, $0x1;
	_ =	strace $0x80000046;
	[dreg:$0x1] =	wrdreg $0xFFFFFFFF  }
0xa7: {  	s28 =	simm.s32 $_size_execute0_lowered;
	s2 =	sadd.s32 s2, s4;
	[dreg:$0x0] =	wrdreg $0x0  }
0xa8: {  	s4 =	sshll.u32 s28, $0x1;
	[dreg:$0x2] =	wrdreg s2  }
0xa9: {  	[dreg:$0x3] =	wrdreg s4  }
0xaa: {  	[dreg:$0x4] =	wrdreg $0xC0  }
0xab: {  	_ =	task [dreg:s6], $0x5FFFF  }
0xac: {  	[dreg:$0x1] =	wrdreg $0xFFFFFFFF  }
0xad: {  	[dreg:$0x0] =	wrdreg $0x60  }
0xae: {  	[dreg:$0x2] =	wrdreg s24  }
0xaf: {  	[dreg:$0x3] =	wrdreg $0x9  }
0xb0: {  	_ =	task.clear_ibuf [dreg:s6], $0x4FFFF;
	_ =	strace $0x90000046  }
0xb1: {  	s29 =	simm.s32 $0x9;
	_ =	strace $0x80000048  }
0xb2: {  	_ =	swait.ge [sflag:s29], $0x1  }
0xb3: {  	[sflag:s29] =	ssyncadd.s32 $0xFFFFFFFF  }
0xb4: {  	_ =	strace $0x90000048  }
0xb5: {  	_ =	sfence  }
0xb6: {  	s30 =	sld [smem:$0x0];
	_ =	sdelay $0x2  }
0xb7: {  	s31 =	sshll.u32 s1, $0xD;
	s1 =	sshrl.u32 s1, $0x2  }
0xb8: {  	s3 =	sand.u32 $0x4000, s31;
	s1 =	sadd.s32 s1, s30  }
0xb9: {  	s0 =	sor.u32 s3, s0;
	s1 =	sshll.u32 s1, $0x11  }
0xba: {  	s0 =	sor.u32 s1, s0  }
0xbb: {  	s0 =	sadd.s32 $0x8F2B, s0  }
0xbc: {  	[sflag:s0] =	ssyncadd.remote.s32 $0x1  }
0xbd: {  	_ =	sfence.sel $0xFFFF  }
0xbe: {  	[dreg:$0x0] =	wrdreg $0xFFFFFFFF;
	(pc) =	sbr.abs _section_cstart, $3  }
0xbf: {  	[dreg:$0x1] =	wrdreg $0xFFFFFFFF  }
0xc0: {  	_ =	task.clear_ibuf [dreg:s6], $0x2FFFF;
	_ =	strace $0x9FFFFFFF  }
0xc1: {  	(tm) =	ssettm $0x7FFFFFFF  }
tec
execute0_lowered:
.L_overlay_start_1:
0x0: {  	(tag) =	ssettag $0x1  }
0x1: {  	v0 =	vlaneseq.u32  }
0x2: {  	v0 =	vmul.u32 $0x90, v0  }
0x3: {  	v1 =	vimm.s32 $0x0;
	vm0 =	vcmask $0x300  }
0x4: {  	s1 =	rddreg [dreg:$0x0];
	s3 =	srdreg.scid;
	v1 =	vsel vm0, $0x3, v1;
	v2 =	vor.u32 $0x1, v0  }
0x5: {  	s0 =	rddreg [dreg:$0x1];
	s2 =	stileid.u32;
	v3 =	vor.u32 $0x2, v0;
	v4 =	vor.u32 $0x3, v0;
	v5 =	vor.u32 $0x4, v0  }
0x6: {  	s10 =	simm.s32 $0x3;
	s11 =	simm.s32 $0x80;
	s12 =	simm.s32 $0x1000;
	v6 =	vor.u32 $0x5, v0;
	v7 =	vor.u32 $0x6, v0;
	v8 =	vor.u32 $0x7, v0  }
0x7: {  	s13 =	simm.s32 $0x6400;
	s14 =	simm.s32 $0x1;
	s15 =	simm.s32 $0x8400;
	v9 =	vadd.s32 $0x900, v0;
	v10 =	vadd.s32 $0x901, v0;
	v11 =	vadd.s32 $0x902, v0  }
0x8: {  	s16 =	simm.s32 $0xA400;
	s17 =	simm.s32 $0xC800;
	s18 =	simm.s32 $0x2;
	v12 =	vadd.s32 $0x903, v0;
	v13 =	vadd.s32 $0x904, v0;
	v14 =	vadd.s32 $0x905, v0  }
0x9: {  	s19 =	simm.s32 $0x0;
	s5 =	sand.u32 $0x1, s3;
	s3 =	simm.s32 $0x0;
	v15 =	vadd.s32 $0x906, v0;
	v16 =	vadd.s32 $0x907, v0;
	v17 =	vadd.s32 $0x1200, v0  }
0xa: {  	s4 =	sshll.u32 s2, $0x8;
	s6 =	sshll.u32 s5, $0x7;
	[smem:$0x7FF] =	sst s3;
	v18 =	vadd.s32 $0x1201, v0;
	v19 =	vadd.s32 $0x1202, v0;
	v20 =	vadd.s32 $0x1203, v0  }
0xb: {  	s7 =	ssub.s32 $0x2, s5;
	s5 =	sadd.s32 $0x19800, s1;
	s4 =	sor.u32 s6, s4;
	v21 =	vadd.s32 $0x1204, v0;
	v22 =	vadd.s32 $0x1205, v0;
	v23 =	vadd.s32 $0x1206, v0  }
0xc: {  	_ =	strace $0x80000047;
	s9 =	sshrl.u32 s7, $0x1;
	v24 =	vadd.s32 $0x1207, v0;
	v25 =	vadd.s32 $0x1B00, v0;
	v26 =	vadd.s32 $0x1B01, v0;
	s6 =	sshrl.u32 s4, $0x3  }
0xd: {  	v27 =	vadd.s32 $0x1B02, v0;
	v28 =	vadd.s32 $0x1B03, v0;
	v29 =	vadd.s32 $0x1B04, v0;
	s9 =	ssub.s32 s7, s9;
	s8 =	sadd.s32 s6, s1;
	s6 =	sadd.s32 $0x1A0200, s1  }
0xe: {  	v30 =	vadd.s32 $0x1B05, v0;
	v31 =	vadd.s32 $0x1B06, v0;
	v32 =	vadd.s32 $0x1B07, v0;
	s7 =	sadd.s32 $0x800, s8;
	s8 =	smax.u32 s9, $0x1;
	s9 =	simm.s32 $0xEC00  }
.LBB2_1:
0xf: {  	[tilespmem:s9], [sflag:$0x3] =	stream.linear.gather [hbm4b:s1+s3], $0x3200, $0x38;
	[tilespmem:$0x11E00] =	vst v63  }
0x10: {  	_ =	swait.ge [sflag:s10], $0x3200  }
0x11: {  	[sflag:s10] =	ssyncset.done $0x0  }
0x12: {  	[sflag:s10] =	ssyncadd.s32 $0xFFFFCE00  }
0x13: {  	[tilespmem:s3], [sflag:$0x3] =	stream.strided.gather [hbm4b:s7+s11], $0x6400, s12, s11, $0x38;
	[tilespmem:$0x11E00] =	vst v63  }
0x14: {  	_ =	swait.ge [sflag:s10], $0x6400  }
0x15: {  	[sflag:s10] =	ssyncset.done $0x0  }
0x16: {  	s20 =	simm.s32 $0x0;
	[sflag:s10] =	ssyncadd.s32 $0xFFFF9C00  }
0x17: {  	[tilespmem:s13], [sflag:$0x1] =	stream.indirect.gather [hbm4b:s5+s11], $0x40, s3, s11, $0xb8;
	[tilespmem:$0x11E00] =	vst v63  }
.LBB2_2:
0x18: {  	_ =	swait.ge [sflag:s14], $0x2000;
	p0 =	seq.s32 s20, $0x0  }
0x19: {  	s21 =	sshllo.u32 s20, $0x1;
	s28 =	simm.s32 $0xC;
	[sflag:s14] =	ssyncset.done $0x0  }
0x1a: {  	s29 =	sshll.u32 s20, $0x7;
	s22 =	simm.s32 @!p0 $0x2;
	[sflag:s14] =	ssyncadd.s32 $0xFFFFE000  }
0x1b: {  	s24 =	simm.s32 $0x0;
	s25 =	simm.s32 $0x4;
	_ =	swait.ge @!p0 [sflag:s22], $0x2000  }
0x1c: {  	s30 =	simm.s32 $0x8;
	s23 =	sshll.u32 s21, $0x7;
	[sflag:s22] =	ssyncset.done @!p0 $0x0  }
0x1d: {  	v33 =	vmov s28;
	s26 =	sand.u32 $0x3FFFFF80, s23;
	[sflag:s22] =	ssyncadd.s32 @!p0 $0xFFFFE000;
	s22 =	sand.u32 $0x3FFFFF80, s29  }
0x1e: {  	v34 =	vmov s24;
	v35 =	vmov s25;
	v36 =	vshrl.u32 v33, $0x3;
	[tilespmem:s15], [sflag:$0x1] =	stream.indirect.gather [hbm4b:s5+s11], $0x40, s26, s11, $0xb8;
	[tilespmem:$0x11E00] =	vst v63  }
0x1f: {  	v37 =	vmov s30;
	s23 =	simm.s32 $0x6600;
	v35 =	vshrl.u32 v35, $0x3;
	v36 =	vshll.u32 v36, v1;
	v33 =	vld [tilespmem:s22+$0xEC00]  }
0x20: {  	v37 =	vshrl.u32 v37, $0x3;
	v35 =	vshll.u32 v35, v1;
	v36 =	vbroadcast v36, $0x0;
	v38 =	vld [tilespmem:s23+$0x100]  }
0x21: {  	v34 =	vshrl.u32 v34, $0x3;
	v37 =	vshll.u32 v37, v1;
	v35 =	vbroadcast v35, $0x0;
	v39 =	vld [tilespmem:s23+$0xFFFFFF00]  }
0x22: {  	s31 =	simm.s32 $0x1;
	v34 =	vshll.u32 v34, v1;
	v37 =	vbroadcast v37, $0x0;
	v36 =	vadd.s32 v5, v36;
	v40 =	vld [tilespmem:s23+$0x0]  }
0x23: {  	v42 =	vmov s31;
	s25 =	simm.s32 $0x5;
	s28 =	simm.s32 $0xD;
	v34 =	vbroadcast v34, $0x0;
	v35 =	vadd.s32 v5, v35;
	v41 =	vld [tilespmem:s23+$0xFFFFFE00]  }
0x24: {  	v43 =	vmov s25;
	v45 =	vmov s28;
	v37 =	vadd.s32 v0, v37  }
0x25: {  	v45 =	vshrl.u32 v45, $0x3;
	v34 =	vadd.s32 v0, v34;
	v38 =	vadd.f32 v38, v33  }
0x26: {  	v43 =	vshrl.u32 v43, $0x3;
	v50 =	vshll.u32 v45, v1;
	s26 =	simm.s32 $0x9;
	v39 =	vadd.f32 v39, v33  }
0x27: {  	v52 =	vshll.u32 v43, v1;
	v44 =	vmov s26;
	v40 =	vadd.f32 v40, v33;
	[tilespmem:v36+s16+$0x0] =	vst.idx.msk $0xffff, v38  }
0x28: {  	v44 =	vshrl.u32 v44, $0x3;
	v51 =	vadd.f32 v41, v33;
	[tilespmem:v35+s16+$0x0] =	vst.idx.msk $0xffff, v39;
	v36 =	vbroadcast v50, $0x0;
	v53 =	vld [tilespmem:s23+$0x140]  }
0x29: {  	v54 =	vshrl.u32 v42, $0x3;
	v56 =	vshll.u32 v44, v1;
	v35 =	vbroadcast v52, $0x0;
	[tilespmem:v37+s16+$0x0] =	vst.idx.msk $0xffff, v40;
	v55 =	vld [tilespmem:s23+$0xFFFFFF40]  }
0x2a: {  	s30 =	simm.s32 $0x6;
	v57 =	vshll.u32 v54, v1;
	[tilespmem:v34+s16+$0x0] =	vst.idx.msk $0xffff, v51;
	v37 =	vbroadcast v56, $0x0;
	v58 =	vld [tilespmem:s23+$0x40];
	v36 =	vadd.s32 v6, v36  }
0x2b: {  	s31 =	simm.s32 $0xA;
	v61 =	vmov s30;
	s25 =	simm.s32 $0xE;
	v34 =	vbroadcast v57, $0x0;
	v59 =	vld [tilespmem:s23+$0xFFFFFE40];
	v35 =	vadd.s32 v6, v35  }
0x2c: {  	v62 =	vmov s31;
	v63 =	vmov s25;
	v37 =	vadd.s32 v2, v37  }
0x2d: {  	v45 =	vshrl.u32 v63, $0x3;
	v34 =	vadd.s32 v2, v34;
	v39 =	vadd.f32 v53, v33  }
0x2e: {  	v43 =	vshrl.u32 v61, $0x3;
	s29 =	simm.s32 $0x2;
	v46 =	vshll.u32 v45, v1;
	v42 =	vadd.f32 v55, v33  }
0x2f: {  	v48 =	vshll.u32 v43, v1;
	v60 =	vmov s29;
	v38 =	vadd.f32 v58, v33;
	[tilespmem:v36+s16+$0x0] =	vst.idx.msk $0xffff, v39  }
0x30: {  	v44 =	vshrl.u32 v62, $0x3;
	v47 =	vadd.f32 v59, v33;
	[tilespmem:v35+s16+$0x0] =	vst.idx.msk $0xffff, v42;
	v36 =	vbroadcast v46, $0x0;
	v49 =	vld [tilespmem:s23+$0x180]  }
0x31: {  	v41 =	vshrl.u32 v60, $0x3;
	v50 =	vshll.u32 v44, v1;
	v35 =	vbroadcast v48, $0x0;
	[tilespmem:v37+s16+$0x0] =	vst.idx.msk $0xffff, v38;
	v42 =	vld [tilespmem:s23+$0xFFFFFF80]  }
0x32: {  	s29 =	simm.s32 $0xB;
	v51 =	vshll.u32 v41, v1;
	[tilespmem:v34+s16+$0x0] =	vst.idx.msk $0xffff, v47;
	v37 =	vbroadcast v50, $0x0;
	v38 =	vld [tilespmem:s23+$0x80];
	v36 =	vadd.s32 v7, v36  }
0x33: {  	s26 =	simm.s32 $0x3;
	v54 =	vmov s29;
	v34 =	vbroadcast v51, $0x0;
	v39 =	vld [tilespmem:s23+$0xFFFFFE80];
	v35 =	vadd.s32 v7, v35  }
0x34: {  	s30 =	simm.s32 $0xF;
	v52 =	vmov s26;
	v44 =	vshrl.u32 v54, $0x3;
	v37 =	vadd.s32 v3, v37  }
0x35: {  	s28 =	simm.s32 $0x7;
	v55 =	vmov s30;
	v34 =	vadd.s32 v3, v34;
	v40 =	vadd.f32 v49, v33  }
0x36: {  	v53 =	vmov s28;
	v45 =	vshrl.u32 v55, $0x3;
	v42 =	vadd.f32 v42, v33  }
0x37: {  	v41 =	vshrl.u32 v53, $0x3;
	v45 =	vshll.u32 v45, v1;
	v38 =	vadd.f32 v38, v33;
	[tilespmem:v36+s16+$0x0] =	vst.idx.msk $0xffff, v40  }
0x38: {  	v57 =	vshll.u32 v41, v1;
	v58 =	vbroadcast v45, $0x0;
	v56 =	vadd.f32 v39, v33;
	[tilespmem:v35+s16+$0x0] =	vst.idx.msk $0xffff, v42;
	v41 =	vld [tilespmem:s23+$0x1C0]  }
0x39: {  	v61 =	vshll.u32 v44, v1;
	v59 =	vshrl.u32 v52, $0x3;
	v60 =	vbroadcast v57, $0x0;
	[tilespmem:v37+s16+$0x0] =	vst.idx.msk $0xffff, v38;
	v42 =	vld [tilespmem:s23+$0xFFFFFFC0]  }
0x3a: {  	s31 =	simm.s32 $0x14;
	v63 =	vbroadcast v61, $0x0;
	v62 =	vshll.u32 v59, v1;
	v35 =	vadd.s32 v8, v58;
	[tilespmem:v34+s16+$0x0] =	vst.idx.msk $0xffff, v56;
	v34 =	vld [tilespmem:s23+$0xC0]  }
0x3b: {  	s24 =	simm.s32 $0x10;
	s26 =	simm.s32 $0x18;
	v44 =	vmov s31;
	v39 =	vbroadcast v62, $0x0;
	v37 =	vadd.s32 v8, v60;
	v36 =	vld [tilespmem:s23+$0xFFFFFEC0]  }
0x3c: {  	s25 =	simm.s32 $0x20;
	v43 =	vmov s26;
	s26 =	simm.s32 $0x1C;
	v40 =	vmov s24;
	v38 =	vadd.s32 v4, v63  }
.LBB2_3:
0x3d: {  	p0 =	slt.u32 s25, $0x70;
	v45 =	vmov s26;
	v39 =	vadd.s32 v4, v39;
	v41 =	vadd.f32 v41, v33  }
0x3e: {  	v44 =	vshrl.u32 v44, $0x3;
	v45 =	vshrl.u32 v45, $0x3;
	v42 =	vadd.f32 v42, v33  }
0x3f: {  	v43 =	vshrl.u32 v43, $0x3;
	s23 =	sadd.s32 $0x400, s23;
	v45 =	vshll.u32 v45, v1;
	v34 =	vadd.f32 v34, v33;
	[tilespmem:v35+s16+$0x0] =	vst.idx.msk $0xffff, v41  }
0x40: {  	v35 =	vshll.u32 v44, v1;
	v41 =	vld [tilespmem:s23+$0x100];
	v44 =	vbroadcast v45, $0x0;
	v36 =	vadd.f32 v36, v33;
	[tilespmem:v37+s16+$0x0] =	vst.idx.msk $0xffff, v42  }
0x41: {  	v37 =	vshrl.u32 v40, $0x3;
	v35 =	vbroadcast v35, $0x0;
	v42 =	vshll.u32 v43, v1;
	v40 =	vld [tilespmem:s23+$0xFFFFFF00];
	[tilespmem:v38+s16+$0x0] =	vst.idx.msk $0xffff, v34  }
0x42: {  	s26 =	sadd.s32 $0x1, s24;
	v34 =	vshll.u32 v37, v1;
	v38 =	vbroadcast v42, $0x0;
	v37 =	vld [tilespmem:s23+$0x0];
	v42 =	vadd.s32 v5, v44;
	[tilespmem:v39+s16+$0x0] =	vst.idx.msk $0xffff, v36  }
0x43: {  	s28 =	sadd.s32 $0x9, s24;
	v34 =	vbroadcast v34, $0x0;
	v39 =	vmov s26;
	v35 =	vadd.s32 v5, v35;
	s26 =	sadd.s32 $0x5, s24;
	v36 =	vld [tilespmem:s23+$0xFFFFFE00]  }
0x44: {  	v44 =	vmov s28;
	v43 =	vmov s26;
	v38 =	vadd.s32 v0, v38;
	s26 =	sadd.s32 $0xD, s24  }
0x45: {  	v34 =	vadd.s32 v0, v34;
	v45 =	vmov s26;
	v41 =	vadd.f32 v41, v33  }
0x46: {  	v43 =	vshrl.u32 v43, $0x3;
	v45 =	vshrl.u32 v45, $0x3;
	v40 =	vadd.f32 v40, v33  }
0x47: {  	v44 =	vshrl.u32 v44, $0x3;
	v37 =	vadd.f32 v37, v33;
	[tilespmem:v42+s16+$0x0] =	vst.idx.msk $0xffff, v41;
	v41 =	vshll.u32 v45, v1  }
0x48: {  	v36 =	vadd.f32 v36, v33;
	[tilespmem:v35+s16+$0x0] =	vst.idx.msk $0xffff, v40;
	v35 =	vshll.u32 v43, v1;
	v40 =	vld [tilespmem:s23+$0x140];
	v41 =	vbroadcast v41, $0x0  }
0x49: {  	v39 =	vshrl.u32 v39, $0x3;
	v42 =	vld [tilespmem:s23+$0xFFFFFF40];
	v35 =	vbroadcast v35, $0x0;
	[tilespmem:v38+s16+$0x0] =	vst.idx.msk $0xffff, v37;
	v37 =	vshll.u32 v44, v1  }
0x4a: {  	s26 =	sadd.s32 $0x2, s24;
	[tilespmem:v34+s16+$0x0] =	vst.idx.msk $0xffff, v36;
	v34 =	vshll.u32 v39, v1;
	v36 =	vld [tilespmem:s23+$0x40];
	v37 =	vbroadcast v37, $0x0;
	v38 =	vadd.s32 v6, v41  }
0x4b: {  	s28 =	sadd.s32 $0xA, s24;
	v41 =	vmov s26;
	s26 =	sadd.s32 $0x6, s24;
	v39 =	vld [tilespmem:s23+$0xFFFFFE40];
	v34 =	vbroadcast v34, $0x0;
	v35 =	vadd.s32 v6, v35  }
0x4c: {  	v44 =	vmov s28;
	v43 =	vmov s26;
	s26 =	sadd.s32 $0xE, s24;
	v37 =	vadd.s32 v2, v37  }
0x4d: {  	v45 =	vmov s26;
	v34 =	vadd.s32 v2, v34;
	v40 =	vadd.f32 v40, v33  }
0x4e: {  	v43 =	vshrl.u32 v43, $0x3;
	v45 =	vshrl.u32 v45, $0x3;
	v42 =	vadd.f32 v42, v33  }
0x4f: {  	v44 =	vshrl.u32 v44, $0x3;
	v36 =	vadd.f32 v36, v33;
	[tilespmem:v38+s16+$0x0] =	vst.idx.msk $0xffff, v40;
	v38 =	vshll.u32 v45, v1  }
0x50: {  	v39 =	vadd.f32 v39, v33;
	[tilespmem:v35+s16+$0x0] =	vst.idx.msk $0xffff, v42;
	v35 =	vshll.u32 v43, v1;
	v40 =	vld [tilespmem:s23+$0x180];
	v38 =	vbroadcast v38, $0x0  }
0x51: {  	v41 =	vshrl.u32 v41, $0x3;
	v42 =	vld [tilespmem:s23+$0xFFFFFF80];
	v35 =	vbroadcast v35, $0x0;
	[tilespmem:v37+s16+$0x0] =	vst.idx.msk $0xffff, v36;
	v36 =	vshll.u32 v44, v1  }
0x52: {  	s26 =	sadd.s32 $0x3, s24;
	[tilespmem:v34+s16+$0x0] =	vst.idx.msk $0xffff, v39;
	v34 =	vshll.u32 v41, v1;
	v37 =	vld [tilespmem:s23+$0x80];
	v36 =	vbroadcast v36, $0x0;
	v38 =	vadd.s32 v7, v38  }
0x53: {  	s28 =	sadd.s32 $0xB, s24;
	v43 =	vmov s26;
	s26 =	sadd.s32 $0x7, s24;
	v39 =	vld [tilespmem:s23+$0xFFFFFE80];
	v34 =	vbroadcast v34, $0x0;
	v35 =	vadd.s32 v7, v35  }
0x54: {  	v44 =	vmov s28;
	v41 =	vmov s26;
	s26 =	sadd.s32 $0xF, s24;
	s24 =	smov.u32 s25;
	v36 =	vadd.s32 v3, v36  }
0x55: {  	v45 =	vmov s26;
	v34 =	vadd.s32 v3, v34;
	v40 =	vadd.f32 v40, v33  }
0x56: {  	v41 =	vshrl.u32 v41, $0x3;
	v45 =	vshrl.u32 v45, $0x3;
	v42 =	vadd.f32 v42, v33  }
0x57: {  	v44 =	vshrl.u32 v44, $0x3;
	v37 =	vadd.f32 v37, v33;
	[tilespmem:v38+s16+$0x0] =	vst.idx.msk $0xffff, v40;
	v38 =	vshll.u32 v45, v1  }
.Ltmp0:
0x58: {  	v39 =	vadd.f32 v39, v33;
	[tilespmem:v35+s16+$0x0] =	vst.idx.msk $0xffff, v42;
	v35 =	vshll.u32 v41, v1;
	v41 =	vld [tilespmem:s23+$0x1C0];
	v38 =	vbroadcast v38, $0x0;
	(pc) =	sbr.rel @p0 .LBB2_3-.Ltmp0, $4  }
0x59: {  	v40 =	vshrl.u32 v43, $0x3;
	v42 =	vld [tilespmem:s23+$0xFFFFFFC0];
	v43 =	vbroadcast v35, $0x0;
	[tilespmem:v36+s16+$0x0] =	vst.idx.msk $0xffff, v37;
	v35 =	vshll.u32 v44, v1  }
0x5a: {  	v37 =	vshll.u32 v40, v1;
	[tilespmem:v34+s16+$0x0] =	vst.idx.msk $0xffff, v39;
	v34 =	vld [tilespmem:s23+$0xC0];
	v45 =	vbroadcast v35, $0x0;
	v35 =	vadd.s32 v8, v38  }
0x5b: {  	s28 =	sadd.s32 $0x8, s25;
	s26 =	sadd.s32 $0x4, s25;
	v40 =	vmov s25;
	v39 =	vbroadcast v37, $0x0;
	v36 =	vld [tilespmem:s23+$0xFFFFFEC0];
	v37 =	vadd.s32 v8, v43  }
0x5c: {  	v44 =	vmov s26;
	s26 =	sadd.s32 $0xC, s24;
	s25 =	sadd.s32 $0x10, s25;
	v43 =	vmov s28;
	v38 =	vadd.s32 v4, v45  }
0x5d: {  	v45 =	vmov s26;
	v39 =	vadd.s32 v4, v39;
	v44 =	vshrl.u32 v44, $0x3  }
0x5e: {  	v41 =	vadd.f32 v41, v33;
	s23 =	sadd.s32 $0x400, s23;
	v43 =	vshrl.u32 v43, $0x3;
	v44 =	vshll.u32 v44, v1  }
0x5f: {  	v40 =	vshrl.u32 v40, $0x3;
	v47 =	vld [tilespmem:s23+$0xFFFFFF00];
	v43 =	vshll.u32 v43, v1;
	v44 =	vbroadcast v44, $0x0  }
0x60: {  	v45 =	vshrl.u32 v45, $0x3;
	v40 =	vshll.u32 v40, v1;
	v48 =	vld [tilespmem:s23+$0x0];
	v43 =	vbroadcast v43, $0x0  }
0x61: {  	v49 =	vld [tilespmem:s23+$0xFFFFFE00];
	v45 =	vshll.u32 v45, v1;
	v40 =	vbroadcast v40, $0x0;
	v44 =	vadd.s32 v5, v44  }
0x62: {  	s25 =	sadd.s32 $0x1, s24;
	s30 =	sadd.s32 $0x5, s24;
	v42 =	vadd.f32 v42, v33;
	v46 =	vld [tilespmem:s23+$0x100];
	v45 =	vbroadcast v45, $0x0;
	v43 =	vadd.s32 v0, v43  }
0x63: {  	s31 =	sadd.s32 $0x9, s24;
	v50 =	vmov s25;
	v51 =	vmov s30;
	v40 =	vadd.s32 v0, v40  }
0x64: {  	s28 =	sadd.s32 $0xD, s24;
	v52 =	vmov s31;
	v45 =	vadd.s32 v5, v45;
	v47 =	vadd.f32 v47, v33  }
0x65: {  	v53 =	vmov s28;
	v51 =	vshrl.u32 v51, $0x3;
	v48 =	vadd.f32 v48, v33  }
0x66: {  	v53 =	vshrl.u32 v53, $0x3;
	v52 =	vshrl.u32 v52, $0x3;
	v61 =	vadd.f32 v49, v33;
	[tilespmem:v44+s16+$0x0] =	vst.idx.msk $0xffff, v47  }
0x67: {  	v55 =	vshrl.u32 v50, $0x3;
	v62 =	vshll.u32 v51, v1;
	v46 =	vadd.f32 v46, v33;
	[tilespmem:v43+s16+$0x0] =	vst.idx.msk $0xffff, v48  }
0x68: {  	v56 =	vshll.u32 v52, v1;
	v57 =	vshll.u32 v55, v1;
	v44 =	vbroadcast v62, $0x0;
	[tilespmem:v40+s16+$0x0] =	vst.idx.msk $0xffff, v61;
	v50 =	vld [tilespmem:s23+$0xFFFFFF40]  }
0x69: {  	s30 =	sadd.s32 $0x6, s24;
	v60 =	vshll.u32 v53, v1;
	v43 =	vbroadcast v56, $0x0;
	v40 =	vbroadcast v57, $0x0;
	[tilespmem:v45+s16+$0x0] =	vst.idx.msk $0xffff, v46;
	v58 =	vld [tilespmem:s23+$0x40]  }
0x6a: {  	s29 =	sadd.s32 $0x2, s24;
	s31 =	sadd.s32 $0xA, s24;
	v61 =	vmov s30;
	v45 =	vbroadcast v60, $0x0;
	v63 =	vld [tilespmem:s23+$0x140];
	v44 =	vadd.s32 v6, v44  }
0x6b: {  	v62 =	vmov s31;
	v59 =	vld [tilespmem:s23+$0xFFFFFE40];
	v60 =	vmov s29;
	v43 =	vadd.s32 v2, v43  }
0x6c: {  	s30 =	sadd.s32 $0xB, s24;
	v51 =	vshrl.u32 v61, $0x3;
	v52 =	vshrl.u32 v62, $0x3;
	v45 =	vadd.s32 v6, v45  }
0x6d: {  	s31 =	sadd.s32 $0xF, s24;
	v61 =	vmov s30;
	v40 =	vadd.s32 v2, v40;
	v50 =	vadd.f32 v50, v33  }
0x6e: {  	s26 =	sadd.s32 $0xE, s24;
	v62 =	vmov s31;
	v55 =	vshll.u32 v51, v1;
	v46 =	vadd.f32 v58, v33  }
0x6f: {  	v57 =	vshll.u32 v52, v1;
	v47 =	vadd.f32 v63, v33;
	v63 =	vmov s26;
	[tilespmem:v44+s16+$0x0] =	vst.idx.msk $0xffff, v50  }
0x70: {  	v54 =	vadd.f32 v59, v33;
	v53 =	vshrl.u32 v63, $0x3;
	v44 =	vbroadcast v55, $0x0;
	[tilespmem:v43+s16+$0x0] =	vst.idx.msk $0xffff, v46;
	v50 =	vld [tilespmem:s23+$0xFFFFFF80]  }
0x71: {  	v49 =	vshrl.u32 v60, $0x3;
	v43 =	vbroadcast v57, $0x0;
	[tilespmem:v45+s16+$0x0] =	vst.idx.msk $0xffff, v47;
	v53 =	vshll.u32 v53, v1;
	v46 =	vld [tilespmem:s23+$0x80]  }
0x72: {  	s29 =	sadd.s32 $0x7, s24;
	v58 =	vshll.u32 v49, v1;
	[tilespmem:v40+s16+$0x0] =	vst.idx.msk $0xffff, v54;
	v56 =	vld [tilespmem:s23+$0x180];
	v45 =	vbroadcast v53, $0x0;
	v44 =	vadd.s32 v7, v44  }
0x73: {  	v60 =	vmov s29;
	v40 =	vbroadcast v58, $0x0;
	v47 =	vld [tilespmem:s23+$0xFFFFFE80];
	v43 =	vadd.s32 v3, v43  }
0x74: {  	v52 =	vshrl.u32 v61, $0x3;
	v51 =	vshrl.u32 v60, $0x3;
	v45 =	vadd.s32 v7, v45  }
0x75: {  	s28 =	sadd.s32 $0x3, s24;
	v40 =	vadd.s32 v3, v40;
	v53 =	vshrl.u32 v62, $0x3;
	v50 =	vadd.f32 v50, v33  }
0x76: {  	v59 =	vmov s28;
	v54 =	vshll.u32 v53, v1;
	v63 =	vadd.f32 v46, v33  }
0x77: {  	v58 =	vshrl.u32 v59, $0x3;
	v48 =	vadd.f32 v56, v33;
	v56 =	vshll.u32 v51, v1;
	[tilespmem:v44+s16+$0x0] =	vst.idx.msk $0xffff, v50  }
0x78: {  	v55 =	vadd.f32 v47, v33;
	v46 =	vshll.u32 v52, v1;
	[tilespmem:v43+s16+$0x0] =	vst.idx.msk $0xffff, v63;
	v47 =	vbroadcast v56, $0x0;
	v59 =	vld [tilespmem:s23+$0xFFFFFFC0]  }
0x79: {  	v34 =	vadd.f32 v34, v33;
	v62 =	vbroadcast v46, $0x0;
	[tilespmem:v45+s16+$0x0] =	vst.idx.msk $0xffff, v48;
	v48 =	vbroadcast v54, $0x0;
	v61 =	vld [tilespmem:s23+$0xC0]  }
0x7a: {  	v60 =	vshll.u32 v58, v1;
	[tilespmem:v40+s16+$0x0] =	vst.idx.msk $0xffff, v55;
	v57 =	vld [tilespmem:s23+$0x1C0];
	v49 =	vadd.s32 v8, v47  }
0x7b: {  	[tilespmem:v35+s16+$0x0] =	vst.idx.msk $0xffff, v41;
	v40 =	vbroadcast v60, $0x0;
	v51 =	vadd.s32 v4, v62;
	v63 =	vadd.s32 v8, v48;
	v48 =	vld [tilespmem:s23+$0xFFFFFEC0]  }
0x7c: {  	[tilespmem:v37+s16+$0x0] =	vst.idx.msk $0xffff, v42;
	v36 =	vadd.f32 v36, v33  }
0x7d: {  	[tilespmem:v38+s16+$0x0] =	vst.idx.msk $0xffff, v34;
	v52 =	vadd.s32 v4, v40;
	v54 =	vadd.f32 v59, v33  }
0x7e: {  	[tilespmem:v39+s16+$0x0] =	vst.idx.msk $0xffff, v36;
	v55 =	vadd.f32 v61, v33  }
0x7f: {  	s25 =	simm.s32 $0x0;
	v53 =	vadd.f32 v57, v33;
	[tilespmem:v49+s16+$0x0] =	vst.idx.msk $0xffff, v54  }
0x80: {  	s24 =	simm.s32 $0xC;
	v58 =	vmov s25;
	v56 =	vadd.f32 v48, v33;
	[tilespmem:v51+s16+$0x0] =	vst.idx.msk $0xffff, v55  }
0x81: {  	s26 =	simm.s32 $0x4;
	v34 =	vshrl.u32 v58, $0x3;
	v57 =	vmov s24;
	[tilespmem:v63+s16+$0x0] =	vst.idx.msk $0xffff, v53  }
0x82: {  	s28 =	simm.s32 $0x8;
	v34 =	vshll.u32 v34, v1;
	v59 =	vmov s26;
	v35 =	vshrl.u32 v57, $0x3;
	[tilespmem:v52+s16+$0x0] =	vst.idx.msk $0xffff, v56  }
0x83: {  	v60 =	vmov s28;
	s23 =	simm.s32 $0x6610;
	v36 =	vshrl.u32 v59, $0x3;
	v35 =	vshll.u32 v35, v1;
	v33 =	vld [tilespmem:s22+$0xEC10]  }
0x84: {  	v37 =	vshrl.u32 v60, $0x3;
	v36 =	vshll.u32 v36, v1;
	v35 =	vbroadcast v35, $0x0;
	v38 =	vld [tilespmem:s23+$0x100]  }
0x85: {  	v34 =	vbroadcast v34, $0x0;
	v37 =	vshll.u32 v37, v1;
	v36 =	vbroadcast v36, $0x0;
	v39 =	vld [tilespmem:s23+$0xFFFFFF00]  }
0x86: {  	v37 =	vbroadcast v37, $0x0;
	v61 =	vld [tilespmem:s23+$0x0];
	v35 =	vadd.s32 v13, v35  }
0x87: {  	s31 =	simm.s32 $0x9;
	s29 =	simm.s32 $0x1;
	v34 =	vadd.s32 v9, v34;
	v41 =	vld [tilespmem:s23+$0xFFFFFE00];
	v36 =	vadd.s32 v13, v36  }
0x88: {  	s30 =	simm.s32 $0x5;
	v62 =	vmov s29;
	v37 =	vadd.s32 v9, v37;
	s26 =	simm.s32 $0xD;
	v48 =	vmov s31  }
0x89: {  	v49 =	vmov s26;
	v63 =	vmov s30;
	v38 =	vadd.f32 v38, v33  }
0x8a: {  	v45 =	vshrl.u32 v49, $0x3;
	v44 =	vshrl.u32 v48, $0x3;
	v39 =	vadd.f32 v39, v33  }
0x8b: {  	v43 =	vshrl.u32 v63, $0x3;
	v50 =	vshll.u32 v45, v1;
	v40 =	vadd.f32 v61, v33;
	[tilespmem:v35+s16+$0x0] =	vst.idx.msk $0xffff, v38  }
0x8c: {  	v52 =	vshll.u32 v43, v1;
	v51 =	vadd.f32 v41, v33;
	[tilespmem:v36+s16+$0x0] =	vst.idx.msk $0xffff, v39;
	v35 =	vbroadcast v50, $0x0;
	v53 =	vld [tilespmem:s23+$0x140]  }
0x8d: {  	v54 =	vshrl.u32 v62, $0x3;
	v56 =	vshll.u32 v44, v1;
	v36 =	vbroadcast v52, $0x0;
	[tilespmem:v37+s16+$0x0] =	vst.idx.msk $0xffff, v40;
	v55 =	vld [tilespmem:s23+$0xFFFFFF40]  }
0x8e: {  	s28 =	simm.s32 $0x2;
	v57 =	vshll.u32 v54, v1;
	[tilespmem:v34+s16+$0x0] =	vst.idx.msk $0xffff, v51;
	v37 =	vbroadcast v56, $0x0;
	v58 =	vld [tilespmem:s23+$0x40];
	v35 =	vadd.s32 v14, v35  }
0x8f: {  	v60 =	vmov s28;
	s31 =	simm.s32 $0xE;
	s30 =	simm.s32 $0xA;
	v34 =	vbroadcast v57, $0x0;
	v59 =	vld [tilespmem:s23+$0xFFFFFE40];
	v36 =	vadd.s32 v14, v36  }
0x90: {  	v62 =	vmov s30;
	v63 =	vmov s31;
	v37 =	vadd.s32 v10, v37  }
0x91: {  	s29 =	simm.s32 $0x6;
	v45 =	vshrl.u32 v63, $0x3;
	v34 =	vadd.s32 v10, v34;
	v39 =	vadd.f32 v53, v33  }
0x92: {  	v44 =	vshrl.u32 v62, $0x3;
	v61 =	vmov s29;
	v42 =	vadd.f32 v55, v33  }
0x93: {  	v48 =	vshll.u32 v45, v1;
	v43 =	vshrl.u32 v61, $0x3;
	v38 =	vadd.f32 v58, v33;
	[tilespmem:v35+s16+$0x0] =	vst.idx.msk $0xffff, v39  }
0x94: {  	v50 =	vshll.u32 v43, v1;
	v49 =	vadd.f32 v59, v33;
	[tilespmem:v36+s16+$0x0] =	vst.idx.msk $0xffff, v42;
	v35 =	vbroadcast v48, $0x0;
	v51 =	vld [tilespmem:s23+$0x180]  }
0x95: {  	v41 =	vshrl.u32 v60, $0x3;
	v52 =	vshll.u32 v44, v1;
	v36 =	vbroadcast v50, $0x0;
	[tilespmem:v37+s16+$0x0] =	vst.idx.msk $0xffff, v38;
	v42 =	vld [tilespmem:s23+$0xFFFFFF80]  }
0x96: {  	s25 =	simm.s32 $0x3;
	v53 =	vshll.u32 v41, v1;
	[tilespmem:v34+s16+$0x0] =	vst.idx.msk $0xffff, v49;
	v37 =	vbroadcast v52, $0x0;
	v38 =	vld [tilespmem:s23+$0x80];
	v35 =	vadd.s32 v15, v35  }
0x97: {  	s28 =	simm.s32 $0xB;
	v54 =	vmov s25;
	s29 =	simm.s32 $0xF;
	v34 =	vbroadcast v53, $0x0;
	v39 =	vld [tilespmem:s23+$0xFFFFFE80];
	v36 =	vadd.s32 v15, v36  }
0x98: {  	v56 =	vmov s28;
	v57 =	vmov s29;
	v37 =	vadd.s32 v11, v37  }
0x99: {  	s26 =	simm.s32 $0x7;
	v45 =	vshrl.u32 v57, $0x3;
	v34 =	vadd.s32 v11, v34;
	v40 =	vadd.f32 v51, v33  }
0x9a: {  	v44 =	vshrl.u32 v56, $0x3;
	v55 =	vmov s26;
	v42 =	vadd.f32 v42, v33  }
0x9b: {  	v45 =	vshll.u32 v45, v1;
	v41 =	vshrl.u32 v55, $0x3;
	v38 =	vadd.f32 v38, v33;
	[tilespmem:v35+s16+$0x0] =	vst.idx.msk $0xffff, v40  }
0x9c: {  	v59 =	vbroadcast v45, $0x0;
	v58 =	vshll.u32 v41, v1;
	v39 =	vadd.f32 v39, v33;
	[tilespmem:v36+s16+$0x0] =	vst.idx.msk $0xffff, v42;
	v41 =	vld [tilespmem:s23+$0x1C0]  }
0x9d: {  	v60 =	vshrl.u32 v54, $0x3;
	v62 =	vshll.u32 v44, v1;
	v61 =	vbroadcast v58, $0x0;
	[tilespmem:v37+s16+$0x0] =	vst.idx.msk $0xffff, v38;
	v42 =	vld [tilespmem:s23+$0xFFFFFFC0]  }
0x9e: {  	s31 =	simm.s32 $0x18;
	v63 =	vbroadcast v62, $0x0;
	v36 =	vshll.u32 v60, v1;
	v35 =	vadd.s32 v16, v59;
	[tilespmem:v34+s16+$0x0] =	vst.idx.msk $0xffff, v39;
	v34 =	vld [tilespmem:s23+$0xC0]  }
0x9f: {  	s24 =	simm.s32 $0x10;
	s30 =	simm.s32 $0x14;
	v43 =	vmov s31;
	v37 =	vadd.s32 v16, v61;
	v39 =	vbroadcast v36, $0x0;
	v36 =	vld [tilespmem:s23+$0xFFFFFEC0]  }
0xa0: {  	s25 =	simm.s32 $0x20;
	v44 =	vmov s30;
	s26 =	simm.s32 $0x1C;
	v40 =	vmov s24;
	v38 =	vadd.s32 v12, v63  }
.LBB2_5:
0xa1: {  	p0 =	slt.u32 s25, $0x70;
	v45 =	vmov s26;
	v39 =	vadd.s32 v12, v39;
	v41 =	vadd.f32 v41, v33  }
0xa2: {  	v44 =	vshrl.u32 v44, $0x3;
	v45 =	vshrl.u32 v45, $0x3;
	v42 =	vadd.f32 v42, v33  }
0xa3: {  	v43 =	vshrl.u32 v43, $0x3;
	s23 =	sadd.s32 $0x400, s23;
	v45 =	vshll.u32 v45, v1;
	v34 =	vadd.f32 v34, v33;
	[tilespmem:v35+s16+$0x0] =	vst.idx.msk $0xffff, v41  }
0xa4: {  	v35 =	vshll.u32 v44, v1;
	v41 =	vld [tilespmem:s23+$0x100];
	v44 =	vbroadcast v45, $0x0;
	v36 =	vadd.f32 v36, v33;
	[tilespmem:v37+s16+$0x0] =	vst.idx.msk $0xffff, v42  }
0xa5: {  	v37 =	vshrl.u32 v40, $0x3;
	v35 =	vbroadcast v35, $0x0;
	v42 =	vshll.u32 v43, v1;
	v40 =	vld [tilespmem:s23+$0xFFFFFF00];
	[tilespmem:v38+s16+$0x0] =	vst.idx.msk $0xffff, v34  }
0xa6: {  	s26 =	sadd.s32 $0x1, s24;
	v34 =	vshll.u32 v37, v1;
	v38 =	vbroadcast v42, $0x0;
	v37 =	vld [tilespmem:s23+$0x0];
	v42 =	vadd.s32 v13, v44;
	[tilespmem:v39+s16+$0x0] =	vst.idx.msk $0xffff, v36  }
0xa7: {  	s28 =	sadd.s32 $0x9, s24;
	v34 =	vbroadcast v34, $0x0;
	v39 =	vmov s26;
	v35 =	vadd.s32 v13, v35;
	s26 =	sadd.s32 $0x5, s24;
	v36 =	vld [tilespmem:s23+$0xFFFFFE00]  }
0xa8: {  	v44 =	vmov s28;
	v43 =	vmov s26;
	v38 =	vadd.s32 v9, v38;
	s26 =	sadd.s32 $0xD, s24  }
0xa9: {  	v34 =	vadd.s32 v9, v34;
	v45 =	vmov s26;
	v41 =	vadd.f32 v41, v33  }
0xaa: {  	v43 =	vshrl.u32 v43, $0x3;
	v45 =	vshrl.u32 v45, $0x3;
	v40 =	vadd.f32 v40, v33  }
0xab: {  	v44 =	vshrl.u32 v44, $0x3;
	v37 =	vadd.f32 v37, v33;
	[tilespmem:v42+s16+$0x0] =	vst.idx.msk $0xffff, v41;
	v41 =	vshll.u32 v45, v1  }
0xac: {  	v36 =	vadd.f32 v36, v33;
	[tilespmem:v35+s16+$0x0] =	vst.idx.msk $0xffff, v40;
	v35 =	vshll.u32 v43, v1;
	v40 =	vld [tilespmem:s23+$0x140];
	v41 =	vbroadcast v41, $0x0  }
0xad: {  	v39 =	vshrl.u32 v39, $0x3;
	v42 =	vld [tilespmem:s23+$0xFFFFFF40];
	v35 =	vbroadcast v35, $0x0;
	[tilespmem:v38+s16+$0x0] =	vst.idx.msk $0xffff, v37;
	v37 =	vshll.u32 v44, v1  }
0xae: {  	s26 =	sadd.s32 $0x2, s24;
	[tilespmem:v34+s16+$0x0] =	vst.idx.msk $0xffff, v36;
	v34 =	vshll.u32 v39, v1;
	v36 =	vld [tilespmem:s23+$0x40];
	v37 =	vbroadcast v37, $0x0;
	v38 =	vadd.s32 v14, v41  }
0xaf: {  	s28 =	sadd.s32 $0xA, s24;
	v41 =	vmov s26;
	s26 =	sadd.s32 $0x6, s24;
	v39 =	vld [tilespmem:s23+$0xFFFFFE40];
	v34 =	vbroadcast v34, $0x0;
	v35 =	vadd.s32 v14, v35  }
0xb0: {  	v44 =	vmov s28;
	v43 =	vmov s26;
	s26 =	sadd.s32 $0xE, s24;
	v37 =	vadd.s32 v10, v37  }
0xb1: {  	v45 =	vmov s26;
	v34 =	vadd.s32 v10, v34;
	v40 =	vadd.f32 v40, v33  }
0xb2: {  	v43 =	vshrl.u32 v43, $0x3;
	v45 =	vshrl.u32 v45, $0x3;
	v42 =	vadd.f32 v42, v33  }
0xb3: {  	v44 =	vshrl.u32 v44, $0x3;
	v36 =	vadd.f32 v36, v33;
	[tilespmem:v38+s16+$0x0] =	vst.idx.msk $0xffff, v40;
	v38 =	vshll.u32 v45, v1  }
0xb4: {  	v39 =	vadd.f32 v39, v33;
	[tilespmem:v35+s16+$0x0] =	vst.idx.msk $0xffff, v42;
	v35 =	vshll.u32 v43, v1;
	v40 =	vld [tilespmem:s23+$0x180];
	v38 =	vbroadcast v38, $0x0  }
0xb5: {  	v41 =	vshrl.u32 v41, $0x3;
	v42 =	vld [tilespmem:s23+$0xFFFFFF80];
	v35 =	vbroadcast v35, $0x0;
	[tilespmem:v37+s16+$0x0] =	vst.idx.msk $0xffff, v36;
	v36 =	vshll.u32 v44, v1  }
0xb6: {  	s26 =	sadd.s32 $0x3, s24;
	[tilespmem:v34+s16+$0x0] =	vst.idx.msk $0xffff, v39;
	v34 =	vshll.u32 v41, v1;
	v37 =	vld [tilespmem:s23+$0x80];
	v36 =	vbroadcast v36, $0x0;
	v38 =	vadd.s32 v15, v38  }
0xb7: {  	s28 =	sadd.s32 $0xB, s24;
	v43 =	vmov s26;
	s26 =	sadd.s32 $0x7, s24;
	v39 =	vld [tilespmem:s23+$0xFFFFFE80];
	v34 =	vbroadcast v34, $0x0;
	v35 =	vadd.s32 v15, v35  }
0xb8: {  	v44 =	vmov s28;
	v41 =	vmov s26;
	s26 =	sadd.s32 $0xF, s24;
	s24 =	smov.u32 s25;
	v36 =	vadd.s32 v11, v36  }
0xb9: {  	v45 =	vmov s26;
	v34 =	vadd.s32 v11, v34;
	v40 =	vadd.f32 v40, v33  }
0xba: {  	v41 =	vshrl.u32 v41, $0x3;
	v45 =	vshrl.u32 v45, $0x3;
	v42 =	vadd.f32 v42, v33  }
0xbb: {  	v44 =	vshrl.u32 v44, $0x3;
	v37 =	vadd.f32 v37, v33;
	[tilespmem:v38+s16+$0x0] =	vst.idx.msk $0xffff, v40;
	v38 =	vshll.u32 v45, v1  }
.Ltmp1:
0xbc: {  	v39 =	vadd.f32 v39, v33;
	[tilespmem:v35+s16+$0x0] =	vst.idx.msk $0xffff, v42;
	v35 =	vshll.u32 v41, v1;
	v41 =	vld [tilespmem:s23+$0x1C0];
	v38 =	vbroadcast v38, $0x0;
	(pc) =	sbr.rel @p0 .LBB2_5-.Ltmp1, $4  }
0xbd: {  	v40 =	vshrl.u32 v43, $0x3;
	v42 =	vld [tilespmem:s23+$0xFFFFFFC0];
	v43 =	vbroadcast v35, $0x0;
	[tilespmem:v36+s16+$0x0] =	vst.idx.msk $0xffff, v37;
	v35 =	vshll.u32 v44, v1  }
0xbe: {  	v37 =	vshll.u32 v40, v1;
	[tilespmem:v34+s16+$0x0] =	vst.idx.msk $0xffff, v39;
	v34 =	vld [tilespmem:s23+$0xC0];
	v45 =	vbroadcast v35, $0x0;
	v35 =	vadd.s32 v16, v38  }
0xbf: {  	s28 =	sadd.s32 $0x8, s25;
	s26 =	sadd.s32 $0x4, s25;
	v40 =	vmov s25;
	v39 =	vbroadcast v37, $0x0;
	v36 =	vld [tilespmem:s23+$0xFFFFFEC0];
	v37 =	vadd.s32 v16, v43  }
0xc0: {  	v44 =	vmov s26;
	s26 =	sadd.s32 $0xC, s24;
	s25 =	sadd.s32 $0x10, s25;
	v43 =	vmov s28;
	v38 =	vadd.s32 v12, v45  }
0xc1: {  	v45 =	vmov s26;
	v39 =	vadd.s32 v12, v39;
	v44 =	vshrl.u32 v44, $0x3  }
0xc2: {  	v41 =	vadd.f32 v41, v33;
	s23 =	sadd.s32 $0x400, s23;
	v43 =	vshrl.u32 v43, $0x3;
	v44 =	vshll.u32 v44, v1  }
0xc3: {  	v40 =	vshrl.u32 v40, $0x3;
	v47 =	vld [tilespmem:s23+$0xFFFFFF00];
	v43 =	vshll.u32 v43, v1;
	v44 =	vbroadcast v44, $0x0  }
0xc4: {  	v45 =	vshrl.u32 v45, $0x3;
	v40 =	vshll.u32 v40, v1;
	v48 =	vld [tilespmem:s23+$0x0];
	v43 =	vbroadcast v43, $0x0  }
0xc5: {  	v49 =	vld [tilespmem:s23+$0xFFFFFE00];
	v45 =	vshll.u32 v45, v1;
	v40 =	vbroadcast v40, $0x0;
	v44 =	vadd.s32 v13, v44  }
0xc6: {  	s25 =	sadd.s32 $0x1, s24;
	s30 =	sadd.s32 $0x5, s24;
	v42 =	vadd.f32 v42, v33;
	v46 =	vld [tilespmem:s23+$0x100];
	v45 =	vbroadcast v45, $0x0;
	v43 =	vadd.s32 v9, v43  }
0xc7: {  	s31 =	sadd.s32 $0x9, s24;
	v50 =	vmov s25;
	v51 =	vmov s30;
	v40 =	vadd.s32 v9, v40  }
0xc8: {  	s28 =	sadd.s32 $0xD, s24;
	v52 =	vmov s31;
	v45 =	vadd.s32 v13, v45;
	v47 =	vadd.f32 v47, v33  }
0xc9: {  	v53 =	vmov s28;
	v51 =	vshrl.u32 v51, $0x3;
	v48 =	vadd.f32 v48, v33  }
0xca: {  	v53 =	vshrl.u32 v53, $0x3;
	v52 =	vshrl.u32 v52, $0x3;
	v61 =	vadd.f32 v49, v33;
	[tilespmem:v44+s16+$0x0] =	vst.idx.msk $0xffff, v47  }
0xcb: {  	v55 =	vshrl.u32 v50, $0x3;
	v62 =	vshll.u32 v51, v1;
	v46 =	vadd.f32 v46, v33;
	[tilespmem:v43+s16+$0x0] =	vst.idx.msk $0xffff, v48  }
0xcc: {  	v56 =	vshll.u32 v52, v1;
	v57 =	vshll.u32 v55, v1;
	v44 =	vbroadcast v62, $0x0;
	[tilespmem:v40+s16+$0x0] =	vst.idx.msk $0xffff, v61;
	v50 =	vld [tilespmem:s23+$0xFFFFFF40]  }
0xcd: {  	s30 =	sadd.s32 $0x6, s24;
	v60 =	vshll.u32 v53, v1;
	v43 =	vbroadcast v56, $0x0;
	v40 =	vbroadcast v57, $0x0;
	[tilespmem:v45+s16+$0x0] =	vst.idx.msk $0xffff, v46;
	v58 =	vld [tilespmem:s23+$0x40]  }
0xce: {  	s29 =	sadd.s32 $0x2, s24;
	s31 =	sadd.s32 $0xA, s24;
	v61 =	vmov s30;
	v45 =	vbroadcast v60, $0x0;
	v63 =	vld [tilespmem:s23+$0x140];
	v44 =	vadd.s32 v14, v44  }
0xcf: {  	v62 =	vmov s31;
	v59 =	vld [tilespmem:s23+$0xFFFFFE40];
	v60 =	vmov s29;
	v43 =	vadd.s32 v10, v43  }
0xd0: {  	s30 =	sadd.s32 $0xB, s24;
	v51 =	vshrl.u32 v61, $0x3;
	v52 =	vshrl.u32 v62, $0x3;
	v45 =	vadd.s32 v14, v45  }
0xd1: {  	s31 =	sadd.s32 $0xF, s24;
	v61 =	vmov s30;
	v40 =	vadd.s32 v10, v40;
	v50 =	vadd.f32 v50, v33  }
0xd2: {  	s26 =	sadd.s32 $0xE, s24;
	v62 =	vmov s31;
	v55 =	vshll.u32 v51, v1;
	v46 =	vadd.f32 v58, v33  }
0xd3: {  	v57 =	vshll.u32 v52, v1;
	v47 =	vadd.f32 v63, v33;
	v63 =	vmov s26;
	[tilespmem:v44+s16+$0x0] =	vst.idx.msk $0xffff, v50  }
0xd4: {  	v54 =	vadd.f32 v59, v33;
	v53 =	vshrl.u32 v63, $0x3;
	v44 =	vbroadcast v55, $0x0;
	[tilespmem:v43+s16+$0x0] =	vst.idx.msk $0xffff, v46;
	v50 =	vld [tilespmem:s23+$0xFFFFFF80]  }
0xd5: {  	v49 =	vshrl.u32 v60, $0x3;
	v43 =	vbroadcast v57, $0x0;
	[tilespmem:v45+s16+$0x0] =	vst.idx.msk $0xffff, v47;
	v53 =	vshll.u32 v53, v1;
	v46 =	vld [tilespmem:s23+$0x80]  }
0xd6: {  	s29 =	sadd.s32 $0x7, s24;
	v58 =	vshll.u32 v49, v1;
	[tilespmem:v40+s16+$0x0] =	vst.idx.msk $0xffff, v54;
	v56 =	vld [tilespmem:s23+$0x180];
	v45 =	vbroadcast v53, $0x0;
	v44 =	vadd.s32 v15, v44  }
0xd7: {  	v60 =	vmov s29;
	v40 =	vbroadcast v58, $0x0;
	v47 =	vld [tilespmem:s23+$0xFFFFFE80];
	v43 =	vadd.s32 v11, v43  }
0xd8: {  	v52 =	vshrl.u32 v61, $0x3;
	v51 =	vshrl.u32 v60, $0x3;
	v45 =	vadd.s32 v15, v45  }
0xd9: {  	s28 =	sadd.s32 $0x3, s24;
	v40 =	vadd.s32 v11, v40;
	v53 =	vshrl.u32 v62, $0x3;
	v50 =	vadd.f32 v50, v33  }
0xda: {  	v59 =	vmov s28;
	v54 =	vshll.u32 v53, v1;
	v63 =	vadd.f32 v46, v33  }
0xdb: {  	v58 =	vshrl.u32 v59, $0x3;
	v48 =	vadd.f32 v56, v33;
	v56 =	vshll.u32 v51, v1;
	[tilespmem:v44+s16+$0x0] =	vst.idx.msk $0xffff, v50  }
0xdc: {  	v55 =	vadd.f32 v47, v33;
	v46 =	vshll.u32 v52, v1;
	[tilespmem:v43+s16+$0x0] =	vst.idx.msk $0xffff, v63;
	v47 =	vbroadcast v56, $0x0;
	v59 =	vld [tilespmem:s23+$0xFFFFFFC0]  }
0xdd: {  	v34 =	vadd.f32 v34, v33;
	v62 =	vbroadcast v46, $0x0;
	[tilespmem:v45+s16+$0x0] =	vst.idx.msk $0xffff, v48;
	v48 =	vbroadcast v54, $0x0;
	v61 =	vld [tilespmem:s23+$0xC0]  }
0xde: {  	v60 =	vshll.u32 v58, v1;
	[tilespmem:v40+s16+$0x0] =	vst.idx.msk $0xffff, v55;
	v57 =	vld [tilespmem:s23+$0x1C0];
	v49 =	vadd.s32 v16, v47  }
0xdf: {  	[tilespmem:v35+s16+$0x0] =	vst.idx.msk $0xffff, v41;
	v40 =	vbroadcast v60, $0x0;
	v51 =	vadd.s32 v12, v62;
	v63 =	vadd.s32 v16, v48;
	v48 =	vld [tilespmem:s23+$0xFFFFFEC0]  }
0xe0: {  	[tilespmem:v37+s16+$0x0] =	vst.idx.msk $0xffff, v42;
	v36 =	vadd.f32 v36, v33  }
0xe1: {  	[tilespmem:v38+s16+$0x0] =	vst.idx.msk $0xffff, v34;
	v52 =	vadd.s32 v12, v40;
	v54 =	vadd.f32 v59, v33  }
0xe2: {  	[tilespmem:v39+s16+$0x0] =	vst.idx.msk $0xffff, v36;
	v55 =	vadd.f32 v61, v33  }
0xe3: {  	s25 =	simm.s32 $0x0;
	v53 =	vadd.f32 v57, v33;
	[tilespmem:v49+s16+$0x0] =	vst.idx.msk $0xffff, v54  }
0xe4: {  	s24 =	simm.s32 $0xC;
	v58 =	vmov s25;
	v56 =	vadd.f32 v48, v33;
	[tilespmem:v51+s16+$0x0] =	vst.idx.msk $0xffff, v55  }
0xe5: {  	s26 =	simm.s32 $0x4;
	v34 =	vshrl.u32 v58, $0x3;
	v57 =	vmov s24;
	[tilespmem:v63+s16+$0x0] =	vst.idx.msk $0xffff, v53  }
0xe6: {  	s28 =	simm.s32 $0x8;
	v34 =	vshll.u32 v34, v1;
	v59 =	vmov s26;
	v35 =	vshrl.u32 v57, $0x3;
	[tilespmem:v52+s16+$0x0] =	vst.idx.msk $0xffff, v56  }
0xe7: {  	v60 =	vmov s28;
	s23 =	simm.s32 $0x6620;
	v36 =	vshrl.u32 v59, $0x3;
	v35 =	vshll.u32 v35, v1;
	v33 =	vld [tilespmem:s22+$0xEC20]  }
0xe8: {  	v37 =	vshrl.u32 v60, $0x3;
	v36 =	vshll.u32 v36, v1;
	v35 =	vbroadcast v35, $0x0;
	v38 =	vld [tilespmem:s23+$0x100]  }
0xe9: {  	v34 =	vbroadcast v34, $0x0;
	v37 =	vshll.u32 v37, v1;
	v36 =	vbroadcast v36, $0x0;
	v39 =	vld [tilespmem:s23+$0xFFFFFF00]  }
0xea: {  	v37 =	vbroadcast v37, $0x0;
	v61 =	vld [tilespmem:s23+$0x0];
	v35 =	vadd.s32 v21, v35  }
0xeb: {  	s31 =	simm.s32 $0x9;
	s29 =	simm.s32 $0x1;
	v34 =	vadd.s32 v17, v34;
	v41 =	vld [tilespmem:s23+$0xFFFFFE00];
	v36 =	vadd.s32 v21, v36  }
0xec: {  	s30 =	simm.s32 $0x5;
	v62 =	vmov s29;
	v37 =	vadd.s32 v17, v37;
	s26 =	simm.s32 $0xD;
	v48 =	vmov s31  }
0xed: {  	v49 =	vmov s26;
	v63 =	vmov s30;
	v38 =	vadd.f32 v38, v33  }
0xee: {  	v45 =	vshrl.u32 v49, $0x3;
	v44 =	vshrl.u32 v48, $0x3;
	v39 =	vadd.f32 v39, v33  }
0xef: {  	v43 =	vshrl.u32 v63, $0x3;
	v50 =	vshll.u32 v45, v1;
	v40 =	vadd.f32 v61, v33;
	[tilespmem:v35+s16+$0x0] =	vst.idx.msk $0xffff, v38  }
0xf0: {  	v52 =	vshll.u32 v43, v1;
	v51 =	vadd.f32 v41, v33;
	[tilespmem:v36+s16+$0x0] =	vst.idx.msk $0xffff, v39;
	v35 =	vbroadcast v50, $0x0;
	v53 =	vld [tilespmem:s23+$0x140]  }
0xf1: {  	v54 =	vshrl.u32 v62, $0x3;
	v56 =	vshll.u32 v44, v1;
	v36 =	vbroadcast v52, $0x0;
	[tilespmem:v37+s16+$0x0] =	vst.idx.msk $0xffff, v40;
	v55 =	vld [tilespmem:s23+$0xFFFFFF40]  }
0xf2: {  	s28 =	simm.s32 $0x2;
	v57 =	vshll.u32 v54, v1;
	[tilespmem:v34+s16+$0x0] =	vst.idx.msk $0xffff, v51;
	v37 =	vbroadcast v56, $0x0;
	v58 =	vld [tilespmem:s23+$0x40];
	v35 =	vadd.s32 v22, v35  }
0xf3: {  	v60 =	vmov s28;
	s31 =	simm.s32 $0xE;
	s30 =	simm.s32 $0xA;
	v34 =	vbroadcast v57, $0x0;
	v59 =	vld [tilespmem:s23+$0xFFFFFE40];
	v36 =	vadd.s32 v22, v36  }
0xf4: {  	v62 =	vmov s30;
	v63 =	vmov s31;
	v37 =	vadd.s32 v18, v37  }
0xf5: {  	s29 =	simm.s32 $0x6;
	v45 =	vshrl.u32 v63, $0x3;
	v34 =	vadd.s32 v18, v34;
	v39 =	vadd.f32 v53, v33  }
0xf6: {  	v44 =	vshrl.u32 v62, $0x3;
	v61 =	vmov s29;
	v42 =	vadd.f32 v55, v33  }
0xf7: {  	v48 =	vshll.u32 v45, v1;
	v43 =	vshrl.u32 v61, $0x3;
	v38 =	vadd.f32 v58, v33;
	[tilespmem:v35+s16+$0x0] =	vst.idx.msk $0xffff, v39  }
0xf8: {  	v50 =	vshll.u32 v43, v1;
	v49 =	vadd.f32 v59, v33;
	[tilespmem:v36+s16+$0x0] =	vst.idx.msk $0xffff, v42;
	v35 =	vbroadcast v48, $0x0;
	v51 =	vld [tilespmem:s23+$0x180]  }
0xf9: {  	v41 =	vshrl.u32 v60, $0x3;
	v52 =	vshll.u32 v44, v1;
	v36 =	vbroadcast v50, $0x0;
	[tilespmem:v37+s16+$0x0] =	vst.idx.msk $0xffff, v38;
	v42 =	vld [tilespmem:s23+$0xFFFFFF80]  }
0xfa: {  	s25 =	simm.s32 $0x3;
	v53 =	vshll.u32 v41, v1;
	[tilespmem:v34+s16+$0x0] =	vst.idx.msk $0xffff, v49;
	v37 =	vbroadcast v52, $0x0;
	v38 =	vld [tilespmem:s23+$0x80];
	v35 =	vadd.s32 v23, v35  }
0xfb: {  	s28 =	simm.s32 $0xB;
	v54 =	vmov s25;
	s29 =	simm.s32 $0xF;
	v34 =	vbroadcast v53, $0x0;
	v39 =	vld [tilespmem:s23+$0xFFFFFE80];
	v36 =	vadd.s32 v23, v36  }
0xfc: {  	v56 =	vmov s28;
	v57 =	vmov s29;
	v37 =	vadd.s32 v19, v37  }
0xfd: {  	s26 =	simm.s32 $0x7;
	v45 =	vshrl.u32 v57, $0x3;
	v34 =	vadd.s32 v19, v34;
	v40 =	vadd.f32 v51, v33  }
0xfe: {  	v44 =	vshrl.u32 v56, $0x3;
	v55 =	vmov s26;
	v42 =	vadd.f32 v42, v33  }
0xff: {  	v45 =	vshll.u32 v45, v1;
	v41 =	vshrl.u32 v55, $0x3;
	v38 =	vadd.f32 v38, v33;
	[tilespmem:v35+s16+$0x0] =	vst.idx.msk $0xffff, v40  }
0x100: {  	v59 =	vbroadcast v45, $0x0;
	v58 =	vshll.u32 v41, v1;
	v39 =	vadd.f32 v39, v33;
	[tilespmem:v36+s16+$0x0] =	vst.idx.msk $0xffff, v42;
	v41 =	vld [tilespmem:s23+$0x1C0]  }
0x101: {  	v60 =	vshrl.u32 v54, $0x3;
	v62 =	vshll.u32 v44, v1;
	v61 =	vbroadcast v58, $0x0;
	[tilespmem:v37+s16+$0x0] =	vst.idx.msk $0xffff, v38;
	v42 =	vld [tilespmem:s23+$0xFFFFFFC0]  }
0x102: {  	s31 =	simm.s32 $0x18;
	v63 =	vbroadcast v62, $0x0;
	v36 =	vshll.u32 v60, v1;
	v35 =	vadd.s32 v24, v59;
	[tilespmem:v34+s16+$0x0] =	vst.idx.msk $0xffff, v39;
	v34 =	vld [tilespmem:s23+$0xC0]  }
0x103: {  	s24 =	simm.s32 $0x10;
	s30 =	simm.s32 $0x14;
	v43 =	vmov s31;
	v37 =	vadd.s32 v24, v61;
	v39 =	vbroadcast v36, $0x0;
	v36 =	vld [tilespmem:s23+$0xFFFFFEC0]  }
0x104: {  	s25 =	simm.s32 $0x20;
	v44 =	vmov s30;
	s26 =	simm.s32 $0x1C;
	v40 =	vmov s24;
	v38 =	vadd.s32 v20, v63  }
.LBB2_7:
0x105: {  	p0 =	slt.u32 s25, $0x70;
	v45 =	vmov s26;
	v39 =	vadd.s32 v20, v39;
	v41 =	vadd.f32 v41, v33  }
0x106: {  	v44 =	vshrl.u32 v44, $0x3;
	v45 =	vshrl.u32 v45, $0x3;
	v42 =	vadd.f32 v42, v33  }
0x107: {  	v43 =	vshrl.u32 v43, $0x3;
	s23 =	sadd.s32 $0x400, s23;
	v45 =	vshll.u32 v45, v1;
	v34 =	vadd.f32 v34, v33;
	[tilespmem:v35+s16+$0x0] =	vst.idx.msk $0xffff, v41  }
0x108: {  	v35 =	vshll.u32 v44, v1;
	v41 =	vld [tilespmem:s23+$0x100];
	v44 =	vbroadcast v45, $0x0;
	v36 =	vadd.f32 v36, v33;
	[tilespmem:v37+s16+$0x0] =	vst.idx.msk $0xffff, v42  }
0x109: {  	v37 =	vshrl.u32 v40, $0x3;
	v35 =	vbroadcast v35, $0x0;
	v42 =	vshll.u32 v43, v1;
	v40 =	vld [tilespmem:s23+$0xFFFFFF00];
	[tilespmem:v38+s16+$0x0] =	vst.idx.msk $0xffff, v34  }
0x10a: {  	s26 =	sadd.s32 $0x1, s24;
	v34 =	vshll.u32 v37, v1;
	v38 =	vbroadcast v42, $0x0;
	v37 =	vld [tilespmem:s23+$0x0];
	v42 =	vadd.s32 v21, v44;
	[tilespmem:v39+s16+$0x0] =	vst.idx.msk $0xffff, v36  }
0x10b: {  	s28 =	sadd.s32 $0x9, s24;
	v34 =	vbroadcast v34, $0x0;
	v39 =	vmov s26;
	v35 =	vadd.s32 v21, v35;
	s26 =	sadd.s32 $0x5, s24;
	v36 =	vld [tilespmem:s23+$0xFFFFFE00]  }
0x10c: {  	v44 =	vmov s28;
	v43 =	vmov s26;
	v38 =	vadd.s32 v17, v38;
	s26 =	sadd.s32 $0xD, s24  }
0x10d: {  	v34 =	vadd.s32 v17, v34;
	v45 =	vmov s26;
	v41 =	vadd.f32 v41, v33  }
0x10e: {  	v43 =	vshrl.u32 v43, $0x3;
	v45 =	vshrl.u32 v45, $0x3;
	v40 =	vadd.f32 v40, v33  }
0x10f: {  	v44 =	vshrl.u32 v44, $0x3;
	v37 =	vadd.f32 v37, v33;
	[tilespmem:v42+s16+$0x0] =	vst.idx.msk $0xffff, v41;
	v41 =	vshll.u32 v45, v1  }
0x110: {  	v36 =	vadd.f32 v36, v33;
	[tilespmem:v35+s16+$0x0] =	vst.idx.msk $0xffff, v40;
	v35 =	vshll.u32 v43, v1;
	v40 =	vld [tilespmem:s23+$0x140];
	v41 =	vbroadcast v41, $0x0  }
0x111: {  	v39 =	vshrl.u32 v39, $0x3;
	v42 =	vld [tilespmem:s23+$0xFFFFFF40];
	v35 =	vbroadcast v35, $0x0;
	[tilespmem:v38+s16+$0x0] =	vst.idx.msk $0xffff, v37;
	v37 =	vshll.u32 v44, v1  }
0x112: {  	s26 =	sadd.s32 $0x2, s24;
	[tilespmem:v34+s16+$0x0] =	vst.idx.msk $0xffff, v36;
	v34 =	vshll.u32 v39, v1;
	v36 =	vld [tilespmem:s23+$0x40];
	v37 =	vbroadcast v37, $0x0;
	v38 =	vadd.s32 v22, v41  }
0x113: {  	s28 =	sadd.s32 $0xA, s24;
	v41 =	vmov s26;
	s26 =	sadd.s32 $0x6, s24;
	v39 =	vld [tilespmem:s23+$0xFFFFFE40];
	v34 =	vbroadcast v34, $0x0;
	v35 =	vadd.s32 v22, v35  }
0x114: {  	v44 =	vmov s28;
	v43 =	vmov s26;
	s26 =	sadd.s32 $0xE, s24;
	v37 =	vadd.s32 v18, v37  }
0x115: {  	v45 =	vmov s26;
	v34 =	vadd.s32 v18, v34;
	v40 =	vadd.f32 v40, v33  }
0x116: {  	v43 =	vshrl.u32 v43, $0x3;
	v45 =	vshrl.u32 v45, $0x3;
	v42 =	vadd.f32 v42, v33  }
0x117: {  	v44 =	vshrl.u32 v44, $0x3;
	v36 =	vadd.f32 v36, v33;
	[tilespmem:v38+s16+$0x0] =	vst.idx.msk $0xffff, v40;
	v38 =	vshll.u32 v45, v1  }
0x118: {  	v39 =	vadd.f32 v39, v33;
	[tilespmem:v35+s16+$0x0] =	vst.idx.msk $0xffff, v42;
	v35 =	vshll.u32 v43, v1;
	v40 =	vld [tilespmem:s23+$0x180];
	v38 =	vbroadcast v38, $0x0  }
0x119: {  	v41 =	vshrl.u32 v41, $0x3;
	v42 =	vld [tilespmem:s23+$0xFFFFFF80];
	v35 =	vbroadcast v35, $0x0;
	[tilespmem:v37+s16+$0x0] =	vst.idx.msk $0xffff, v36;
	v36 =	vshll.u32 v44, v1  }
0x11a: {  	s26 =	sadd.s32 $0x3, s24;
	[tilespmem:v34+s16+$0x0] =	vst.idx.msk $0xffff, v39;
	v34 =	vshll.u32 v41, v1;
	v37 =	vld [tilespmem:s23+$0x80];
	v36 =	vbroadcast v36, $0x0;
	v38 =	vadd.s32 v23, v38  }
0x11b: {  	s28 =	sadd.s32 $0xB, s24;
	v43 =	vmov s26;
	s26 =	sadd.s32 $0x7, s24;
	v39 =	vld [tilespmem:s23+$0xFFFFFE80];
	v34 =	vbroadcast v34, $0x0;
	v35 =	vadd.s32 v23, v35  }
0x11c: {  	v44 =	vmov s28;
	v41 =	vmov s26;
	s26 =	sadd.s32 $0xF, s24;
	s24 =	smov.u32 s25;
	v36 =	vadd.s32 v19, v36  }
0x11d: {  	v45 =	vmov s26;
	v34 =	vadd.s32 v19, v34;
	v40 =	vadd.f32 v40, v33  }
0x11e: {  	v41 =	vshrl.u32 v41, $0x3;
	v45 =	vshrl.u32 v45, $0x3;
	v42 =	vadd.f32 v42, v33  }
0x11f: {  	v44 =	vshrl.u32 v44, $0x3;
	v37 =	vadd.f32 v37, v33;
	[tilespmem:v38+s16+$0x0] =	vst.idx.msk $0xffff, v40;
	v38 =	vshll.u32 v45, v1  }
.Ltmp2:
0x120: {  	v39 =	vadd.f32 v39, v33;
	[tilespmem:v35+s16+$0x0] =	vst.idx.msk $0xffff, v42;
	v35 =	vshll.u32 v41, v1;
	v41 =	vld [tilespmem:s23+$0x1C0];
	v38 =	vbroadcast v38, $0x0;
	(pc) =	sbr.rel @p0 .LBB2_7-.Ltmp2, $4  }
0x121: {  	v40 =	vshrl.u32 v43, $0x3;
	v42 =	vld [tilespmem:s23+$0xFFFFFFC0];
	v43 =	vbroadcast v35, $0x0;
	[tilespmem:v36+s16+$0x0] =	vst.idx.msk $0xffff, v37;
	v35 =	vshll.u32 v44, v1  }
0x122: {  	v37 =	vshll.u32 v40, v1;
	[tilespmem:v34+s16+$0x0] =	vst.idx.msk $0xffff, v39;
	v34 =	vld [tilespmem:s23+$0xC0];
	v45 =	vbroadcast v35, $0x0;
	v35 =	vadd.s32 v24, v38  }
0x123: {  	s28 =	sadd.s32 $0x8, s25;
	s26 =	sadd.s32 $0x4, s25;
	v40 =	vmov s25;
	v39 =	vbroadcast v37, $0x0;
	v36 =	vld [tilespmem:s23+$0xFFFFFEC0];
	v37 =	vadd.s32 v24, v43  }
0x124: {  	v44 =	vmov s26;
	s26 =	sadd.s32 $0xC, s24;
	s25 =	sadd.s32 $0x10, s25;
	v43 =	vmov s28;
	v38 =	vadd.s32 v20, v45  }
0x125: {  	v45 =	vmov s26;
	v39 =	vadd.s32 v20, v39;
	v44 =	vshrl.u32 v44, $0x3  }
0x126: {  	v41 =	vadd.f32 v41, v33;
	s23 =	sadd.s32 $0x400, s23;
	v43 =	vshrl.u32 v43, $0x3;
	v44 =	vshll.u32 v44, v1  }
0x127: {  	v40 =	vshrl.u32 v40, $0x3;
	v47 =	vld [tilespmem:s23+$0xFFFFFF00];
	v43 =	vshll.u32 v43, v1;
	v44 =	vbroadcast v44, $0x0  }
0x128: {  	v45 =	vshrl.u32 v45, $0x3;
	v40 =	vshll.u32 v40, v1;
	v48 =	vld [tilespmem:s23+$0x0];
	v43 =	vbroadcast v43, $0x0  }
0x129: {  	v49 =	vld [tilespmem:s23+$0xFFFFFE00];
	v45 =	vshll.u32 v45, v1;
	v40 =	vbroadcast v40, $0x0;
	v44 =	vadd.s32 v21, v44  }
0x12a: {  	s25 =	sadd.s32 $0x1, s24;
	s30 =	sadd.s32 $0x5, s24;
	v42 =	vadd.f32 v42, v33;
	v46 =	vld [tilespmem:s23+$0x100];
	v45 =	vbroadcast v45, $0x0;
	v43 =	vadd.s32 v17, v43  }
0x12b: {  	s31 =	sadd.s32 $0x9, s24;
	v50 =	vmov s25;
	v51 =	vmov s30;
	v40 =	vadd.s32 v17, v40  }
0x12c: {  	s28 =	sadd.s32 $0xD, s24;
	v52 =	vmov s31;
	v45 =	vadd.s32 v21, v45;
	v47 =	vadd.f32 v47, v33  }
0x12d: {  	v53 =	vmov s28;
	v51 =	vshrl.u32 v51, $0x3;
	v48 =	vadd.f32 v48, v33  }
0x12e: {  	v53 =	vshrl.u32 v53, $0x3;
	v52 =	vshrl.u32 v52, $0x3;
	v61 =	vadd.f32 v49, v33;
	[tilespmem:v44+s16+$0x0] =	vst.idx.msk $0xffff, v47  }
0x12f: {  	v55 =	vshrl.u32 v50, $0x3;
	v62 =	vshll.u32 v51, v1;
	v46 =	vadd.f32 v46, v33;
	[tilespmem:v43+s16+$0x0] =	vst.idx.msk $0xffff, v48  }
0x130: {  	v56 =	vshll.u32 v52, v1;
	v57 =	vshll.u32 v55, v1;
	v44 =	vbroadcast v62, $0x0;
	[tilespmem:v40+s16+$0x0] =	vst.idx.msk $0xffff, v61;
	v50 =	vld [tilespmem:s23+$0xFFFFFF40]  }
0x131: {  	s30 =	sadd.s32 $0x6, s24;
	v60 =	vshll.u32 v53, v1;
	v43 =	vbroadcast v56, $0x0;
	v40 =	vbroadcast v57, $0x0;
	[tilespmem:v45+s16+$0x0] =	vst.idx.msk $0xffff, v46;
	v58 =	vld [tilespmem:s23+$0x40]  }
0x132: {  	s29 =	sadd.s32 $0x2, s24;
	s31 =	sadd.s32 $0xA, s24;
	v61 =	vmov s30;
	v45 =	vbroadcast v60, $0x0;
	v63 =	vld [tilespmem:s23+$0x140];
	v44 =	vadd.s32 v22, v44  }
0x133: {  	v62 =	vmov s31;
	v59 =	vld [tilespmem:s23+$0xFFFFFE40];
	v60 =	vmov s29;
	v43 =	vadd.s32 v18, v43  }
0x134: {  	s31 =	sadd.s32 $0xB, s24;
	v51 =	vshrl.u32 v61, $0x3;
	v52 =	vshrl.u32 v62, $0x3;
	v45 =	vadd.s32 v22, v45  }
0x135: {  	s26 =	sadd.s32 $0xF, s24;
	v61 =	vmov s31;
	v40 =	vadd.s32 v18, v40;
	v50 =	vadd.f32 v50, v33  }
0x136: {  	s28 =	sadd.s32 $0xE, s24;
	v62 =	vmov s26;
	v55 =	vshll.u32 v51, v1;
	v46 =	vadd.f32 v58, v33  }
0x137: {  	v57 =	vshll.u32 v52, v1;
	v47 =	vadd.f32 v63, v33;
	v63 =	vmov s28;
	[tilespmem:v44+s16+$0x0] =	vst.idx.msk $0xffff, v50  }
0x138: {  	v54 =	vadd.f32 v59, v33;
	v53 =	vshrl.u32 v63, $0x3;
	v44 =	vbroadcast v55, $0x0;
	[tilespmem:v43+s16+$0x0] =	vst.idx.msk $0xffff, v46;
	v50 =	vld [tilespmem:s23+$0xFFFFFF80]  }
0x139: {  	v49 =	vshrl.u32 v60, $0x3;
	v43 =	vbroadcast v57, $0x0;
	[tilespmem:v45+s16+$0x0] =	vst.idx.msk $0xffff, v47;
	v53 =	vshll.u32 v53, v1;
	v46 =	vld [tilespmem:s23+$0x80]  }
0x13a: {  	s30 =	sadd.s32 $0x7, s24;
	v58 =	vshll.u32 v49, v1;
	[tilespmem:v40+s16+$0x0] =	vst.idx.msk $0xffff, v54;
	v56 =	vld [tilespmem:s23+$0x180];
	v45 =	vbroadcast v53, $0x0;
	v44 =	vadd.s32 v23, v44  }
0x13b: {  	v60 =	vmov s30;
	v40 =	vbroadcast v58, $0x0;
	v47 =	vld [tilespmem:s23+$0xFFFFFE80];
	v43 =	vadd.s32 v19, v43  }
0x13c: {  	v52 =	vshrl.u32 v61, $0x3;
	v51 =	vshrl.u32 v60, $0x3;
	v45 =	vadd.s32 v23, v45  }
0x13d: {  	s29 =	sadd.s32 $0x3, s24;
	v40 =	vadd.s32 v19, v40;
	v53 =	vshrl.u32 v62, $0x3;
	v50 =	vadd.f32 v50, v33  }
0x13e: {  	v59 =	vmov s29;
	v54 =	vshll.u32 v53, v1;
	v63 =	vadd.f32 v46, v33  }
0x13f: {  	v58 =	vshrl.u32 v59, $0x3;
	v48 =	vadd.f32 v56, v33;
	v56 =	vshll.u32 v51, v1;
	[tilespmem:v44+s16+$0x0] =	vst.idx.msk $0xffff, v50  }
0x140: {  	v55 =	vadd.f32 v47, v33;
	v46 =	vshll.u32 v52, v1;
	[tilespmem:v43+s16+$0x0] =	vst.idx.msk $0xffff, v63;
	v47 =	vbroadcast v56, $0x0;
	v59 =	vld [tilespmem:s23+$0xFFFFFFC0]  }
0x141: {  	v34 =	vadd.f32 v34, v33;
	v62 =	vbroadcast v46, $0x0;
	[tilespmem:v45+s16+$0x0] =	vst.idx.msk $0xffff, v48;
	v48 =	vbroadcast v54, $0x0;
	v61 =	vld [tilespmem:s23+$0xC0]  }
0x142: {  	v60 =	vshll.u32 v58, v1;
	[tilespmem:v40+s16+$0x0] =	vst.idx.msk $0xffff, v55;
	v57 =	vld [tilespmem:s23+$0x1C0];
	v49 =	vadd.s32 v24, v47  }
0x143: {  	[tilespmem:v35+s16+$0x0] =	vst.idx.msk $0xffff, v41;
	v40 =	vbroadcast v60, $0x0;
	v51 =	vadd.s32 v20, v62;
	v63 =	vadd.s32 v24, v48;
	v48 =	vld [tilespmem:s23+$0xFFFFFEC0]  }
0x144: {  	[tilespmem:v37+s16+$0x0] =	vst.idx.msk $0xffff, v42;
	v36 =	vadd.f32 v36, v33  }
0x145: {  	[tilespmem:v38+s16+$0x0] =	vst.idx.msk $0xffff, v34;
	v52 =	vadd.s32 v20, v40;
	v54 =	vadd.f32 v59, v33  }
0x146: {  	[tilespmem:v39+s16+$0x0] =	vst.idx.msk $0xffff, v36;
	v55 =	vadd.f32 v61, v33  }
0x147: {  	s29 =	simm.s32 $0x0;
	v53 =	vadd.f32 v57, v33;
	[tilespmem:v49+s16+$0x0] =	vst.idx.msk $0xffff, v54  }
0x148: {  	s28 =	simm.s32 $0xC;
	v58 =	vmov s29;
	v56 =	vadd.f32 v48, v33;
	[tilespmem:v51+s16+$0x0] =	vst.idx.msk $0xffff, v55  }
0x149: {  	s30 =	simm.s32 $0x4;
	v34 =	vshrl.u32 v58, $0x3;
	v57 =	vmov s28;
	[tilespmem:v63+s16+$0x0] =	vst.idx.msk $0xffff, v53  }
0x14a: {  	s31 =	simm.s32 $0x8;
	v34 =	vshll.u32 v34, v1;
	v59 =	vmov s30;
	v35 =	vshrl.u32 v57, $0x3;
	[tilespmem:v52+s16+$0x0] =	vst.idx.msk $0xffff, v56  }
0x14b: {  	v60 =	vmov s31;
	v36 =	vshrl.u32 v59, $0x3;
	v35 =	vshll.u32 v35, v1;
	v33 =	vld [tilespmem:s22+$0xEC30];
	s22 =	simm.s32 $0x6630  }
0x14c: {  	v37 =	vshrl.u32 v60, $0x3;
	v36 =	vshll.u32 v36, v1;
	v35 =	vbroadcast v35, $0x0;
	v38 =	vld [tilespmem:s22+$0x100]  }
0x14d: {  	v34 =	vbroadcast v34, $0x0;
	v37 =	vshll.u32 v37, v1;
	v36 =	vbroadcast v36, $0x0;
	v39 =	vld [tilespmem:s22+$0xFFFFFF00]  }
0x14e: {  	v37 =	vbroadcast v37, $0x0;
	v61 =	vld [tilespmem:s22+$0x0];
	v35 =	vadd.s32 v29, v35  }
0x14f: {  	s24 =	simm.s32 $0x1;
	s26 =	simm.s32 $0x9;
	v34 =	vadd.s32 v25, v34;
	v36 =	vadd.s32 v29, v36;
	v41 =	vld [tilespmem:s22+$0xFFFFFE00]  }
0x150: {  	s25 =	simm.s32 $0x5;
	v62 =	vmov s24;
	v37 =	vadd.s32 v25, v37;
	s28 =	simm.s32 $0xD;
	v48 =	vmov s26  }
0x151: {  	v49 =	vmov s28;
	v63 =	vmov s25;
	v38 =	vadd.f32 v38, v33  }
0x152: {  	v45 =	vshrl.u32 v49, $0x3;
	v44 =	vshrl.u32 v48, $0x3;
	v39 =	vadd.f32 v39, v33  }
0x153: {  	v43 =	vshrl.u32 v63, $0x3;
	v50 =	vshll.u32 v45, v1;
	v40 =	vadd.f32 v61, v33;
	[tilespmem:v35+s16+$0x0] =	vst.idx.msk $0xffff, v38  }
0x154: {  	v52 =	vshll.u32 v43, v1;
	v51 =	vadd.f32 v41, v33;
	[tilespmem:v36+s16+$0x0] =	vst.idx.msk $0xffff, v39;
	v35 =	vbroadcast v50, $0x0;
	v53 =	vld [tilespmem:s22+$0x140]  }
0x155: {  	v54 =	vshrl.u32 v62, $0x3;
	v56 =	vshll.u32 v44, v1;
	v36 =	vbroadcast v52, $0x0;
	[tilespmem:v37+s16+$0x0] =	vst.idx.msk $0xffff, v40;
	v55 =	vld [tilespmem:s22+$0xFFFFFF40]  }
0x156: {  	s29 =	simm.s32 $0x2;
	v57 =	vshll.u32 v54, v1;
	[tilespmem:v34+s16+$0x0] =	vst.idx.msk $0xffff, v51;
	v37 =	vbroadcast v56, $0x0;
	v58 =	vld [tilespmem:s22+$0x40];
	v35 =	vadd.s32 v30, v35  }
0x157: {  	s31 =	simm.s32 $0xA;
	v60 =	vmov s29;
	s24 =	simm.s32 $0xE;
	v34 =	vbroadcast v57, $0x0;
	v59 =	vld [tilespmem:s22+$0xFFFFFE40];
	v36 =	vadd.s32 v30, v36  }
0x158: {  	v62 =	vmov s31;
	v63 =	vmov s24;
	v37 =	vadd.s32 v26, v37  }
0x159: {  	s30 =	simm.s32 $0x6;
	v44 =	vshrl.u32 v62, $0x3;
	v34 =	vadd.s32 v26, v34;
	v39 =	vadd.f32 v53, v33  }
0x15a: {  	v45 =	vshrl.u32 v63, $0x3;
	v61 =	vmov s30;
	v42 =	vadd.f32 v55, v33  }
0x15b: {  	v48 =	vshll.u32 v45, v1;
	v43 =	vshrl.u32 v61, $0x3;
	v38 =	vadd.f32 v58, v33;
	[tilespmem:v35+s16+$0x0] =	vst.idx.msk $0xffff, v39  }
0x15c: {  	v50 =	vshll.u32 v43, v1;
	v49 =	vadd.f32 v59, v33;
	[tilespmem:v36+s16+$0x0] =	vst.idx.msk $0xffff, v42;
	v35 =	vbroadcast v48, $0x0;
	v51 =	vld [tilespmem:s22+$0x180]  }
0x15d: {  	v41 =	vshrl.u32 v60, $0x3;
	v52 =	vshll.u32 v44, v1;
	v36 =	vbroadcast v50, $0x0;
	[tilespmem:v37+s16+$0x0] =	vst.idx.msk $0xffff, v38;
	v42 =	vld [tilespmem:s22+$0xFFFFFF80]  }
0x15e: {  	s25 =	simm.s32 $0x3;
	v53 =	vshll.u32 v41, v1;
	[tilespmem:v34+s16+$0x0] =	vst.idx.msk $0xffff, v49;
	v37 =	vbroadcast v52, $0x0;
	v38 =	vld [tilespmem:s22+$0x80];
	v35 =	vadd.s32 v31, v35  }
0x15f: {  	s29 =	simm.s32 $0xF;
	s28 =	simm.s32 $0xB;
	v54 =	vmov s25;
	v34 =	vbroadcast v53, $0x0;
	v39 =	vld [tilespmem:s22+$0xFFFFFE80];
	v36 =	vadd.s32 v31, v36  }
0x160: {  	v56 =	vmov s28;
	v57 =	vmov s29;
	v37 =	vadd.s32 v27, v37  }
0x161: {  	s26 =	simm.s32 $0x7;
	v45 =	vshrl.u32 v57, $0x3;
	v34 =	vadd.s32 v27, v34;
	v40 =	vadd.f32 v51, v33  }
0x162: {  	v44 =	vshrl.u32 v56, $0x3;
	v55 =	vmov s26;
	v42 =	vadd.f32 v42, v33  }
0x163: {  	v45 =	vshll.u32 v45, v1;
	v41 =	vshrl.u32 v55, $0x3;
	v38 =	vadd.f32 v38, v33;
	[tilespmem:v35+s16+$0x0] =	vst.idx.msk $0xffff, v40  }
0x164: {  	v59 =	vbroadcast v45, $0x0;
	v58 =	vshll.u32 v41, v1;
	v39 =	vadd.f32 v39, v33;
	[tilespmem:v36+s16+$0x0] =	vst.idx.msk $0xffff, v42;
	v41 =	vld [tilespmem:s22+$0x1C0]  }
0x165: {  	v60 =	vshrl.u32 v54, $0x3;
	v62 =	vshll.u32 v44, v1;
	v61 =	vbroadcast v58, $0x0;
	[tilespmem:v37+s16+$0x0] =	vst.idx.msk $0xffff, v38;
	v42 =	vld [tilespmem:s22+$0xFFFFFFC0]  }
0x166: {  	s31 =	simm.s32 $0x18;
	v63 =	vbroadcast v62, $0x0;
	v36 =	vshll.u32 v60, v1;
	v35 =	vadd.s32 v32, v59;
	[tilespmem:v34+s16+$0x0] =	vst.idx.msk $0xffff, v39;
	v34 =	vld [tilespmem:s22+$0xC0]  }
0x167: {  	s23 =	simm.s32 $0x10;
	s30 =	simm.s32 $0x14;
	v43 =	vmov s31;
	v37 =	vadd.s32 v32, v61;
	v39 =	vbroadcast v36, $0x0;
	v36 =	vld [tilespmem:s22+$0xFFFFFEC0]  }
0x168: {  	s25 =	simm.s32 $0x1C;
	s24 =	simm.s32 $0x20;
	v44 =	vmov s30;
	v40 =	vmov s23;
	v38 =	vadd.s32 v28, v63  }
.LBB2_9:
0x169: {  	p0 =	slt.u32 s24, $0x70;
	v45 =	vmov s25;
	v39 =	vadd.s32 v28, v39;
	v41 =	vadd.f32 v41, v33  }
0x16a: {  	v44 =	vshrl.u32 v44, $0x3;
	v45 =	vshrl.u32 v45, $0x3;
	v42 =	vadd.f32 v42, v33  }
0x16b: {  	v43 =	vshrl.u32 v43, $0x3;
	s22 =	sadd.s32 $0x400, s22;
	v45 =	vshll.u32 v45, v1;
	v34 =	vadd.f32 v34, v33;
	[tilespmem:v35+s16+$0x0] =	vst.idx.msk $0xffff, v41  }
0x16c: {  	v35 =	vshll.u32 v44, v1;
	v41 =	vld [tilespmem:s22+$0x100];
	v44 =	vbroadcast v45, $0x0;
	v36 =	vadd.f32 v36, v33;
	[tilespmem:v37+s16+$0x0] =	vst.idx.msk $0xffff, v42  }
0x16d: {  	v37 =	vshrl.u32 v40, $0x3;
	v35 =	vbroadcast v35, $0x0;
	v42 =	vshll.u32 v43, v1;
	v40 =	vld [tilespmem:s22+$0xFFFFFF00];
	[tilespmem:v38+s16+$0x0] =	vst.idx.msk $0xffff, v34  }
0x16e: {  	s25 =	sadd.s32 $0x1, s23;
	v34 =	vshll.u32 v37, v1;
	v38 =	vbroadcast v42, $0x0;
	v37 =	vld [tilespmem:s22+$0x0];
	v42 =	vadd.s32 v29, v44;
	[tilespmem:v39+s16+$0x0] =	vst.idx.msk $0xffff, v36  }
0x16f: {  	s26 =	sadd.s32 $0x9, s23;
	v34 =	vbroadcast v34, $0x0;
	v39 =	vmov s25;
	v35 =	vadd.s32 v29, v35;
	s25 =	sadd.s32 $0x5, s23;
	v36 =	vld [tilespmem:s22+$0xFFFFFE00]  }
0x170: {  	v44 =	vmov s26;
	v43 =	vmov s25;
	v38 =	vadd.s32 v25, v38;
	s25 =	sadd.s32 $0xD, s23  }
0x171: {  	v34 =	vadd.s32 v25, v34;
	v45 =	vmov s25;
	v41 =	vadd.f32 v41, v33  }
0x172: {  	v43 =	vshrl.u32 v43, $0x3;
	v45 =	vshrl.u32 v45, $0x3;
	v40 =	vadd.f32 v40, v33  }
0x173: {  	v44 =	vshrl.u32 v44, $0x3;
	v37 =	vadd.f32 v37, v33;
	[tilespmem:v42+s16+$0x0] =	vst.idx.msk $0xffff, v41;
	v41 =	vshll.u32 v45, v1  }
0x174: {  	v36 =	vadd.f32 v36, v33;
	[tilespmem:v35+s16+$0x0] =	vst.idx.msk $0xffff, v40;
	v35 =	vshll.u32 v43, v1;
	v40 =	vld [tilespmem:s22+$0x140];
	v41 =	vbroadcast v41, $0x0  }
0x175: {  	v39 =	vshrl.u32 v39, $0x3;
	v42 =	vld [tilespmem:s22+$0xFFFFFF40];
	v35 =	vbroadcast v35, $0x0;
	[tilespmem:v38+s16+$0x0] =	vst.idx.msk $0xffff, v37;
	v37 =	vshll.u32 v44, v1  }
0x176: {  	s25 =	sadd.s32 $0x2, s23;
	[tilespmem:v34+s16+$0x0] =	vst.idx.msk $0xffff, v36;
	v34 =	vshll.u32 v39, v1;
	v36 =	vld [tilespmem:s22+$0x40];
	v37 =	vbroadcast v37, $0x0;
	v38 =	vadd.s32 v30, v41  }
0x177: {  	s26 =	sadd.s32 $0xA, s23;
	v41 =	vmov s25;
	s25 =	sadd.s32 $0x6, s23;
	v39 =	vld [tilespmem:s22+$0xFFFFFE40];
	v34 =	vbroadcast v34, $0x0;
	v35 =	vadd.s32 v30, v35  }
0x178: {  	v44 =	vmov s26;
	v43 =	vmov s25;
	s25 =	sadd.s32 $0xE, s23;
	v37 =	vadd.s32 v26, v37  }
0x179: {  	v45 =	vmov s25;
	v34 =	vadd.s32 v26, v34;
	v40 =	vadd.f32 v40, v33  }
0x17a: {  	v43 =	vshrl.u32 v43, $0x3;
	v45 =	vshrl.u32 v45, $0x3;
	v42 =	vadd.f32 v42, v33  }
0x17b: {  	v44 =	vshrl.u32 v44, $0x3;
	v36 =	vadd.f32 v36, v33;
	[tilespmem:v38+s16+$0x0] =	vst.idx.msk $0xffff, v40;
	v38 =	vshll.u32 v45, v1  }
0x17c: {  	v39 =	vadd.f32 v39, v33;
	[tilespmem:v35+s16+$0x0] =	vst.idx.msk $0xffff, v42;
	v35 =	vshll.u32 v43, v1;
	v40 =	vld [tilespmem:s22+$0x180];
	v38 =	vbroadcast v38, $0x0  }
0x17d: {  	v41 =	vshrl.u32 v41, $0x3;
	v42 =	vld [tilespmem:s22+$0xFFFFFF80];
	v35 =	vbroadcast v35, $0x0;
	[tilespmem:v37+s16+$0x0] =	vst.idx.msk $0xffff, v36;
	v36 =	vshll.u32 v44, v1  }
0x17e: {  	s25 =	sadd.s32 $0x3, s23;
	[tilespmem:v34+s16+$0x0] =	vst.idx.msk $0xffff, v39;
	v34 =	vshll.u32 v41, v1;
	v37 =	vld [tilespmem:s22+$0x80];
	v36 =	vbroadcast v36, $0x0;
	v38 =	vadd.s32 v31, v38  }
0x17f: {  	s26 =	sadd.s32 $0xB, s23;
	v43 =	vmov s25;
	s25 =	sadd.s32 $0x7, s23;
	v39 =	vld [tilespmem:s22+$0xFFFFFE80];
	v34 =	vbroadcast v34, $0x0;
	v35 =	vadd.s32 v31, v35  }
0x180: {  	v44 =	vmov s26;
	v41 =	vmov s25;
	s25 =	sadd.s32 $0xF, s23;
	s23 =	smov.u32 s24;
	v36 =	vadd.s32 v27, v36  }
0x181: {  	v45 =	vmov s25;
	v34 =	vadd.s32 v27, v34;
	v40 =	vadd.f32 v40, v33  }
0x182: {  	v41 =	vshrl.u32 v41, $0x3;
	v45 =	vshrl.u32 v45, $0x3;
	v42 =	vadd.f32 v42, v33  }
0x183: {  	v44 =	vshrl.u32 v44, $0x3;
	v37 =	vadd.f32 v37, v33;
	[tilespmem:v38+s16+$0x0] =	vst.idx.msk $0xffff, v40;
	v38 =	vshll.u32 v45, v1  }
.Ltmp3:
0x184: {  	v39 =	vadd.f32 v39, v33;
	[tilespmem:v35+s16+$0x0] =	vst.idx.msk $0xffff, v42;
	v35 =	vshll.u32 v41, v1;
	v41 =	vld [tilespmem:s22+$0x1C0];
	v38 =	vbroadcast v38, $0x0;
	(pc) =	sbr.rel @p0 .LBB2_9-.Ltmp3, $4  }
0x185: {  	v40 =	vshrl.u32 v43, $0x3;
	v42 =	vld [tilespmem:s22+$0xFFFFFFC0];
	v43 =	vbroadcast v35, $0x0;
	[tilespmem:v36+s16+$0x0] =	vst.idx.msk $0xffff, v37;
	v35 =	vshll.u32 v44, v1  }
0x186: {  	v37 =	vshll.u32 v40, v1;
	[tilespmem:v34+s16+$0x0] =	vst.idx.msk $0xffff, v39;
	v34 =	vld [tilespmem:s22+$0xC0];
	v45 =	vbroadcast v35, $0x0;
	v35 =	vadd.s32 v32, v38  }
0x187: {  	s26 =	sadd.s32 $0x8, s24;
	s25 =	sadd.s32 $0x4, s24;
	v40 =	vmov s24;
	v39 =	vbroadcast v37, $0x0;
	v36 =	vld [tilespmem:s22+$0xFFFFFEC0];
	v37 =	vadd.s32 v32, v43  }
0x188: {  	v44 =	vmov s25;
	s25 =	sadd.s32 $0xC, s23;
	s24 =	sadd.s32 $0x10, s24;
	v43 =	vmov s26;
	v38 =	vadd.s32 v28, v45  }
0x189: {  	v45 =	vmov s25  }
0x18a: {  	v39 =	vadd.s32 v28, v39;
	v41 =	vadd.f32 v41, v33;
	v44 =	vshrl.u32 v44, $0x3  }
0x18b: {  	s22 =	sadd.s32 $0x400, s22;
	v43 =	vshrl.u32 v43, $0x3;
	v40 =	vshrl.u32 v40, $0x3;
	v44 =	vshll.u32 v44, v1  }
0x18c: {  	v45 =	vshrl.u32 v45, $0x3;
	v47 =	vld [tilespmem:s22+$0xFFFFFF00];
	v43 =	vshll.u32 v43, v1;
	v44 =	vbroadcast v44, $0x0  }
0x18d: {  	s24 =	sadd.s32 $0x1, s23;
	v40 =	vshll.u32 v40, v1;
	v48 =	vld [tilespmem:s22+$0x0];
	v45 =	vshll.u32 v45, v1;
	v43 =	vbroadcast v43, $0x0  }
0x18e: {  	s25 =	sadd.s32 $0x5, s23;
	v46 =	vld [tilespmem:s22+$0x100];
	v50 =	vmov s24;
	v45 =	vbroadcast v45, $0x0;
	v44 =	vadd.s32 v29, v44  }
0x18f: {  	s26 =	sadd.s32 $0x9, s23;
	s28 =	sadd.s32 $0xD, s23;
	v49 =	vld [tilespmem:s22+$0xFFFFFE00];
	v51 =	vmov s25;
	v40 =	vbroadcast v40, $0x0;
	v43 =	vadd.s32 v25, v43  }
0x190: {  	v52 =	vmov s26;
	v53 =	vmov s28;
	v45 =	vadd.s32 v29, v45  }
0x191: {  	v51 =	vshrl.u32 v51, $0x3;
	v40 =	vadd.s32 v25, v40;
	v47 =	vadd.f32 v47, v33  }
0x192: {  	v53 =	vshrl.u32 v53, $0x3;
	v52 =	vshrl.u32 v52, $0x3;
	v48 =	vadd.f32 v48, v33  }
0x193: {  	v56 =	vshrl.u32 v50, $0x3;
	v55 =	vshll.u32 v51, v1;
	v46 =	vadd.f32 v46, v33;
	[tilespmem:v44+s16+$0x0] =	vst.idx.msk $0xffff, v47  }
0x194: {  	s29 =	sadd.s32 $0x2, s23;
	v57 =	vshll.u32 v52, v1;
	v54 =	vadd.f32 v49, v33;
	v44 =	vbroadcast v55, $0x0;
	[tilespmem:v43+s16+$0x0] =	vst.idx.msk $0xffff, v48;
	v50 =	vld [tilespmem:s22+$0xFFFFFF40]  }
0x195: {  	v61 =	vmov s29;
	v53 =	vshll.u32 v53, v1;
	v43 =	vbroadcast v57, $0x0;
	[tilespmem:v45+s16+$0x0] =	vst.idx.msk $0xffff, v46;
	v59 =	vld [tilespmem:s22+$0x40]  }
0x196: {  	s30 =	sadd.s32 $0x6, s23;
	v58 =	vshll.u32 v56, v1;
	[tilespmem:v40+s16+$0x0] =	vst.idx.msk $0xffff, v54;
	v45 =	vbroadcast v53, $0x0;
	v47 =	vld [tilespmem:s22+$0x140];
	v44 =	vadd.s32 v30, v44  }
0x197: {  	s31 =	sadd.s32 $0xA, s23;
	v62 =	vmov s30;
	v40 =	vbroadcast v58, $0x0;
	v60 =	vld [tilespmem:s22+$0xFFFFFE40];
	v43 =	vadd.s32 v26, v43  }
0x198: {  	v63 =	vmov s31;
	v51 =	vshrl.u32 v62, $0x3;
	v45 =	vadd.s32 v30, v45  }
0x199: {  	v52 =	vshrl.u32 v63, $0x3;
	v40 =	vadd.s32 v26, v40;
	v50 =	vadd.f32 v50, v33  }
0x19a: {  	s25 =	sadd.s32 $0xE, s23;
	v49 =	vshrl.u32 v61, $0x3;
	v61 =	vshll.u32 v52, v1;
	v46 =	vadd.f32 v59, v33  }
0x19b: {  	v56 =	vmov s25;
	v59 =	vshll.u32 v51, v1;
	v47 =	vadd.f32 v47, v33;
	[tilespmem:v44+s16+$0x0] =	vst.idx.msk $0xffff, v50  }
0x19c: {  	v53 =	vshrl.u32 v56, $0x3;
	v58 =	vadd.f32 v60, v33;
	v44 =	vbroadcast v59, $0x0;
	[tilespmem:v43+s16+$0x0] =	vst.idx.msk $0xffff, v46;
	v50 =	vld [tilespmem:s22+$0xFFFFFF80]  }
0x19d: {  	v42 =	vadd.f32 v42, v33;
	v57 =	vshll.u32 v53, v1;
	v43 =	vbroadcast v61, $0x0;
	[tilespmem:v45+s16+$0x0] =	vst.idx.msk $0xffff, v47;
	v46 =	vld [tilespmem:s22+$0x80]  }
0x19e: {  	s28 =	sadd.s32 $0x7, s23;
	v62 =	vshll.u32 v49, v1;
	[tilespmem:v40+s16+$0x0] =	vst.idx.msk $0xffff, v58;
	v45 =	vbroadcast v57, $0x0;
	v60 =	vld [tilespmem:s22+$0x180];
	v44 =	vadd.s32 v31, v44  }
0x19f: {  	s26 =	sadd.s32 $0x3, s23;
	s29 =	sadd.s32 $0xB, s23;
	v63 =	vmov s28;
	v40 =	vbroadcast v62, $0x0;
	v47 =	vld [tilespmem:s22+$0xFFFFFE80];
	v43 =	vadd.s32 v27, v43  }
0x1a0: {  	v49 =	vmov s26;
	v56 =	vmov s29;
	v45 =	vadd.s32 v31, v45  }
0x1a1: {  	s30 =	sadd.s32 $0xF, s23;
	v51 =	vshrl.u32 v63, $0x3;
	v40 =	vadd.s32 v27, v40;
	v50 =	vadd.f32 v50, v33  }
0x1a2: {  	v59 =	vshrl.u32 v56, $0x3;
	v57 =	vmov s30;
	v58 =	vadd.f32 v46, v33  }
0x1a3: {  	v62 =	vshll.u32 v51, v1;
	v53 =	vshrl.u32 v57, $0x3;
	v48 =	vadd.f32 v60, v33;
	[tilespmem:v44+s16+$0x0] =	vst.idx.msk $0xffff, v50  }
0x1a4: {  	v61 =	vadd.f32 v47, v33;
	v47 =	vbroadcast v62, $0x0;
	v46 =	vshll.u32 v59, v1;
	[tilespmem:v43+s16+$0x0] =	vst.idx.msk $0xffff, v58;
	v51 =	vld [tilespmem:s22+$0xFFFFFFC0]  }
0x1a5: {  	v49 =	vshrl.u32 v49, $0x3;
	v60 =	vshll.u32 v53, v1;
	v54 =	vbroadcast v46, $0x0;
	[tilespmem:v45+s16+$0x0] =	vst.idx.msk $0xffff, v48;
	v53 =	vld [tilespmem:s22+$0xC0]  }
0x1a6: {  	v52 =	vshll.u32 v49, v1;
	[tilespmem:v40+s16+$0x0] =	vst.idx.msk $0xffff, v61;
	v57 =	vadd.s32 v32, v47;
	v48 =	vbroadcast v60, $0x0;
	v63 =	vld [tilespmem:s22+$0x1C0]  }
0x1a7: {  	[tilespmem:v35+s16+$0x0] =	vst.idx.msk $0xffff, v41;
	v34 =	vadd.f32 v34, v33;
	v40 =	vbroadcast v52, $0x0;
	v56 =	vld [tilespmem:s22+$0xFFFFFEC0];
	v58 =	vadd.s32 v28, v54  }
0x1a8: {  	[tilespmem:v37+s16+$0x0] =	vst.idx.msk $0xffff, v42;
	v36 =	vadd.f32 v36, v33;
	v55 =	vadd.s32 v32, v48  }
0x1a9: {  	[tilespmem:v38+s16+$0x0] =	vst.idx.msk $0xffff, v34;
	v59 =	vadd.s32 v28, v40;
	v61 =	vadd.f32 v51, v33  }
0x1aa: {  	s31 =	sshll.u32 s20, $0x13;
	[tilespmem:v39+s16+$0x0] =	vst.idx.msk $0xffff, v36;
	v62 =	vadd.f32 v53, v33  }
0x1ab: {  	s22 =	sor.u32 s4, s31;
	v60 =	vadd.f32 v63, v33;
	[tilespmem:v57+s16+$0x0] =	vst.idx.msk $0xffff, v61  }
0x1ac: {  	s22 =	sshrl.u32 s22, $0x3;
	v63 =	vadd.f32 v56, v33;
	[tilespmem:v58+s16+$0x0] =	vst.idx.msk $0xffff, v62  }
0x1ad: {  	s23 =	simm.s32 $0xA400;
	s22 =	sadd.s32 s6, s22;
	[tilespmem:v55+s16+$0x0] =	vst.idx.msk $0xffff, v60  }
0x1ae: {  	s24 =	simm.s32 $0x200;
	s25 =	simm.s32 $0xA490;
	s26 =	sadd.s32 $0x0, s22;
	[tilespmem:v59+s16+$0x0] =	vst.idx.msk $0xffff, v63  }
.LBB2_11:
0x1af: {  	[hbm4b:s26+s3] =	stream.linear.scatter [tilespmem:s23], [sflag:$0x2], $0x80, $0x38;
	[tilespmem:$0x11E00] =	vst v63  }
0x1b0: {  	s26 =	smov.u32 s24;
	s23 =	smov.u32 s25;
	p0 =	sne.s32 s24, $0x7E00  }
.Ltmp4:
0x1b1: {  	s24 =	sadd.s32 $0x200, s24;
	(pc) =	sbr.rel @p0 .LBB2_11-.Ltmp4, $2  }
0x1b2: {  	_ =	sdelay $0x2  }
0x1b3: {  	s25 =	sadd.s32 $0x90, s25;
	s26 =	sadd.s32 s26, s22  }
0x1b4: {  	[hbm4b:s26+s3] =	stream.linear.scatter [tilespmem:s23], [sflag:$0x2], $0x80, $0x38;
	[tilespmem:$0x11E00] =	vst v63  }
0x1b5: {  	_ =	swait.ge [sflag:s14], $0x2000  }
0x1b6: {  	p0 =	seq.s32 s20, $0x63;
	[sflag:s14] =	ssyncset.done $0x0  }
0x1b7: {  	s22 =	simm.s32 @!p0 $0x2;
	[sflag:s14] =	ssyncadd.s32 $0xFFFFE000  }
0x1b8: {  	_ =	swait.ge @!p0 [sflag:s22], $0x2000  }
0x1b9: {  	s23 =	sshll.u32 @!p0 s20, $0x8;
	[sflag:s22] =	ssyncset.done @!p0 $0x0  }
0x1ba: {  	[sflag:s22] =	ssyncadd.s32 @!p0 $0xFFFFE000;
	s22 =	sand.u32 @!p0 $0x3FFFFF00, s23  }
0x1bb: {  	s24 =	simm.s32 @!p0 $0x6400;
	s23 =	simm.s32 @!p0 $0x80;
	s22 =	sadd.s32 @!p0 $0x100, s22  }
0x1bc: {  	[tilespmem:s24], [sflag:$0x1] =	stream.indirect.gather @!p0 [hbm4b:s5+s23], $0x40, s22, s23, $0xb8;
	[tilespmem:$0x11E00] =	vst v63  }
0x1bd: {  	s23 =	simm.s32 $0xC  }
0x1be: {  	s26 =	simm.s32 $0x0;
	s25 =	simm.s32 $0x4;
	s24 =	sshll.u32 s21, $0x6;
	v33 =	vmov s23  }
0x1bf: {  	s28 =	simm.s32 $0x8;
	v34 =	vmov s26;
	v35 =	vmov s25;
	s22 =	sand.u32 $0x3FFFFFC0, s24;
	v36 =	vshrl.u32 v33, $0x3  }
0x1c0: {  	v37 =	vmov s28;
	v35 =	vshrl.u32 v35, $0x3;
	s23 =	simm.s32 $0x8600;
	v33 =	vld [tilespmem:s22+$0xEC00];
	v36 =	vshll.u32 v36, v1  }
0x1c1: {  	v37 =	vshrl.u32 v37, $0x3;
	v35 =	vshll.u32 v35, v1;
	v38 =	vld [tilespmem:s23+$0x100];
	v36 =	vbroadcast v36, $0x0  }
0x1c2: {  	v34 =	vshrl.u32 v34, $0x3;
	v37 =	vshll.u32 v37, v1;
	v35 =	vbroadcast v35, $0x0;
	v39 =	vld [tilespmem:s23+$0xFFFFFF00]  }
0x1c3: {  	s29 =	simm.s32 $0x1;
	v34 =	vshll.u32 v34, v1;
	v37 =	vbroadcast v37, $0x0;
	v40 =	vld [tilespmem:s23+$0x0];
	v36 =	vadd.s32 v5, v36  }
0x1c4: {  	s30 =	simm.s32 $0x5;
	s31 =	simm.s32 $0x9;
	v42 =	vmov s29;
	v34 =	vbroadcast v34, $0x0;
	v35 =	vadd.s32 v5, v35;
	v41 =	vld [tilespmem:s23+$0xFFFFFE00]  }
0x1c5: {  	v43 =	vmov s30;
	v44 =	vmov s31;
	s26 =	simm.s32 $0xD;
	v37 =	vadd.s32 v0, v37  }
0x1c6: {  	v45 =	vmov s26;
	v34 =	vadd.s32 v0, v34;
	v38 =	vadd.f32 v38, v33  }
0x1c7: {  	v43 =	vshrl.u32 v43, $0x3;
	v45 =	vshrl.u32 v45, $0x3;
	v39 =	vadd.f32 v39, v33  }
0x1c8: {  	v44 =	vshrl.u32 v44, $0x3;
	v50 =	vshll.u32 v45, v1;
	v40 =	vadd.f32 v40, v33;
	[tilespmem:v36+s17+$0x0] =	vst.idx.msk $0xffff, v38  }
0x1c9: {  	v52 =	vshll.u32 v43, v1;
	v51 =	vadd.f32 v41, v33;
	[tilespmem:v35+s17+$0x0] =	vst.idx.msk $0xffff, v39;
	v36 =	vbroadcast v50, $0x0;
	v53 =	vld [tilespmem:s23+$0x140]  }
0x1ca: {  	v54 =	vshrl.u32 v42, $0x3;
	v56 =	vshll.u32 v44, v1;
	v35 =	vbroadcast v52, $0x0;
	[tilespmem:v37+s17+$0x0] =	vst.idx.msk $0xffff, v40;
	v55 =	vld [tilespmem:s23+$0xFFFFFF40]  }
0x1cb: {  	s28 =	simm.s32 $0x2;
	v57 =	vshll.u32 v54, v1;
	[tilespmem:v34+s17+$0x0] =	vst.idx.msk $0xffff, v51;
	v37 =	vbroadcast v56, $0x0;
	v58 =	vld [tilespmem:s23+$0x40];
	v36 =	vadd.s32 v6, v36  }
0x1cc: {  	s29 =	simm.s32 $0x6;
	s30 =	simm.s32 $0xA;
	v60 =	vmov s28;
	v34 =	vbroadcast v57, $0x0;
	v59 =	vld [tilespmem:s23+$0xFFFFFE40];
	v35 =	vadd.s32 v6, v35  }
0x1cd: {  	s31 =	simm.s32 $0xE;
	v61 =	vmov s29;
	v62 =	vmov s30;
	v37 =	vadd.s32 v2, v37  }
0x1ce: {  	v63 =	vmov s31;
	v34 =	vadd.s32 v2, v34;
	v39 =	vadd.f32 v53, v33  }
0x1cf: {  	v43 =	vshrl.u32 v61, $0x3;
	v45 =	vshrl.u32 v63, $0x3;
	v42 =	vadd.f32 v55, v33  }
0x1d0: {  	v44 =	vshrl.u32 v62, $0x3;
	v46 =	vshll.u32 v45, v1;
	v38 =	vadd.f32 v58, v33;
	[tilespmem:v36+s17+$0x0] =	vst.idx.msk $0xffff, v39  }
0x1d1: {  	v48 =	vshll.u32 v43, v1;
	v47 =	vadd.f32 v59, v33;
	[tilespmem:v35+s17+$0x0] =	vst.idx.msk $0xffff, v42;
	v36 =	vbroadcast v46, $0x0;
	v49 =	vld [tilespmem:s23+$0x180]  }
0x1d2: {  	v41 =	vshrl.u32 v60, $0x3;
	v50 =	vshll.u32 v44, v1;
	v35 =	vbroadcast v48, $0x0;
	[tilespmem:v37+s17+$0x0] =	vst.idx.msk $0xffff, v38;
	v42 =	vld [tilespmem:s23+$0xFFFFFF80]  }
0x1d3: {  	s28 =	simm.s32 $0xB;
	v51 =	vshll.u32 v41, v1;
	[tilespmem:v34+s17+$0x0] =	vst.idx.msk $0xffff, v47;
	v37 =	vbroadcast v50, $0x0;
	v38 =	vld [tilespmem:s23+$0x80];
	v36 =	vadd.s32 v7, v36  }
0x1d4: {  	s25 =	simm.s32 $0x3;
	v54 =	vmov s28;
	v34 =	vbroadcast v51, $0x0;
	v39 =	vld [tilespmem:s23+$0xFFFFFE80];
	v35 =	vadd.s32 v7, v35  }
0x1d5: {  	s29 =	simm.s32 $0xF;
	v52 =	vmov s25;
	v44 =	vshrl.u32 v54, $0x3;
	v37 =	vadd.s32 v3, v37  }
0x1d6: {  	s26 =	simm.s32 $0x7;
	v55 =	vmov s29;
	v34 =	vadd.s32 v3, v34;
	v40 =	vadd.f32 v49, v33  }
0x1d7: {  	v45 =	vshrl.u32 v55, $0x3;
	v53 =	vmov s26;
	v42 =	vadd.f32 v42, v33  }
0x1d8: {  	v45 =	vshll.u32 v45, v1;
	v41 =	vshrl.u32 v53, $0x3;
	v38 =	vadd.f32 v38, v33;
	[tilespmem:v36+s17+$0x0] =	vst.idx.msk $0xffff, v40  }
0x1d9: {  	v58 =	vbroadcast v45, $0x0;
	v57 =	vshll.u32 v41, v1;
	v56 =	vadd.f32 v39, v33;
	[tilespmem:v35+s17+$0x0] =	vst.idx.msk $0xffff, v42;
	v41 =	vld [tilespmem:s23+$0x1C0]  }
0x1da: {  	v61 =	vshll.u32 v44, v1;
	v59 =	vshrl.u32 v52, $0x3;
	v60 =	vbroadcast v57, $0x0;
	[tilespmem:v37+s17+$0x0] =	vst.idx.msk $0xffff, v38;
	v42 =	vld [tilespmem:s23+$0xFFFFFFC0]  }
0x1db: {  	s31 =	simm.s32 $0x18;
	v63 =	vbroadcast v61, $0x0;
	v62 =	vshll.u32 v59, v1;
	v35 =	vadd.s32 v8, v58;
	[tilespmem:v34+s17+$0x0] =	vst.idx.msk $0xffff, v56;
	v34 =	vld [tilespmem:s23+$0xC0]  }
0x1dc: {  	s30 =	simm.s32 $0x14;
	v43 =	vmov s31;
	s24 =	simm.s32 $0x10;
	v39 =	vbroadcast v62, $0x0;
	v37 =	vadd.s32 v8, v60;
	v36 =	vld [tilespmem:s23+$0xFFFFFEC0]  }
0x1dd: {  	s25 =	simm.s32 $0x20;
	v44 =	vmov s30;
	s26 =	simm.s32 $0x1C;
	v38 =	vadd.s32 v4, v63;
	v40 =	vmov s24  }
.LBB2_13:
0x1de: {  	p0 =	slt.u32 s25, $0x70;
	v45 =	vmov s26;
	v39 =	vadd.s32 v4, v39;
	v41 =	vadd.f32 v41, v33  }
0x1df: {  	v44 =	vshrl.u32 v44, $0x3;
	v45 =	vshrl.u32 v45, $0x3;
	v42 =	vadd.f32 v42, v33  }
0x1e0: {  	v43 =	vshrl.u32 v43, $0x3;
	s23 =	sadd.s32 $0x400, s23;
	v45 =	vshll.u32 v45, v1;
	v34 =	vadd.f32 v34, v33;
	[tilespmem:v35+s17+$0x0] =	vst.idx.msk $0xffff, v41  }
0x1e1: {  	v35 =	vshll.u32 v44, v1;
	v41 =	vld [tilespmem:s23+$0x100];
	v44 =	vbroadcast v45, $0x0;
	v36 =	vadd.f32 v36, v33;
	[tilespmem:v37+s17+$0x0] =	vst.idx.msk $0xffff, v42  }
0x1e2: {  	v37 =	vshrl.u32 v40, $0x3;
	v35 =	vbroadcast v35, $0x0;
	v42 =	vshll.u32 v43, v1;
	v40 =	vld [tilespmem:s23+$0xFFFFFF00];
	[tilespmem:v38+s17+$0x0] =	vst.idx.msk $0xffff, v34  }
0x1e3: {  	s26 =	sadd.s32 $0x1, s24;
	v34 =	vshll.u32 v37, v1;
	v38 =	vbroadcast v42, $0x0;
	v37 =	vld [tilespmem:s23+$0x0];
	v42 =	vadd.s32 v5, v44;
	[tilespmem:v39+s17+$0x0] =	vst.idx.msk $0xffff, v36  }
0x1e4: {  	s28 =	sadd.s32 $0x9, s24;
	v34 =	vbroadcast v34, $0x0;
	v39 =	vmov s26;
	v35 =	vadd.s32 v5, v35;
	s26 =	sadd.s32 $0x5, s24;
	v36 =	vld [tilespmem:s23+$0xFFFFFE00]  }
0x1e5: {  	v44 =	vmov s28;
	v43 =	vmov s26;
	v38 =	vadd.s32 v0, v38;
	s26 =	sadd.s32 $0xD, s24  }
0x1e6: {  	v34 =	vadd.s32 v0, v34;
	v45 =	vmov s26;
	v41 =	vadd.f32 v41, v33  }
0x1e7: {  	v43 =	vshrl.u32 v43, $0x3;
	v45 =	vshrl.u32 v45, $0x3;
	v40 =	vadd.f32 v40, v33  }
0x1e8: {  	v44 =	vshrl.u32 v44, $0x3;
	v37 =	vadd.f32 v37, v33;
	[tilespmem:v42+s17+$0x0] =	vst.idx.msk $0xffff, v41;
	v41 =	vshll.u32 v45, v1  }
0x1e9: {  	v36 =	vadd.f32 v36, v33;
	[tilespmem:v35+s17+$0x0] =	vst.idx.msk $0xffff, v40;
	v35 =	vshll.u32 v43, v1;
	v40 =	vld [tilespmem:s23+$0x140];
	v41 =	vbroadcast v41, $0x0  }
0x1ea: {  	v39 =	vshrl.u32 v39, $0x3;
	v42 =	vld [tilespmem:s23+$0xFFFFFF40];
	v35 =	vbroadcast v35, $0x0;
	[tilespmem:v38+s17+$0x0] =	vst.idx.msk $0xffff, v37;
	v37 =	vshll.u32 v44, v1  }
0x1eb: {  	s26 =	sadd.s32 $0x2, s24;
	[tilespmem:v34+s17+$0x0] =	vst.idx.msk $0xffff, v36;
	v34 =	vshll.u32 v39, v1;
	v36 =	vld [tilespmem:s23+$0x40];
	v37 =	vbroadcast v37, $0x0;
	v38 =	vadd.s32 v6, v41  }
0x1ec: {  	s28 =	sadd.s32 $0xA, s24;
	v41 =	vmov s26;
	s26 =	sadd.s32 $0x6, s24;
	v39 =	vld [tilespmem:s23+$0xFFFFFE40];
	v34 =	vbroadcast v34, $0x0;
	v35 =	vadd.s32 v6, v35  }
0x1ed: {  	v44 =	vmov s28;
	v43 =	vmov s26;
	s26 =	sadd.s32 $0xE, s24;
	v37 =	vadd.s32 v2, v37  }
0x1ee: {  	v45 =	vmov s26;
	v34 =	vadd.s32 v2, v34;
	v40 =	vadd.f32 v40, v33  }
0x1ef: {  	v43 =	vshrl.u32 v43, $0x3;
	v45 =	vshrl.u32 v45, $0x3;
	v42 =	vadd.f32 v42, v33  }
0x1f0: {  	v44 =	vshrl.u32 v44, $0x3;
	v36 =	vadd.f32 v36, v33;
	[tilespmem:v38+s17+$0x0] =	vst.idx.msk $0xffff, v40;
	v38 =	vshll.u32 v45, v1  }
0x1f1: {  	v39 =	vadd.f32 v39, v33;
	[tilespmem:v35+s17+$0x0] =	vst.idx.msk $0xffff, v42;
	v35 =	vshll.u32 v43, v1;
	v40 =	vld [tilespmem:s23+$0x180];
	v38 =	vbroadcast v38, $0x0  }
0x1f2: {  	v41 =	vshrl.u32 v41, $0x3;
	v42 =	vld [tilespmem:s23+$0xFFFFFF80];
	v35 =	vbroadcast v35, $0x0;
	[tilespmem:v37+s17+$0x0] =	vst.idx.msk $0xffff, v36;
	v36 =	vshll.u32 v44, v1  }
0x1f3: {  	s26 =	sadd.s32 $0x3, s24;
	[tilespmem:v34+s17+$0x0] =	vst.idx.msk $0xffff, v39;
	v34 =	vshll.u32 v41, v1;
	v37 =	vld [tilespmem:s23+$0x80];
	v36 =	vbroadcast v36, $0x0;
	v38 =	vadd.s32 v7, v38  }
0x1f4: {  	s28 =	sadd.s32 $0xB, s24;
	v43 =	vmov s26;
	s26 =	sadd.s32 $0x7, s24;
	v39 =	vld [tilespmem:s23+$0xFFFFFE80];
	v34 =	vbroadcast v34, $0x0;
	v35 =	vadd.s32 v7, v35  }
0x1f5: {  	v44 =	vmov s28;
	v41 =	vmov s26;
	s26 =	sadd.s32 $0xF, s24;
	s24 =	smov.u32 s25;
	v36 =	vadd.s32 v3, v36  }
0x1f6: {  	v45 =	vmov s26;
	v34 =	vadd.s32 v3, v34;
	v40 =	vadd.f32 v40, v33  }
0x1f7: {  	v41 =	vshrl.u32 v41, $0x3;
	v45 =	vshrl.u32 v45, $0x3;
	v42 =	vadd.f32 v42, v33  }
0x1f8: {  	v44 =	vshrl.u32 v44, $0x3;
	v37 =	vadd.f32 v37, v33;
	[tilespmem:v38+s17+$0x0] =	vst.idx.msk $0xffff, v40;
	v38 =	vshll.u32 v45, v1  }
.Ltmp5:
0x1f9: {  	v39 =	vadd.f32 v39, v33;
	[tilespmem:v35+s17+$0x0] =	vst.idx.msk $0xffff, v42;
	v35 =	vshll.u32 v41, v1;
	v41 =	vld [tilespmem:s23+$0x1C0];
	v38 =	vbroadcast v38, $0x0;
	(pc) =	sbr.rel @p0 .LBB2_13-.Ltmp5, $4  }
0x1fa: {  	v40 =	vshrl.u32 v43, $0x3;
	v42 =	vld [tilespmem:s23+$0xFFFFFFC0];
	v43 =	vbroadcast v35, $0x0;
	[tilespmem:v36+s17+$0x0] =	vst.idx.msk $0xffff, v37;
	v35 =	vshll.u32 v44, v1  }
0x1fb: {  	v37 =	vshll.u32 v40, v1;
	[tilespmem:v34+s17+$0x0] =	vst.idx.msk $0xffff, v39;
	v34 =	vld [tilespmem:s23+$0xC0];
	v45 =	vbroadcast v35, $0x0;
	v35 =	vadd.s32 v8, v38  }
0x1fc: {  	s28 =	sadd.s32 $0x8, s25;
	s26 =	sadd.s32 $0x4, s25;
	v40 =	vmov s25;
	v39 =	vbroadcast v37, $0x0;
	v36 =	vld [tilespmem:s23+$0xFFFFFEC0];
	v37 =	vadd.s32 v8, v43  }
0x1fd: {  	v44 =	vmov s26;
	s26 =	sadd.s32 $0xC, s24;
	s25 =	sadd.s32 $0x10, s25;
	v43 =	vmov s28;
	v38 =	vadd.s32 v4, v45  }
0x1fe: {  	v45 =	vmov s26;
	v39 =	vadd.s32 v4, v39;
	v44 =	vshrl.u32 v44, $0x3  }
0x1ff: {  	v41 =	vadd.f32 v41, v33;
	s23 =	sadd.s32 $0x400, s23;
	v43 =	vshrl.u32 v43, $0x3;
	v44 =	vshll.u32 v44, v1  }
0x200: {  	v40 =	vshrl.u32 v40, $0x3;
	v47 =	vld [tilespmem:s23+$0xFFFFFF00];
	v43 =	vshll.u32 v43, v1;
	v44 =	vbroadcast v44, $0x0  }
0x201: {  	v45 =	vshrl.u32 v45, $0x3;
	v40 =	vshll.u32 v40, v1;
	v48 =	vld [tilespmem:s23+$0x0];
	v43 =	vbroadcast v43, $0x0  }
0x202: {  	v49 =	vld [tilespmem:s23+$0xFFFFFE00];
	v45 =	vshll.u32 v45, v1;
	v40 =	vbroadcast v40, $0x0;
	v44 =	vadd.s32 v5, v44  }
0x203: {  	s25 =	sadd.s32 $0x1, s24;
	s30 =	sadd.s32 $0x5, s24;
	v42 =	vadd.f32 v42, v33;
	v46 =	vld [tilespmem:s23+$0x100];
	v45 =	vbroadcast v45, $0x0;
	v43 =	vadd.s32 v0, v43  }
0x204: {  	s31 =	sadd.s32 $0x9, s24;
	v50 =	vmov s25;
	v51 =	vmov s30;
	v40 =	vadd.s32 v0, v40  }
0x205: {  	s28 =	sadd.s32 $0xD, s24;
	v52 =	vmov s31;
	v45 =	vadd.s32 v5, v45;
	v47 =	vadd.f32 v47, v33  }
0x206: {  	v53 =	vmov s28;
	v51 =	vshrl.u32 v51, $0x3;
	v48 =	vadd.f32 v48, v33  }
0x207: {  	v53 =	vshrl.u32 v53, $0x3;
	v52 =	vshrl.u32 v52, $0x3;
	v61 =	vadd.f32 v49, v33;
	[tilespmem:v44+s17+$0x0] =	vst.idx.msk $0xffff, v47  }
0x208: {  	v55 =	vshrl.u32 v50, $0x3;
	v62 =	vshll.u32 v51, v1;
	v46 =	vadd.f32 v46, v33;
	[tilespmem:v43+s17+$0x0] =	vst.idx.msk $0xffff, v48  }
0x209: {  	v56 =	vshll.u32 v52, v1;
	v57 =	vshll.u32 v55, v1;
	v44 =	vbroadcast v62, $0x0;
	[tilespmem:v40+s17+$0x0] =	vst.idx.msk $0xffff, v61;
	v50 =	vld [tilespmem:s23+$0xFFFFFF40]  }
0x20a: {  	s30 =	sadd.s32 $0x6, s24;
	v60 =	vshll.u32 v53, v1;
	v43 =	vbroadcast v56, $0x0;
	v40 =	vbroadcast v57, $0x0;
	[tilespmem:v45+s17+$0x0] =	vst.idx.msk $0xffff, v46;
	v58 =	vld [tilespmem:s23+$0x40]  }
0x20b: {  	s29 =	sadd.s32 $0x2, s24;
	s31 =	sadd.s32 $0xA, s24;
	v61 =	vmov s30;
	v45 =	vbroadcast v60, $0x0;
	v63 =	vld [tilespmem:s23+$0x140];
	v44 =	vadd.s32 v6, v44  }
0x20c: {  	v62 =	vmov s31;
	v59 =	vld [tilespmem:s23+$0xFFFFFE40];
	v60 =	vmov s29;
	v43 =	vadd.s32 v2, v43  }
0x20d: {  	s30 =	sadd.s32 $0xB, s24;
	v51 =	vshrl.u32 v61, $0x3;
	v52 =	vshrl.u32 v62, $0x3;
	v45 =	vadd.s32 v6, v45  }
0x20e: {  	s31 =	sadd.s32 $0xF, s24;
	v61 =	vmov s30;
	v40 =	vadd.s32 v2, v40;
	v50 =	vadd.f32 v50, v33  }
0x20f: {  	s26 =	sadd.s32 $0xE, s24;
	v62 =	vmov s31;
	v55 =	vshll.u32 v51, v1;
	v46 =	vadd.f32 v58, v33  }
0x210: {  	v57 =	vshll.u32 v52, v1;
	v47 =	vadd.f32 v63, v33;
	v63 =	vmov s26;
	[tilespmem:v44+s17+$0x0] =	vst.idx.msk $0xffff, v50  }
0x211: {  	v54 =	vadd.f32 v59, v33;
	v53 =	vshrl.u32 v63, $0x3;
	v44 =	vbroadcast v55, $0x0;
	[tilespmem:v43+s17+$0x0] =	vst.idx.msk $0xffff, v46;
	v50 =	vld [tilespmem:s23+$0xFFFFFF80]  }
0x212: {  	v49 =	vshrl.u32 v60, $0x3;
	v43 =	vbroadcast v57, $0x0;
	[tilespmem:v45+s17+$0x0] =	vst.idx.msk $0xffff, v47;
	v53 =	vshll.u32 v53, v1;
	v46 =	vld [tilespmem:s23+$0x80]  }
0x213: {  	s29 =	sadd.s32 $0x7, s24;
	v58 =	vshll.u32 v49, v1;
	[tilespmem:v40+s17+$0x0] =	vst.idx.msk $0xffff, v54;
	v56 =	vld [tilespmem:s23+$0x180];
	v45 =	vbroadcast v53, $0x0;
	v44 =	vadd.s32 v7, v44  }
0x214: {  	v60 =	vmov s29;
	v40 =	vbroadcast v58, $0x0;
	v47 =	vld [tilespmem:s23+$0xFFFFFE80];
	v43 =	vadd.s32 v3, v43  }
0x215: {  	v52 =	vshrl.u32 v61, $0x3;
	v51 =	vshrl.u32 v60, $0x3;
	v45 =	vadd.s32 v7, v45  }
0x216: {  	s28 =	sadd.s32 $0x3, s24;
	v40 =	vadd.s32 v3, v40;
	v53 =	vshrl.u32 v62, $0x3;
	v50 =	vadd.f32 v50, v33  }
0x217: {  	v59 =	vmov s28;
	v54 =	vshll.u32 v53, v1;
	v63 =	vadd.f32 v46, v33  }
0x218: {  	v58 =	vshrl.u32 v59, $0x3;
	v48 =	vadd.f32 v56, v33;
	v56 =	vshll.u32 v51, v1;
	[tilespmem:v44+s17+$0x0] =	vst.idx.msk $0xffff, v50  }
0x219: {  	v55 =	vadd.f32 v47, v33;
	v46 =	vshll.u32 v52, v1;
	[tilespmem:v43+s17+$0x0] =	vst.idx.msk $0xffff, v63;
	v47 =	vbroadcast v56, $0x0;
	v59 =	vld [tilespmem:s23+$0xFFFFFFC0]  }
0x21a: {  	v34 =	vadd.f32 v34, v33;
	v62 =	vbroadcast v46, $0x0;
	[tilespmem:v45+s17+$0x0] =	vst.idx.msk $0xffff, v48;
	v48 =	vbroadcast v54, $0x0;
	v61 =	vld [tilespmem:s23+$0xC0]  }
0x21b: {  	v60 =	vshll.u32 v58, v1;
	[tilespmem:v40+s17+$0x0] =	vst.idx.msk $0xffff, v55;
	v57 =	vld [tilespmem:s23+$0x1C0];
	v49 =	vadd.s32 v8, v47  }
0x21c: {  	[tilespmem:v35+s17+$0x0] =	vst.idx.msk $0xffff, v41;
	v40 =	vbroadcast v60, $0x0;
	v51 =	vadd.s32 v4, v62;
	v63 =	vadd.s32 v8, v48;
	v48 =	vld [tilespmem:s23+$0xFFFFFEC0]  }
0x21d: {  	[tilespmem:v37+s17+$0x0] =	vst.idx.msk $0xffff, v42;
	v36 =	vadd.f32 v36, v33  }
0x21e: {  	[tilespmem:v38+s17+$0x0] =	vst.idx.msk $0xffff, v34;
	v52 =	vadd.s32 v4, v40;
	v54 =	vadd.f32 v59, v33  }
0x21f: {  	[tilespmem:v39+s17+$0x0] =	vst.idx.msk $0xffff, v36;
	v55 =	vadd.f32 v61, v33  }
0x220: {  	s25 =	simm.s32 $0x0;
	v53 =	vadd.f32 v57, v33;
	[tilespmem:v49+s17+$0x0] =	vst.idx.msk $0xffff, v54  }
0x221: {  	s24 =	simm.s32 $0xC;
	v58 =	vmov s25;
	v56 =	vadd.f32 v48, v33;
	[tilespmem:v51+s17+$0x0] =	vst.idx.msk $0xffff, v55  }
0x222: {  	s26 =	simm.s32 $0x4;
	v34 =	vshrl.u32 v58, $0x3;
	v57 =	vmov s24;
	[tilespmem:v63+s17+$0x0] =	vst.idx.msk $0xffff, v53  }
0x223: {  	s28 =	simm.s32 $0x8;
	v34 =	vshll.u32 v34, v1;
	v59 =	vmov s26;
	v35 =	vshrl.u32 v57, $0x3;
	[tilespmem:v52+s17+$0x0] =	vst.idx.msk $0xffff, v56  }
0x224: {  	v60 =	vmov s28;
	s23 =	simm.s32 $0x8610;
	v36 =	vshrl.u32 v59, $0x3;
	v35 =	vshll.u32 v35, v1;
	v33 =	vld [tilespmem:s22+$0xEC10]  }
0x225: {  	v37 =	vshrl.u32 v60, $0x3;
	v36 =	vshll.u32 v36, v1;
	v35 =	vbroadcast v35, $0x0;
	v38 =	vld [tilespmem:s23+$0x100]  }
0x226: {  	v34 =	vbroadcast v34, $0x0;
	v37 =	vshll.u32 v37, v1;
	v36 =	vbroadcast v36, $0x0;
	v39 =	vld [tilespmem:s23+$0xFFFFFF00]  }
0x227: {  	v37 =	vbroadcast v37, $0x0;
	v61 =	vld [tilespmem:s23+$0x0];
	v35 =	vadd.s32 v13, v35  }
0x228: {  	s31 =	simm.s32 $0x9;
	s29 =	simm.s32 $0x1;
	v34 =	vadd.s32 v9, v34;
	v41 =	vld [tilespmem:s23+$0xFFFFFE00];
	v36 =	vadd.s32 v13, v36  }
0x229: {  	s30 =	simm.s32 $0x5;
	v62 =	vmov s29;
	v37 =	vadd.s32 v9, v37;
	s26 =	simm.s32 $0xD;
	v48 =	vmov s31  }
0x22a: {  	v49 =	vmov s26;
	v63 =	vmov s30;
	v38 =	vadd.f32 v38, v33  }
0x22b: {  	v45 =	vshrl.u32 v49, $0x3;
	v44 =	vshrl.u32 v48, $0x3;
	v39 =	vadd.f32 v39, v33  }
0x22c: {  	v43 =	vshrl.u32 v63, $0x3;
	v50 =	vshll.u32 v45, v1;
	v40 =	vadd.f32 v61, v33;
	[tilespmem:v35+s17+$0x0] =	vst.idx.msk $0xffff, v38  }
0x22d: {  	v52 =	vshll.u32 v43, v1;
	v51 =	vadd.f32 v41, v33;
	[tilespmem:v36+s17+$0x0] =	vst.idx.msk $0xffff, v39;
	v35 =	vbroadcast v50, $0x0;
	v53 =	vld [tilespmem:s23+$0x140]  }
0x22e: {  	v54 =	vshrl.u32 v62, $0x3;
	v56 =	vshll.u32 v44, v1;
	v36 =	vbroadcast v52, $0x0;
	[tilespmem:v37+s17+$0x0] =	vst.idx.msk $0xffff, v40;
	v55 =	vld [tilespmem:s23+$0xFFFFFF40]  }
0x22f: {  	s28 =	simm.s32 $0x2;
	v57 =	vshll.u32 v54, v1;
	[tilespmem:v34+s17+$0x0] =	vst.idx.msk $0xffff, v51;
	v37 =	vbroadcast v56, $0x0;
	v58 =	vld [tilespmem:s23+$0x40];
	v35 =	vadd.s32 v14, v35  }
0x230: {  	v60 =	vmov s28;
	s31 =	simm.s32 $0xE;
	s30 =	simm.s32 $0xA;
	v34 =	vbroadcast v57, $0x0;
	v59 =	vld [tilespmem:s23+$0xFFFFFE40];
	v36 =	vadd.s32 v14, v36  }
0x231: {  	v62 =	vmov s30;
	v63 =	vmov s31;
	v37 =	vadd.s32 v10, v37  }
0x232: {  	s29 =	simm.s32 $0x6;
	v45 =	vshrl.u32 v63, $0x3;
	v34 =	vadd.s32 v10, v34;
	v39 =	vadd.f32 v53, v33  }
0x233: {  	v44 =	vshrl.u32 v62, $0x3;
	v61 =	vmov s29;
	v42 =	vadd.f32 v55, v33  }
0x234: {  	v48 =	vshll.u32 v45, v1;
	v43 =	vshrl.u32 v61, $0x3;
	v38 =	vadd.f32 v58, v33;
	[tilespmem:v35+s17+$0x0] =	vst.idx.msk $0xffff, v39  }
0x235: {  	v50 =	vshll.u32 v43, v1;
	v49 =	vadd.f32 v59, v33;
	[tilespmem:v36+s17+$0x0] =	vst.idx.msk $0xffff, v42;
	v35 =	vbroadcast v48, $0x0;
	v51 =	vld [tilespmem:s23+$0x180]  }
0x236: {  	v41 =	vshrl.u32 v60, $0x3;
	v52 =	vshll.u32 v44, v1;
	v36 =	vbroadcast v50, $0x0;
	[tilespmem:v37+s17+$0x0] =	vst.idx.msk $0xffff, v38;
	v42 =	vld [tilespmem:s23+$0xFFFFFF80]  }
0x237: {  	s25 =	simm.s32 $0x3;
	v53 =	vshll.u32 v41, v1;
	[tilespmem:v34+s17+$0x0] =	vst.idx.msk $0xffff, v49;
	v37 =	vbroadcast v52, $0x0;
	v38 =	vld [tilespmem:s23+$0x80];
	v35 =	vadd.s32 v15, v35  }
0x238: {  	s28 =	simm.s32 $0xB;
	v54 =	vmov s25;
	s29 =	simm.s32 $0xF;
	v34 =	vbroadcast v53, $0x0;
	v39 =	vld [tilespmem:s23+$0xFFFFFE80];
	v36 =	vadd.s32 v15, v36  }
0x239: {  	v56 =	vmov s28;
	v57 =	vmov s29;
	v37 =	vadd.s32 v11, v37  }
0x23a: {  	s26 =	simm.s32 $0x7;
	v45 =	vshrl.u32 v57, $0x3;
	v34 =	vadd.s32 v11, v34;
	v40 =	vadd.f32 v51, v33  }
0x23b: {  	v44 =	vshrl.u32 v56, $0x3;
	v55 =	vmov s26;
	v42 =	vadd.f32 v42, v33  }
0x23c: {  	v45 =	vshll.u32 v45, v1;
	v41 =	vshrl.u32 v55, $0x3;
	v38 =	vadd.f32 v38, v33;
	[tilespmem:v35+s17+$0x0] =	vst.idx.msk $0xffff, v40  }
0x23d: {  	v59 =	vbroadcast v45, $0x0;
	v58 =	vshll.u32 v41, v1;
	v39 =	vadd.f32 v39, v33;
	[tilespmem:v36+s17+$0x0] =	vst.idx.msk $0xffff, v42;
	v41 =	vld [tilespmem:s23+$0x1C0]  }
0x23e: {  	v60 =	vshrl.u32 v54, $0x3;
	v62 =	vshll.u32 v44, v1;
	v61 =	vbroadcast v58, $0x0;
	[tilespmem:v37+s17+$0x0] =	vst.idx.msk $0xffff, v38;
	v42 =	vld [tilespmem:s23+$0xFFFFFFC0]  }
0x23f: {  	s31 =	simm.s32 $0x18;
	v63 =	vbroadcast v62, $0x0;
	v36 =	vshll.u32 v60, v1;
	v35 =	vadd.s32 v16, v59;
	[tilespmem:v34+s17+$0x0] =	vst.idx.msk $0xffff, v39;
	v34 =	vld [tilespmem:s23+$0xC0]  }
0x240: {  	s24 =	simm.s32 $0x10;
	s30 =	simm.s32 $0x14;
	v43 =	vmov s31;
	v37 =	vadd.s32 v16, v61;
	v39 =	vbroadcast v36, $0x0;
	v36 =	vld [tilespmem:s23+$0xFFFFFEC0]  }
0x241: {  	s25 =	simm.s32 $0x20;
	v44 =	vmov s30;
	s26 =	simm.s32 $0x1C;
	v40 =	vmov s24;
	v38 =	vadd.s32 v12, v63  }
.LBB2_15:
0x242: {  	p0 =	slt.u32 s25, $0x70;
	v45 =	vmov s26;
	v39 =	vadd.s32 v12, v39;
	v41 =	vadd.f32 v41, v33  }
0x243: {  	v44 =	vshrl.u32 v44, $0x3;
	v45 =	vshrl.u32 v45, $0x3;
	v42 =	vadd.f32 v42, v33  }
0x244: {  	v43 =	vshrl.u32 v43, $0x3;
	s23 =	sadd.s32 $0x400, s23;
	v45 =	vshll.u32 v45, v1;
	v34 =	vadd.f32 v34, v33;
	[tilespmem:v35+s17+$0x0] =	vst.idx.msk $0xffff, v41  }
0x245: {  	v35 =	vshll.u32 v44, v1;
	v41 =	vld [tilespmem:s23+$0x100];
	v44 =	vbroadcast v45, $0x0;
	v36 =	vadd.f32 v36, v33;
	[tilespmem:v37+s17+$0x0] =	vst.idx.msk $0xffff, v42  }
0x246: {  	v37 =	vshrl.u32 v40, $0x3;
	v35 =	vbroadcast v35, $0x0;
	v42 =	vshll.u32 v43, v1;
	v40 =	vld [tilespmem:s23+$0xFFFFFF00];
	[tilespmem:v38+s17+$0x0] =	vst.idx.msk $0xffff, v34  }
0x247: {  	s26 =	sadd.s32 $0x1, s24;
	v34 =	vshll.u32 v37, v1;
	v38 =	vbroadcast v42, $0x0;
	v37 =	vld [tilespmem:s23+$0x0];
	v42 =	vadd.s32 v13, v44;
	[tilespmem:v39+s17+$0x0] =	vst.idx.msk $0xffff, v36  }
0x248: {  	s28 =	sadd.s32 $0x9, s24;
	v34 =	vbroadcast v34, $0x0;
	v39 =	vmov s26;
	v35 =	vadd.s32 v13, v35;
	s26 =	sadd.s32 $0x5, s24;
	v36 =	vld [tilespmem:s23+$0xFFFFFE00]  }
0x249: {  	v44 =	vmov s28;
	v43 =	vmov s26;
	v38 =	vadd.s32 v9, v38;
	s26 =	sadd.s32 $0xD, s24  }
0x24a: {  	v34 =	vadd.s32 v9, v34;
	v45 =	vmov s26;
	v41 =	vadd.f32 v41, v33  }
0x24b: {  	v43 =	vshrl.u32 v43, $0x3;
	v45 =	vshrl.u32 v45, $0x3;
	v40 =	vadd.f32 v40, v33  }
0x24c: {  	v44 =	vshrl.u32 v44, $0x3;
	v37 =	vadd.f32 v37, v33;
	[tilespmem:v42+s17+$0x0] =	vst.idx.msk $0xffff, v41;
	v41 =	vshll.u32 v45, v1  }
0x24d: {  	v36 =	vadd.f32 v36, v33;
	[tilespmem:v35+s17+$0x0] =	vst.idx.msk $0xffff, v40;
	v35 =	vshll.u32 v43, v1;
	v40 =	vld [tilespmem:s23+$0x140];
	v41 =	vbroadcast v41, $0x0  }
0x24e: {  	v39 =	vshrl.u32 v39, $0x3;
	v42 =	vld [tilespmem:s23+$0xFFFFFF40];
	v35 =	vbroadcast v35, $0x0;
	[tilespmem:v38+s17+$0x0] =	vst.idx.msk $0xffff, v37;
	v37 =	vshll.u32 v44, v1  }
0x24f: {  	s26 =	sadd.s32 $0x2, s24;
	[tilespmem:v34+s17+$0x0] =	vst.idx.msk $0xffff, v36;
	v34 =	vshll.u32 v39, v1;
	v36 =	vld [tilespmem:s23+$0x40];
	v37 =	vbroadcast v37, $0x0;
	v38 =	vadd.s32 v14, v41  }
0x250: {  	s28 =	sadd.s32 $0xA, s24;
	v41 =	vmov s26;
	s26 =	sadd.s32 $0x6, s24;
	v39 =	vld [tilespmem:s23+$0xFFFFFE40];
	v34 =	vbroadcast v34, $0x0;
	v35 =	vadd.s32 v14, v35  }
0x251: {  	v44 =	vmov s28;
	v43 =	vmov s26;
	s26 =	sadd.s32 $0xE, s24;
	v37 =	vadd.s32 v10, v37  }
0x252: {  	v45 =	vmov s26;
	v34 =	vadd.s32 v10, v34;
	v40 =	vadd.f32 v40, v33  }
0x253: {  	v43 =	vshrl.u32 v43, $0x3;
	v45 =	vshrl.u32 v45, $0x3;
	v42 =	vadd.f32 v42, v33  }
0x254: {  	v44 =	vshrl.u32 v44, $0x3;
	v36 =	vadd.f32 v36, v33;
	[tilespmem:v38+s17+$0x0] =	vst.idx.msk $0xffff, v40;
	v38 =	vshll.u32 v45, v1  }
0x255: {  	v39 =	vadd.f32 v39, v33;
	[tilespmem:v35+s17+$0x0] =	vst.idx.msk $0xffff, v42;
	v35 =	vshll.u32 v43, v1;
	v40 =	vld [tilespmem:s23+$0x180];
	v38 =	vbroadcast v38, $0x0  }
0x256: {  	v41 =	vshrl.u32 v41, $0x3;
	v42 =	vld [tilespmem:s23+$0xFFFFFF80];
	v35 =	vbroadcast v35, $0x0;
	[tilespmem:v37+s17+$0x0] =	vst.idx.msk $0xffff, v36;
	v36 =	vshll.u32 v44, v1  }
0x257: {  	s26 =	sadd.s32 $0x3, s24;
	[tilespmem:v34+s17+$0x0] =	vst.idx.msk $0xffff, v39;
	v34 =	vshll.u32 v41, v1;
	v37 =	vld [tilespmem:s23+$0x80];
	v36 =	vbroadcast v36, $0x0;
	v38 =	vadd.s32 v15, v38  }
0x258: {  	s28 =	sadd.s32 $0xB, s24;
	v43 =	vmov s26;
	s26 =	sadd.s32 $0x7, s24;
	v39 =	vld [tilespmem:s23+$0xFFFFFE80];
	v34 =	vbroadcast v34, $0x0;
	v35 =	vadd.s32 v15, v35  }
0x259: {  	v44 =	vmov s28;
	v41 =	vmov s26;
	s26 =	sadd.s32 $0xF, s24;
	s24 =	smov.u32 s25;
	v36 =	vadd.s32 v11, v36  }
0x25a: {  	v45 =	vmov s26;
	v34 =	vadd.s32 v11, v34;
	v40 =	vadd.f32 v40, v33  }
0x25b: {  	v41 =	vshrl.u32 v41, $0x3;
	v45 =	vshrl.u32 v45, $0x3;
	v42 =	vadd.f32 v42, v33  }
0x25c: {  	v44 =	vshrl.u32 v44, $0x3;
	v37 =	vadd.f32 v37, v33;
	[tilespmem:v38+s17+$0x0] =	vst.idx.msk $0xffff, v40;
	v38 =	vshll.u32 v45, v1  }
.Ltmp6:
0x25d: {  	v39 =	vadd.f32 v39, v33;
	[tilespmem:v35+s17+$0x0] =	vst.idx.msk $0xffff, v42;
	v35 =	vshll.u32 v41, v1;
	v41 =	vld [tilespmem:s23+$0x1C0];
	v38 =	vbroadcast v38, $0x0;
	(pc) =	sbr.rel @p0 .LBB2_15-.Ltmp6, $4  }
0x25e: {  	v40 =	vshrl.u32 v43, $0x3;
	v42 =	vld [tilespmem:s23+$0xFFFFFFC0];
	v43 =	vbroadcast v35, $0x0;
	[tilespmem:v36+s17+$0x0] =	vst.idx.msk $0xffff, v37;
	v35 =	vshll.u32 v44, v1  }
0x25f: {  	v37 =	vshll.u32 v40, v1;
	[tilespmem:v34+s17+$0x0] =	vst.idx.msk $0xffff, v39;
	v34 =	vld [tilespmem:s23+$0xC0];
	v45 =	vbroadcast v35, $0x0;
	v35 =	vadd.s32 v16, v38  }
0x260: {  	s28 =	sadd.s32 $0x8, s25;
	s26 =	sadd.s32 $0x4, s25;
	v40 =	vmov s25;
	v39 =	vbroadcast v37, $0x0;
	v36 =	vld [tilespmem:s23+$0xFFFFFEC0];
	v37 =	vadd.s32 v16, v43  }
0x261: {  	v44 =	vmov s26;
	s26 =	sadd.s32 $0xC, s24;
	s25 =	sadd.s32 $0x10, s25;
	v43 =	vmov s28;
	v38 =	vadd.s32 v12, v45  }
0x262: {  	v45 =	vmov s26;
	v39 =	vadd.s32 v12, v39;
	v44 =	vshrl.u32 v44, $0x3  }
0x263: {  	v41 =	vadd.f32 v41, v33;
	s23 =	sadd.s32 $0x400, s23;
	v43 =	vshrl.u32 v43, $0x3;
	v44 =	vshll.u32 v44, v1  }
0x264: {  	v40 =	vshrl.u32 v40, $0x3;
	v47 =	vld [tilespmem:s23+$0xFFFFFF00];
	v43 =	vshll.u32 v43, v1;
	v44 =	vbroadcast v44, $0x0  }
0x265: {  	v45 =	vshrl.u32 v45, $0x3;
	v40 =	vshll.u32 v40, v1;
	v48 =	vld [tilespmem:s23+$0x0];
	v43 =	vbroadcast v43, $0x0  }
0x266: {  	v49 =	vld [tilespmem:s23+$0xFFFFFE00];
	v45 =	vshll.u32 v45, v1;
	v40 =	vbroadcast v40, $0x0;
	v44 =	vadd.s32 v13, v44  }
0x267: {  	s25 =	sadd.s32 $0x1, s24;
	s30 =	sadd.s32 $0x5, s24;
	v42 =	vadd.f32 v42, v33;
	v46 =	vld [tilespmem:s23+$0x100];
	v45 =	vbroadcast v45, $0x0;
	v43 =	vadd.s32 v9, v43  }
0x268: {  	s31 =	sadd.s32 $0x9, s24;
	v50 =	vmov s25;
	v51 =	vmov s30;
	v40 =	vadd.s32 v9, v40  }
0x269: {  	s28 =	sadd.s32 $0xD, s24;
	v52 =	vmov s31;
	v45 =	vadd.s32 v13, v45;
	v47 =	vadd.f32 v47, v33  }
0x26a: {  	v53 =	vmov s28;
	v51 =	vshrl.u32 v51, $0x3;
	v48 =	vadd.f32 v48, v33  }
0x26b: {  	v53 =	vshrl.u32 v53, $0x3;
	v52 =	vshrl.u32 v52, $0x3;
	v61 =	vadd.f32 v49, v33;
	[tilespmem:v44+s17+$0x0] =	vst.idx.msk $0xffff, v47  }
0x26c: {  	v55 =	vshrl.u32 v50, $0x3;
	v62 =	vshll.u32 v51, v1;
	v46 =	vadd.f32 v46, v33;
	[tilespmem:v43+s17+$0x0] =	vst.idx.msk $0xffff, v48  }
0x26d: {  	v56 =	vshll.u32 v52, v1;
	v57 =	vshll.u32 v55, v1;
	v44 =	vbroadcast v62, $0x0;
	[tilespmem:v40+s17+$0x0] =	vst.idx.msk $0xffff, v61;
	v50 =	vld [tilespmem:s23+$0xFFFFFF40]  }
0x26e: {  	s30 =	sadd.s32 $0x6, s24;
	v60 =	vshll.u32 v53, v1;
	v43 =	vbroadcast v56, $0x0;
	v40 =	vbroadcast v57, $0x0;
	[tilespmem:v45+s17+$0x0] =	vst.idx.msk $0xffff, v46;
	v58 =	vld [tilespmem:s23+$0x40]  }
0x26f: {  	s29 =	sadd.s32 $0x2, s24;
	s31 =	sadd.s32 $0xA, s24;
	v61 =	vmov s30;
	v45 =	vbroadcast v60, $0x0;
	v63 =	vld [tilespmem:s23+$0x140];
	v44 =	vadd.s32 v14, v44  }
0x270: {  	v62 =	vmov s31;
	v59 =	vld [tilespmem:s23+$0xFFFFFE40];
	v60 =	vmov s29;
	v43 =	vadd.s32 v10, v43  }
0x271: {  	s30 =	sadd.s32 $0xB, s24;
	v51 =	vshrl.u32 v61, $0x3;
	v52 =	vshrl.u32 v62, $0x3;
	v45 =	vadd.s32 v14, v45  }
0x272: {  	s31 =	sadd.s32 $0xF, s24;
	v61 =	vmov s30;
	v40 =	vadd.s32 v10, v40;
	v50 =	vadd.f32 v50, v33  }
0x273: {  	s26 =	sadd.s32 $0xE, s24;
	v62 =	vmov s31;
	v55 =	vshll.u32 v51, v1;
	v46 =	vadd.f32 v58, v33  }
0x274: {  	v57 =	vshll.u32 v52, v1;
	v47 =	vadd.f32 v63, v33;
	v63 =	vmov s26;
	[tilespmem:v44+s17+$0x0] =	vst.idx.msk $0xffff, v50  }
0x275: {  	v54 =	vadd.f32 v59, v33;
	v53 =	vshrl.u32 v63, $0x3;
	v44 =	vbroadcast v55, $0x0;
	[tilespmem:v43+s17+$0x0] =	vst.idx.msk $0xffff, v46;
	v50 =	vld [tilespmem:s23+$0xFFFFFF80]  }
0x276: {  	v49 =	vshrl.u32 v60, $0x3;
	v43 =	vbroadcast v57, $0x0;
	[tilespmem:v45+s17+$0x0] =	vst.idx.msk $0xffff, v47;
	v53 =	vshll.u32 v53, v1;
	v46 =	vld [tilespmem:s23+$0x80]  }
0x277: {  	s29 =	sadd.s32 $0x7, s24;
	v58 =	vshll.u32 v49, v1;
	[tilespmem:v40+s17+$0x0] =	vst.idx.msk $0xffff, v54;
	v56 =	vld [tilespmem:s23+$0x180];
	v45 =	vbroadcast v53, $0x0;
	v44 =	vadd.s32 v15, v44  }
0x278: {  	v60 =	vmov s29;
	v40 =	vbroadcast v58, $0x0;
	v47 =	vld [tilespmem:s23+$0xFFFFFE80];
	v43 =	vadd.s32 v11, v43  }
0x279: {  	v52 =	vshrl.u32 v61, $0x3;
	v51 =	vshrl.u32 v60, $0x3;
	v45 =	vadd.s32 v15, v45  }
0x27a: {  	s28 =	sadd.s32 $0x3, s24;
	v40 =	vadd.s32 v11, v40;
	v53 =	vshrl.u32 v62, $0x3;
	v50 =	vadd.f32 v50, v33  }
0x27b: {  	v59 =	vmov s28;
	v54 =	vshll.u32 v53, v1;
	v63 =	vadd.f32 v46, v33  }
0x27c: {  	v58 =	vshrl.u32 v59, $0x3;
	v48 =	vadd.f32 v56, v33;
	v56 =	vshll.u32 v51, v1;
	[tilespmem:v44+s17+$0x0] =	vst.idx.msk $0xffff, v50  }
0x27d: {  	v55 =	vadd.f32 v47, v33;
	v46 =	vshll.u32 v52, v1;
	[tilespmem:v43+s17+$0x0] =	vst.idx.msk $0xffff, v63;
	v47 =	vbroadcast v56, $0x0;
	v59 =	vld [tilespmem:s23+$0xFFFFFFC0]  }
0x27e: {  	v34 =	vadd.f32 v34, v33;
	v62 =	vbroadcast v46, $0x0;
	[tilespmem:v45+s17+$0x0] =	vst.idx.msk $0xffff, v48;
	v48 =	vbroadcast v54, $0x0;
	v61 =	vld [tilespmem:s23+$0xC0]  }
0x27f: {  	v60 =	vshll.u32 v58, v1;
	[tilespmem:v40+s17+$0x0] =	vst.idx.msk $0xffff, v55;
	v57 =	vld [tilespmem:s23+$0x1C0];
	v49 =	vadd.s32 v16, v47  }
0x280: {  	[tilespmem:v35+s17+$0x0] =	vst.idx.msk $0xffff, v41;
	v40 =	vbroadcast v60, $0x0;
	v51 =	vadd.s32 v12, v62;
	v63 =	vadd.s32 v16, v48;
	v48 =	vld [tilespmem:s23+$0xFFFFFEC0]  }
0x281: {  	[tilespmem:v37+s17+$0x0] =	vst.idx.msk $0xffff, v42;
	v36 =	vadd.f32 v36, v33  }
0x282: {  	[tilespmem:v38+s17+$0x0] =	vst.idx.msk $0xffff, v34;
	v52 =	vadd.s32 v12, v40;
	v54 =	vadd.f32 v59, v33  }
0x283: {  	[tilespmem:v39+s17+$0x0] =	vst.idx.msk $0xffff, v36;
	v55 =	vadd.f32 v61, v33  }
0x284: {  	s25 =	simm.s32 $0x0;
	v53 =	vadd.f32 v57, v33;
	[tilespmem:v49+s17+$0x0] =	vst.idx.msk $0xffff, v54  }
0x285: {  	s24 =	simm.s32 $0xC;
	v58 =	vmov s25;
	v56 =	vadd.f32 v48, v33;
	[tilespmem:v51+s17+$0x0] =	vst.idx.msk $0xffff, v55  }
0x286: {  	s26 =	simm.s32 $0x4;
	v34 =	vshrl.u32 v58, $0x3;
	v57 =	vmov s24;
	[tilespmem:v63+s17+$0x0] =	vst.idx.msk $0xffff, v53  }
0x287: {  	s28 =	simm.s32 $0x8;
	v34 =	vshll.u32 v34, v1;
	v59 =	vmov s26;
	v35 =	vshrl.u32 v57, $0x3;
	[tilespmem:v52+s17+$0x0] =	vst.idx.msk $0xffff, v56  }
0x288: {  	v60 =	vmov s28;
	s23 =	simm.s32 $0x8620;
	v36 =	vshrl.u32 v59, $0x3;
	v35 =	vshll.u32 v35, v1;
	v33 =	vld [tilespmem:s22+$0xEC20]  }
0x289: {  	v37 =	vshrl.u32 v60, $0x3;
	v36 =	vshll.u32 v36, v1;
	v35 =	vbroadcast v35, $0x0;
	v38 =	vld [tilespmem:s23+$0x100]  }
0x28a: {  	v34 =	vbroadcast v34, $0x0;
	v37 =	vshll.u32 v37, v1;
	v36 =	vbroadcast v36, $0x0;
	v39 =	vld [tilespmem:s23+$0xFFFFFF00]  }
0x28b: {  	v37 =	vbroadcast v37, $0x0;
	v61 =	vld [tilespmem:s23+$0x0];
	v35 =	vadd.s32 v21, v35  }
0x28c: {  	s31 =	simm.s32 $0x9;
	s29 =	simm.s32 $0x1;
	v34 =	vadd.s32 v17, v34;
	v41 =	vld [tilespmem:s23+$0xFFFFFE00];
	v36 =	vadd.s32 v21, v36  }
0x28d: {  	s30 =	simm.s32 $0x5;
	v62 =	vmov s29;
	v37 =	vadd.s32 v17, v37;
	s26 =	simm.s32 $0xD;
	v48 =	vmov s31  }
0x28e: {  	v49 =	vmov s26;
	v63 =	vmov s30;
	v38 =	vadd.f32 v38, v33  }
0x28f: {  	v45 =	vshrl.u32 v49, $0x3;
	v44 =	vshrl.u32 v48, $0x3;
	v39 =	vadd.f32 v39, v33  }
0x290: {  	v43 =	vshrl.u32 v63, $0x3;
	v50 =	vshll.u32 v45, v1;
	v40 =	vadd.f32 v61, v33;
	[tilespmem:v35+s17+$0x0] =	vst.idx.msk $0xffff, v38  }
0x291: {  	v52 =	vshll.u32 v43, v1;
	v51 =	vadd.f32 v41, v33;
	[tilespmem:v36+s17+$0x0] =	vst.idx.msk $0xffff, v39;
	v35 =	vbroadcast v50, $0x0;
	v53 =	vld [tilespmem:s23+$0x140]  }
0x292: {  	v54 =	vshrl.u32 v62, $0x3;
	v56 =	vshll.u32 v44, v1;
	v36 =	vbroadcast v52, $0x0;
	[tilespmem:v37+s17+$0x0] =	vst.idx.msk $0xffff, v40;
	v55 =	vld [tilespmem:s23+$0xFFFFFF40]  }
0x293: {  	s28 =	simm.s32 $0x2;
	v57 =	vshll.u32 v54, v1;
	[tilespmem:v34+s17+$0x0] =	vst.idx.msk $0xffff, v51;
	v37 =	vbroadcast v56, $0x0;
	v58 =	vld [tilespmem:s23+$0x40];
	v35 =	vadd.s32 v22, v35  }
0x294: {  	v60 =	vmov s28;
	s31 =	simm.s32 $0xE;
	s30 =	simm.s32 $0xA;
	v34 =	vbroadcast v57, $0x0;
	v59 =	vld [tilespmem:s23+$0xFFFFFE40];
	v36 =	vadd.s32 v22, v36  }
0x295: {  	v62 =	vmov s30;
	v63 =	vmov s31;
	v37 =	vadd.s32 v18, v37  }
0x296: {  	s29 =	simm.s32 $0x6;
	v45 =	vshrl.u32 v63, $0x3;
	v34 =	vadd.s32 v18, v34;
	v39 =	vadd.f32 v53, v33  }
0x297: {  	v44 =	vshrl.u32 v62, $0x3;
	v61 =	vmov s29;
	v42 =	vadd.f32 v55, v33  }
0x298: {  	v48 =	vshll.u32 v45, v1;
	v43 =	vshrl.u32 v61, $0x3;
	v38 =	vadd.f32 v58, v33;
	[tilespmem:v35+s17+$0x0] =	vst.idx.msk $0xffff, v39  }
0x299: {  	v50 =	vshll.u32 v43, v1;
	v49 =	vadd.f32 v59, v33;
	[tilespmem:v36+s17+$0x0] =	vst.idx.msk $0xffff, v42;
	v35 =	vbroadcast v48, $0x0;
	v51 =	vld [tilespmem:s23+$0x180]  }
0x29a: {  	v41 =	vshrl.u32 v60, $0x3;
	v52 =	vshll.u32 v44, v1;
	v36 =	vbroadcast v50, $0x0;
	[tilespmem:v37+s17+$0x0] =	vst.idx.msk $0xffff, v38;
	v42 =	vld [tilespmem:s23+$0xFFFFFF80]  }
0x29b: {  	s25 =	simm.s32 $0x3;
	v53 =	vshll.u32 v41, v1;
	[tilespmem:v34+s17+$0x0] =	vst.idx.msk $0xffff, v49;
	v37 =	vbroadcast v52, $0x0;
	v38 =	vld [tilespmem:s23+$0x80];
	v35 =	vadd.s32 v23, v35  }
0x29c: {  	s28 =	simm.s32 $0xB;
	v54 =	vmov s25;
	s29 =	simm.s32 $0xF;
	v34 =	vbroadcast v53, $0x0;
	v39 =	vld [tilespmem:s23+$0xFFFFFE80];
	v36 =	vadd.s32 v23, v36  }
0x29d: {  	v56 =	vmov s28;
	v57 =	vmov s29;
	v37 =	vadd.s32 v19, v37  }
0x29e: {  	s26 =	simm.s32 $0x7;
	v45 =	vshrl.u32 v57, $0x3;
	v34 =	vadd.s32 v19, v34;
	v40 =	vadd.f32 v51, v33  }
0x29f: {  	v44 =	vshrl.u32 v56, $0x3;
	v55 =	vmov s26;
	v42 =	vadd.f32 v42, v33  }
0x2a0: {  	v45 =	vshll.u32 v45, v1;
	v41 =	vshrl.u32 v55, $0x3;
	v38 =	vadd.f32 v38, v33;
	[tilespmem:v35+s17+$0x0] =	vst.idx.msk $0xffff, v40  }
0x2a1: {  	v59 =	vbroadcast v45, $0x0;
	v58 =	vshll.u32 v41, v1;
	v39 =	vadd.f32 v39, v33;
	[tilespmem:v36+s17+$0x0] =	vst.idx.msk $0xffff, v42;
	v41 =	vld [tilespmem:s23+$0x1C0]  }
0x2a2: {  	v60 =	vshrl.u32 v54, $0x3;
	v62 =	vshll.u32 v44, v1;
	v61 =	vbroadcast v58, $0x0;
	[tilespmem:v37+s17+$0x0] =	vst.idx.msk $0xffff, v38;
	v42 =	vld [tilespmem:s23+$0xFFFFFFC0]  }
0x2a3: {  	s31 =	simm.s32 $0x18;
	v63 =	vbroadcast v62, $0x0;
	v36 =	vshll.u32 v60, v1;
	v35 =	vadd.s32 v24, v59;
	[tilespmem:v34+s17+$0x0] =	vst.idx.msk $0xffff, v39;
	v34 =	vld [tilespmem:s23+$0xC0]  }
0x2a4: {  	s24 =	simm.s32 $0x10;
	s30 =	simm.s32 $0x14;
	v43 =	vmov s31;
	v37 =	vadd.s32 v24, v61;
	v39 =	vbroadcast v36, $0x0;
	v36 =	vld [tilespmem:s23+$0xFFFFFEC0]  }
0x2a5: {  	s25 =	simm.s32 $0x20;
	v44 =	vmov s30;
	s26 =	simm.s32 $0x1C;
	v40 =	vmov s24;
	v38 =	vadd.s32 v20, v63  }
.LBB2_17:
0x2a6: {  	p0 =	slt.u32 s25, $0x70;
	v45 =	vmov s26;
	v39 =	vadd.s32 v20, v39;
	v41 =	vadd.f32 v41, v33  }
0x2a7: {  	v44 =	vshrl.u32 v44, $0x3;
	v45 =	vshrl.u32 v45, $0x3;
	v42 =	vadd.f32 v42, v33  }
0x2a8: {  	v43 =	vshrl.u32 v43, $0x3;
	s23 =	sadd.s32 $0x400, s23;
	v45 =	vshll.u32 v45, v1;
	v34 =	vadd.f32 v34, v33;
	[tilespmem:v35+s17+$0x0] =	vst.idx.msk $0xffff, v41  }
0x2a9: {  	v35 =	vshll.u32 v44, v1;
	v41 =	vld [tilespmem:s23+$0x100];
	v44 =	vbroadcast v45, $0x0;
	v36 =	vadd.f32 v36, v33;
	[tilespmem:v37+s17+$0x0] =	vst.idx.msk $0xffff, v42  }
0x2aa: {  	v37 =	vshrl.u32 v40, $0x3;
	v35 =	vbroadcast v35, $0x0;
	v42 =	vshll.u32 v43, v1;
	v40 =	vld [tilespmem:s23+$0xFFFFFF00];
	[tilespmem:v38+s17+$0x0] =	vst.idx.msk $0xffff, v34  }
0x2ab: {  	s26 =	sadd.s32 $0x1, s24;
	v34 =	vshll.u32 v37, v1;
	v38 =	vbroadcast v42, $0x0;
	v37 =	vld [tilespmem:s23+$0x0];
	v42 =	vadd.s32 v21, v44;
	[tilespmem:v39+s17+$0x0] =	vst.idx.msk $0xffff, v36  }
0x2ac: {  	s28 =	sadd.s32 $0x9, s24;
	v34 =	vbroadcast v34, $0x0;
	v39 =	vmov s26;
	v35 =	vadd.s32 v21, v35;
	s26 =	sadd.s32 $0x5, s24;
	v36 =	vld [tilespmem:s23+$0xFFFFFE00]  }
0x2ad: {  	v44 =	vmov s28;
	v43 =	vmov s26;
	v38 =	vadd.s32 v17, v38;
	s26 =	sadd.s32 $0xD, s24  }
0x2ae: {  	v34 =	vadd.s32 v17, v34;
	v45 =	vmov s26;
	v41 =	vadd.f32 v41, v33  }
0x2af: {  	v43 =	vshrl.u32 v43, $0x3;
	v45 =	vshrl.u32 v45, $0x3;
	v40 =	vadd.f32 v40, v33  }
0x2b0: {  	v44 =	vshrl.u32 v44, $0x3;
	v37 =	vadd.f32 v37, v33;
	[tilespmem:v42+s17+$0x0] =	vst.idx.msk $0xffff, v41;
	v41 =	vshll.u32 v45, v1  }
0x2b1: {  	v36 =	vadd.f32 v36, v33;
	[tilespmem:v35+s17+$0x0] =	vst.idx.msk $0xffff, v40;
	v35 =	vshll.u32 v43, v1;
	v40 =	vld [tilespmem:s23+$0x140];
	v41 =	vbroadcast v41, $0x0  }
0x2b2: {  	v39 =	vshrl.u32 v39, $0x3;
	v42 =	vld [tilespmem:s23+$0xFFFFFF40];
	v35 =	vbroadcast v35, $0x0;
	[tilespmem:v38+s17+$0x0] =	vst.idx.msk $0xffff, v37;
	v37 =	vshll.u32 v44, v1  }
0x2b3: {  	s26 =	sadd.s32 $0x2, s24;
	[tilespmem:v34+s17+$0x0] =	vst.idx.msk $0xffff, v36;
	v34 =	vshll.u32 v39, v1;
	v36 =	vld [tilespmem:s23+$0x40];
	v37 =	vbroadcast v37, $0x0;
	v38 =	vadd.s32 v22, v41  }
0x2b4: {  	s28 =	sadd.s32 $0xA, s24;
	v41 =	vmov s26;
	s26 =	sadd.s32 $0x6, s24;
	v39 =	vld [tilespmem:s23+$0xFFFFFE40];
	v34 =	vbroadcast v34, $0x0;
	v35 =	vadd.s32 v22, v35  }
0x2b5: {  	v44 =	vmov s28;
	v43 =	vmov s26;
	s26 =	sadd.s32 $0xE, s24;
	v37 =	vadd.s32 v18, v37  }
0x2b6: {  	v45 =	vmov s26;
	v34 =	vadd.s32 v18, v34;
	v40 =	vadd.f32 v40, v33  }
0x2b7: {  	v43 =	vshrl.u32 v43, $0x3;
	v45 =	vshrl.u32 v45, $0x3;
	v42 =	vadd.f32 v42, v33  }
0x2b8: {  	v44 =	vshrl.u32 v44, $0x3;
	v36 =	vadd.f32 v36, v33;
	[tilespmem:v38+s17+$0x0] =	vst.idx.msk $0xffff, v40;
	v38 =	vshll.u32 v45, v1  }
0x2b9: {  	v39 =	vadd.f32 v39, v33;
	[tilespmem:v35+s17+$0x0] =	vst.idx.msk $0xffff, v42;
	v35 =	vshll.u32 v43, v1;
	v40 =	vld [tilespmem:s23+$0x180];
	v38 =	vbroadcast v38, $0x0  }
0x2ba: {  	v41 =	vshrl.u32 v41, $0x3;
	v42 =	vld [tilespmem:s23+$0xFFFFFF80];
	v35 =	vbroadcast v35, $0x0;
	[tilespmem:v37+s17+$0x0] =	vst.idx.msk $0xffff, v36;
	v36 =	vshll.u32 v44, v1  }
0x2bb: {  	s26 =	sadd.s32 $0x3, s24;
	[tilespmem:v34+s17+$0x0] =	vst.idx.msk $0xffff, v39;
	v34 =	vshll.u32 v41, v1;
	v37 =	vld [tilespmem:s23+$0x80];
	v36 =	vbroadcast v36, $0x0;
	v38 =	vadd.s32 v23, v38  }
0x2bc: {  	s28 =	sadd.s32 $0xB, s24;
	v43 =	vmov s26;
	s26 =	sadd.s32 $0x7, s24;
	v39 =	vld [tilespmem:s23+$0xFFFFFE80];
	v34 =	vbroadcast v34, $0x0;
	v35 =	vadd.s32 v23, v35  }
0x2bd: {  	v44 =	vmov s28;
	v41 =	vmov s26;
	s26 =	sadd.s32 $0xF, s24;
	s24 =	smov.u32 s25;
	v36 =	vadd.s32 v19, v36  }
0x2be: {  	v45 =	vmov s26;
	v34 =	vadd.s32 v19, v34;
	v40 =	vadd.f32 v40, v33  }
0x2bf: {  	v41 =	vshrl.u32 v41, $0x3;
	v45 =	vshrl.u32 v45, $0x3;
	v42 =	vadd.f32 v42, v33  }
0x2c0: {  	v44 =	vshrl.u32 v44, $0x3;
	v37 =	vadd.f32 v37, v33;
	[tilespmem:v38+s17+$0x0] =	vst.idx.msk $0xffff, v40;
	v38 =	vshll.u32 v45, v1  }
.Ltmp7:
0x2c1: {  	v39 =	vadd.f32 v39, v33;
	[tilespmem:v35+s17+$0x0] =	vst.idx.msk $0xffff, v42;
	v35 =	vshll.u32 v41, v1;
	v41 =	vld [tilespmem:s23+$0x1C0];
	v38 =	vbroadcast v38, $0x0;
	(pc) =	sbr.rel @p0 .LBB2_17-.Ltmp7, $4  }
0x2c2: {  	v40 =	vshrl.u32 v43, $0x3;
	v42 =	vld [tilespmem:s23+$0xFFFFFFC0];
	v43 =	vbroadcast v35, $0x0;
	[tilespmem:v36+s17+$0x0] =	vst.idx.msk $0xffff, v37;
	v35 =	vshll.u32 v44, v1  }
0x2c3: {  	v37 =	vshll.u32 v40, v1;
	[tilespmem:v34+s17+$0x0] =	vst.idx.msk $0xffff, v39;
	v34 =	vld [tilespmem:s23+$0xC0];
	v45 =	vbroadcast v35, $0x0;
	v35 =	vadd.s32 v24, v38  }
0x2c4: {  	s28 =	sadd.s32 $0x8, s25;
	s26 =	sadd.s32 $0x4, s25;
	v40 =	vmov s25;
	v39 =	vbroadcast v37, $0x0;
	v36 =	vld [tilespmem:s23+$0xFFFFFEC0];
	v37 =	vadd.s32 v24, v43  }
0x2c5: {  	v44 =	vmov s26;
	s26 =	sadd.s32 $0xC, s24;
	s25 =	sadd.s32 $0x10, s25;
	v43 =	vmov s28;
	v38 =	vadd.s32 v20, v45  }
0x2c6: {  	v45 =	vmov s26;
	v39 =	vadd.s32 v20, v39;
	v44 =	vshrl.u32 v44, $0x3  }
0x2c7: {  	v41 =	vadd.f32 v41, v33;
	s23 =	sadd.s32 $0x400, s23;
	v43 =	vshrl.u32 v43, $0x3;
	v44 =	vshll.u32 v44, v1  }
0x2c8: {  	v40 =	vshrl.u32 v40, $0x3;
	v47 =	vld [tilespmem:s23+$0xFFFFFF00];
	v43 =	vshll.u32 v43, v1;
	v44 =	vbroadcast v44, $0x0  }
0x2c9: {  	v45 =	vshrl.u32 v45, $0x3;
	v40 =	vshll.u32 v40, v1;
	v48 =	vld [tilespmem:s23+$0x0];
	v43 =	vbroadcast v43, $0x0  }
0x2ca: {  	v49 =	vld [tilespmem:s23+$0xFFFFFE00];
	v45 =	vshll.u32 v45, v1;
	v40 =	vbroadcast v40, $0x0;
	v44 =	vadd.s32 v21, v44  }
0x2cb: {  	s25 =	sadd.s32 $0x1, s24;
	s30 =	sadd.s32 $0x5, s24;
	v42 =	vadd.f32 v42, v33;
	v46 =	vld [tilespmem:s23+$0x100];
	v45 =	vbroadcast v45, $0x0;
	v43 =	vadd.s32 v17, v43  }
0x2cc: {  	s31 =	sadd.s32 $0x9, s24;
	v50 =	vmov s25;
	v51 =	vmov s30;
	v40 =	vadd.s32 v17, v40  }
0x2cd: {  	s28 =	sadd.s32 $0xD, s24;
	v52 =	vmov s31;
	v45 =	vadd.s32 v21, v45;
	v47 =	vadd.f32 v47, v33  }
0x2ce: {  	v53 =	vmov s28;
	v51 =	vshrl.u32 v51, $0x3;
	v48 =	vadd.f32 v48, v33  }
0x2cf: {  	v53 =	vshrl.u32 v53, $0x3;
	v52 =	vshrl.u32 v52, $0x3;
	v61 =	vadd.f32 v49, v33;
	[tilespmem:v44+s17+$0x0] =	vst.idx.msk $0xffff, v47  }
0x2d0: {  	v55 =	vshrl.u32 v50, $0x3;
	v62 =	vshll.u32 v51, v1;
	v46 =	vadd.f32 v46, v33;
	[tilespmem:v43+s17+$0x0] =	vst.idx.msk $0xffff, v48  }
0x2d1: {  	v56 =	vshll.u32 v52, v1;
	v57 =	vshll.u32 v55, v1;
	v44 =	vbroadcast v62, $0x0;
	[tilespmem:v40+s17+$0x0] =	vst.idx.msk $0xffff, v61;
	v50 =	vld [tilespmem:s23+$0xFFFFFF40]  }
0x2d2: {  	s30 =	sadd.s32 $0x6, s24;
	v60 =	vshll.u32 v53, v1;
	v43 =	vbroadcast v56, $0x0;
	v40 =	vbroadcast v57, $0x0;
	[tilespmem:v45+s17+$0x0] =	vst.idx.msk $0xffff, v46;
	v58 =	vld [tilespmem:s23+$0x40]  }
0x2d3: {  	s29 =	sadd.s32 $0x2, s24;
	s31 =	sadd.s32 $0xA, s24;
	v61 =	vmov s30;
	v45 =	vbroadcast v60, $0x0;
	v63 =	vld [tilespmem:s23+$0x140];
	v44 =	vadd.s32 v22, v44  }
0x2d4: {  	v62 =	vmov s31;
	v59 =	vld [tilespmem:s23+$0xFFFFFE40];
	v60 =	vmov s29;
	v43 =	vadd.s32 v18, v43  }
0x2d5: {  	s31 =	sadd.s32 $0xB, s24;
	v51 =	vshrl.u32 v61, $0x3;
	v52 =	vshrl.u32 v62, $0x3;
	v45 =	vadd.s32 v22, v45  }
0x2d6: {  	s26 =	sadd.s32 $0xF, s24;
	v61 =	vmov s31;
	v40 =	vadd.s32 v18, v40;
	v50 =	vadd.f32 v50, v33  }
0x2d7: {  	s28 =	sadd.s32 $0xE, s24;
	v62 =	vmov s26;
	v55 =	vshll.u32 v51, v1;
	v46 =	vadd.f32 v58, v33  }
0x2d8: {  	v57 =	vshll.u32 v52, v1;
	v47 =	vadd.f32 v63, v33;
	v63 =	vmov s28;
	[tilespmem:v44+s17+$0x0] =	vst.idx.msk $0xffff, v50  }
0x2d9: {  	v54 =	vadd.f32 v59, v33;
	v53 =	vshrl.u32 v63, $0x3;
	v44 =	vbroadcast v55, $0x0;
	[tilespmem:v43+s17+$0x0] =	vst.idx.msk $0xffff, v46;
	v50 =	vld [tilespmem:s23+$0xFFFFFF80]  }
0x2da: {  	v49 =	vshrl.u32 v60, $0x3;
	v43 =	vbroadcast v57, $0x0;
	[tilespmem:v45+s17+$0x0] =	vst.idx.msk $0xffff, v47;
	v53 =	vshll.u32 v53, v1;
	v46 =	vld [tilespmem:s23+$0x80]  }
0x2db: {  	s30 =	sadd.s32 $0x7, s24;
	v58 =	vshll.u32 v49, v1;
	[tilespmem:v40+s17+$0x0] =	vst.idx.msk $0xffff, v54;
	v56 =	vld [tilespmem:s23+$0x180];
	v45 =	vbroadcast v53, $0x0;
	v44 =	vadd.s32 v23, v44  }
0x2dc: {  	v60 =	vmov s30;
	v40 =	vbroadcast v58, $0x0;
	v47 =	vld [tilespmem:s23+$0xFFFFFE80];
	v43 =	vadd.s32 v19, v43  }
0x2dd: {  	v52 =	vshrl.u32 v61, $0x3;
	v51 =	vshrl.u32 v60, $0x3;
	v45 =	vadd.s32 v23, v45  }
0x2de: {  	s29 =	sadd.s32 $0x3, s24;
	v40 =	vadd.s32 v19, v40;
	v53 =	vshrl.u32 v62, $0x3;
	v50 =	vadd.f32 v50, v33  }
0x2df: {  	v59 =	vmov s29;
	v54 =	vshll.u32 v53, v1;
	v63 =	vadd.f32 v46, v33  }
0x2e0: {  	v58 =	vshrl.u32 v59, $0x3;
	v48 =	vadd.f32 v56, v33;
	v56 =	vshll.u32 v51, v1;
	[tilespmem:v44+s17+$0x0] =	vst.idx.msk $0xffff, v50  }
0x2e1: {  	v55 =	vadd.f32 v47, v33;
	v46 =	vshll.u32 v52, v1;
	[tilespmem:v43+s17+$0x0] =	vst.idx.msk $0xffff, v63;
	v47 =	vbroadcast v56, $0x0;
	v59 =	vld [tilespmem:s23+$0xFFFFFFC0]  }
0x2e2: {  	v34 =	vadd.f32 v34, v33;
	v62 =	vbroadcast v46, $0x0;
	[tilespmem:v45+s17+$0x0] =	vst.idx.msk $0xffff, v48;
	v48 =	vbroadcast v54, $0x0;
	v61 =	vld [tilespmem:s23+$0xC0]  }
0x2e3: {  	v60 =	vshll.u32 v58, v1;
	[tilespmem:v40+s17+$0x0] =	vst.idx.msk $0xffff, v55;
	v57 =	vld [tilespmem:s23+$0x1C0];
	v49 =	vadd.s32 v24, v47  }
0x2e4: {  	[tilespmem:v35+s17+$0x0] =	vst.idx.msk $0xffff, v41;
	v40 =	vbroadcast v60, $0x0;
	v51 =	vadd.s32 v20, v62;
	v63 =	vadd.s32 v24, v48;
	v48 =	vld [tilespmem:s23+$0xFFFFFEC0]  }
0x2e5: {  	[tilespmem:v37+s17+$0x0] =	vst.idx.msk $0xffff, v42;
	v36 =	vadd.f32 v36, v33  }
0x2e6: {  	[tilespmem:v38+s17+$0x0] =	vst.idx.msk $0xffff, v34;
	v52 =	vadd.s32 v20, v40;
	v54 =	vadd.f32 v59, v33  }
0x2e7: {  	[tilespmem:v39+s17+$0x0] =	vst.idx.msk $0xffff, v36;
	v55 =	vadd.f32 v61, v33  }
0x2e8: {  	s29 =	simm.s32 $0x0;
	v53 =	vadd.f32 v57, v33;
	[tilespmem:v49+s17+$0x0] =	vst.idx.msk $0xffff, v54  }
0x2e9: {  	s28 =	simm.s32 $0xC;
	v58 =	vmov s29;
	v56 =	vadd.f32 v48, v33;
	[tilespmem:v51+s17+$0x0] =	vst.idx.msk $0xffff, v55  }
0x2ea: {  	s30 =	simm.s32 $0x4;
	v34 =	vshrl.u32 v58, $0x3;
	v57 =	vmov s28;
	[tilespmem:v63+s17+$0x0] =	vst.idx.msk $0xffff, v53  }
0x2eb: {  	s31 =	simm.s32 $0x8;
	v34 =	vshll.u32 v34, v1;
	v59 =	vmov s30;
	v35 =	vshrl.u32 v57, $0x3;
	[tilespmem:v52+s17+$0x0] =	vst.idx.msk $0xffff, v56  }
0x2ec: {  	v60 =	vmov s31;
	v36 =	vshrl.u32 v59, $0x3;
	v35 =	vshll.u32 v35, v1;
	v33 =	vld [tilespmem:s22+$0xEC30];
	s22 =	simm.s32 $0x8630  }
0x2ed: {  	v37 =	vshrl.u32 v60, $0x3;
	v36 =	vshll.u32 v36, v1;
	v35 =	vbroadcast v35, $0x0;
	v38 =	vld [tilespmem:s22+$0x100]  }
0x2ee: {  	v34 =	vbroadcast v34, $0x0;
	v37 =	vshll.u32 v37, v1;
	v36 =	vbroadcast v36, $0x0;
	v39 =	vld [tilespmem:s22+$0xFFFFFF00]  }
0x2ef: {  	v37 =	vbroadcast v37, $0x0;
	v61 =	vld [tilespmem:s22+$0x0];
	v35 =	vadd.s32 v29, v35  }
0x2f0: {  	s24 =	simm.s32 $0x1;
	s26 =	simm.s32 $0x9;
	v34 =	vadd.s32 v25, v34;
	v36 =	vadd.s32 v29, v36;
	v41 =	vld [tilespmem:s22+$0xFFFFFE00]  }
0x2f1: {  	s25 =	simm.s32 $0x5;
	v62 =	vmov s24;
	v37 =	vadd.s32 v25, v37;
	s28 =	simm.s32 $0xD;
	v48 =	vmov s26  }
0x2f2: {  	v49 =	vmov s28;
	v63 =	vmov s25;
	v38 =	vadd.f32 v38, v33  }
0x2f3: {  	v45 =	vshrl.u32 v49, $0x3;
	v44 =	vshrl.u32 v48, $0x3;
	v39 =	vadd.f32 v39, v33  }
0x2f4: {  	v43 =	vshrl.u32 v63, $0x3;
	v50 =	vshll.u32 v45, v1;
	v40 =	vadd.f32 v61, v33;
	[tilespmem:v35+s17+$0x0] =	vst.idx.msk $0xffff, v38  }
0x2f5: {  	v52 =	vshll.u32 v43, v1;
	v51 =	vadd.f32 v41, v33;
	[tilespmem:v36+s17+$0x0] =	vst.idx.msk $0xffff, v39;
	v35 =	vbroadcast v50, $0x0;
	v53 =	vld [tilespmem:s22+$0x140]  }
0x2f6: {  	v54 =	vshrl.u32 v62, $0x3;
	v56 =	vshll.u32 v44, v1;
	v36 =	vbroadcast v52, $0x0;
	[tilespmem:v37+s17+$0x0] =	vst.idx.msk $0xffff, v40;
	v55 =	vld [tilespmem:s22+$0xFFFFFF40]  }
0x2f7: {  	s29 =	simm.s32 $0x2;
	v57 =	vshll.u32 v54, v1;
	[tilespmem:v34+s17+$0x0] =	vst.idx.msk $0xffff, v51;
	v37 =	vbroadcast v56, $0x0;
	v58 =	vld [tilespmem:s22+$0x40];
	v35 =	vadd.s32 v30, v35  }
0x2f8: {  	s31 =	simm.s32 $0xA;
	v60 =	vmov s29;
	s24 =	simm.s32 $0xE;
	v34 =	vbroadcast v57, $0x0;
	v59 =	vld [tilespmem:s22+$0xFFFFFE40];
	v36 =	vadd.s32 v30, v36  }
0x2f9: {  	v62 =	vmov s31;
	v63 =	vmov s24;
	v37 =	vadd.s32 v26, v37  }
0x2fa: {  	s30 =	simm.s32 $0x6;
	v44 =	vshrl.u32 v62, $0x3;
	v34 =	vadd.s32 v26, v34;
	v39 =	vadd.f32 v53, v33  }
0x2fb: {  	v45 =	vshrl.u32 v63, $0x3;
	v61 =	vmov s30;
	v42 =	vadd.f32 v55, v33  }
0x2fc: {  	v48 =	vshll.u32 v45, v1;
	v43 =	vshrl.u32 v61, $0x3;
	v38 =	vadd.f32 v58, v33;
	[tilespmem:v35+s17+$0x0] =	vst.idx.msk $0xffff, v39  }
0x2fd: {  	v50 =	vshll.u32 v43, v1;
	v49 =	vadd.f32 v59, v33;
	[tilespmem:v36+s17+$0x0] =	vst.idx.msk $0xffff, v42;
	v35 =	vbroadcast v48, $0x0;
	v51 =	vld [tilespmem:s22+$0x180]  }
0x2fe: {  	v41 =	vshrl.u32 v60, $0x3;
	v52 =	vshll.u32 v44, v1;
	v36 =	vbroadcast v50, $0x0;
	[tilespmem:v37+s17+$0x0] =	vst.idx.msk $0xffff, v38;
	v42 =	vld [tilespmem:s22+$0xFFFFFF80]  }
0x2ff: {  	s25 =	simm.s32 $0x3;
	v53 =	vshll.u32 v41, v1;
	[tilespmem:v34+s17+$0x0] =	vst.idx.msk $0xffff, v49;
	v37 =	vbroadcast v52, $0x0;
	v38 =	vld [tilespmem:s22+$0x80];
	v35 =	vadd.s32 v31, v35  }
0x300: {  	s29 =	simm.s32 $0xF;
	s28 =	simm.s32 $0xB;
	v54 =	vmov s25;
	v34 =	vbroadcast v53, $0x0;
	v39 =	vld [tilespmem:s22+$0xFFFFFE80];
	v36 =	vadd.s32 v31, v36  }
0x301: {  	v56 =	vmov s28;
	v57 =	vmov s29;
	v37 =	vadd.s32 v27, v37  }
0x302: {  	s26 =	simm.s32 $0x7;
	v45 =	vshrl.u32 v57, $0x3;
	v34 =	vadd.s32 v27, v34;
	v40 =	vadd.f32 v51, v33  }
0x303: {  	v44 =	vshrl.u32 v56, $0x3;
	v55 =	vmov s26;
	v42 =	vadd.f32 v42, v33  }
0x304: {  	v45 =	vshll.u32 v45, v1;
	v41 =	vshrl.u32 v55, $0x3;
	v38 =	vadd.f32 v38, v33;
	[tilespmem:v35+s17+$0x0] =	vst.idx.msk $0xffff, v40  }
0x305: {  	v59 =	vbroadcast v45, $0x0;
	v58 =	vshll.u32 v41, v1;
	v39 =	vadd.f32 v39, v33;
	[tilespmem:v36+s17+$0x0] =	vst.idx.msk $0xffff, v42;
	v41 =	vld [tilespmem:s22+$0x1C0]  }
0x306: {  	v60 =	vshrl.u32 v54, $0x3;
	v62 =	vshll.u32 v44, v1;
	v61 =	vbroadcast v58, $0x0;
	[tilespmem:v37+s17+$0x0] =	vst.idx.msk $0xffff, v38;
	v42 =	vld [tilespmem:s22+$0xFFFFFFC0]  }
0x307: {  	s31 =	simm.s32 $0x18;
	v63 =	vbroadcast v62, $0x0;
	v36 =	vshll.u32 v60, v1;
	v35 =	vadd.s32 v32, v59;
	[tilespmem:v34+s17+$0x0] =	vst.idx.msk $0xffff, v39;
	v34 =	vld [tilespmem:s22+$0xC0]  }
0x308: {  	s23 =	simm.s32 $0x10;
	s30 =	simm.s32 $0x14;
	v43 =	vmov s31;
	v37 =	vadd.s32 v32, v61;
	v39 =	vbroadcast v36, $0x0;
	v36 =	vld [tilespmem:s22+$0xFFFFFEC0]  }
0x309: {  	s25 =	simm.s32 $0x1C;
	s24 =	simm.s32 $0x20;
	v44 =	vmov s30;
	v40 =	vmov s23;
	v38 =	vadd.s32 v28, v63  }
.LBB2_19:
0x30a: {  	p0 =	slt.u32 s24, $0x70;
	v45 =	vmov s25;
	v39 =	vadd.s32 v28, v39;
	v41 =	vadd.f32 v41, v33  }
0x30b: {  	v44 =	vshrl.u32 v44, $0x3;
	v45 =	vshrl.u32 v45, $0x3;
	v42 =	vadd.f32 v42, v33  }
0x30c: {  	v43 =	vshrl.u32 v43, $0x3;
	s22 =	sadd.s32 $0x400, s22;
	v45 =	vshll.u32 v45, v1;
	v34 =	vadd.f32 v34, v33;
	[tilespmem:v35+s17+$0x0] =	vst.idx.msk $0xffff, v41  }
0x30d: {  	v35 =	vshll.u32 v44, v1;
	v41 =	vld [tilespmem:s22+$0x100];
	v44 =	vbroadcast v45, $0x0;
	v36 =	vadd.f32 v36, v33;
	[tilespmem:v37+s17+$0x0] =	vst.idx.msk $0xffff, v42  }
0x30e: {  	v37 =	vshrl.u32 v40, $0x3;
	v35 =	vbroadcast v35, $0x0;
	v42 =	vshll.u32 v43, v1;
	v40 =	vld [tilespmem:s22+$0xFFFFFF00];
	[tilespmem:v38+s17+$0x0] =	vst.idx.msk $0xffff, v34  }
0x30f: {  	s25 =	sadd.s32 $0x1, s23;
	v34 =	vshll.u32 v37, v1;
	v38 =	vbroadcast v42, $0x0;
	v37 =	vld [tilespmem:s22+$0x0];
	v42 =	vadd.s32 v29, v44;
	[tilespmem:v39+s17+$0x0] =	vst.idx.msk $0xffff, v36  }
0x310: {  	s26 =	sadd.s32 $0x9, s23;
	v34 =	vbroadcast v34, $0x0;
	v39 =	vmov s25;
	v35 =	vadd.s32 v29, v35;
	s25 =	sadd.s32 $0x5, s23;
	v36 =	vld [tilespmem:s22+$0xFFFFFE00]  }
0x311: {  	v44 =	vmov s26;
	v43 =	vmov s25;
	v38 =	vadd.s32 v25, v38;
	s25 =	sadd.s32 $0xD, s23  }
0x312: {  	v34 =	vadd.s32 v25, v34;
	v45 =	vmov s25;
	v41 =	vadd.f32 v41, v33  }
0x313: {  	v43 =	vshrl.u32 v43, $0x3;
	v45 =	vshrl.u32 v45, $0x3;
	v40 =	vadd.f32 v40, v33  }
0x314: {  	v44 =	vshrl.u32 v44, $0x3;
	v37 =	vadd.f32 v37, v33;
	[tilespmem:v42+s17+$0x0] =	vst.idx.msk $0xffff, v41;
	v41 =	vshll.u32 v45, v1  }
0x315: {  	v36 =	vadd.f32 v36, v33;
	[tilespmem:v35+s17+$0x0] =	vst.idx.msk $0xffff, v40;
	v35 =	vshll.u32 v43, v1;
	v40 =	vld [tilespmem:s22+$0x140];
	v41 =	vbroadcast v41, $0x0  }
0x316: {  	v39 =	vshrl.u32 v39, $0x3;
	v42 =	vld [tilespmem:s22+$0xFFFFFF40];
	v35 =	vbroadcast v35, $0x0;
	[tilespmem:v38+s17+$0x0] =	vst.idx.msk $0xffff, v37;
	v37 =	vshll.u32 v44, v1  }
0x317: {  	s25 =	sadd.s32 $0x2, s23;
	[tilespmem:v34+s17+$0x0] =	vst.idx.msk $0xffff, v36;
	v34 =	vshll.u32 v39, v1;
	v36 =	vld [tilespmem:s22+$0x40];
	v37 =	vbroadcast v37, $0x0;
	v38 =	vadd.s32 v30, v41  }
0x318: {  	s26 =	sadd.s32 $0xA, s23;
	v41 =	vmov s25;
	s25 =	sadd.s32 $0x6, s23;
	v39 =	vld [tilespmem:s22+$0xFFFFFE40];
	v34 =	vbroadcast v34, $0x0;
	v35 =	vadd.s32 v30, v35  }
0x319: {  	v44 =	vmov s26;
	v43 =	vmov s25;
	s25 =	sadd.s32 $0xE, s23;
	v37 =	vadd.s32 v26, v37  }
0x31a: {  	v45 =	vmov s25;
	v34 =	vadd.s32 v26, v34;
	v40 =	vadd.f32 v40, v33  }
0x31b: {  	v43 =	vshrl.u32 v43, $0x3;
	v45 =	vshrl.u32 v45, $0x3;
	v42 =	vadd.f32 v42, v33  }
0x31c: {  	v44 =	vshrl.u32 v44, $0x3;
	v36 =	vadd.f32 v36, v33;
	[tilespmem:v38+s17+$0x0] =	vst.idx.msk $0xffff, v40;
	v38 =	vshll.u32 v45, v1  }
0x31d: {  	v39 =	vadd.f32 v39, v33;
	[tilespmem:v35+s17+$0x0] =	vst.idx.msk $0xffff, v42;
	v35 =	vshll.u32 v43, v1;
	v40 =	vld [tilespmem:s22+$0x180];
	v38 =	vbroadcast v38, $0x0  }
0x31e: {  	v41 =	vshrl.u32 v41, $0x3;
	v42 =	vld [tilespmem:s22+$0xFFFFFF80];
	v35 =	vbroadcast v35, $0x0;
	[tilespmem:v37+s17+$0x0] =	vst.idx.msk $0xffff, v36;
	v36 =	vshll.u32 v44, v1  }
0x31f: {  	s25 =	sadd.s32 $0x3, s23;
	[tilespmem:v34+s17+$0x0] =	vst.idx.msk $0xffff, v39;
	v34 =	vshll.u32 v41, v1;
	v37 =	vld [tilespmem:s22+$0x80];
	v36 =	vbroadcast v36, $0x0;
	v38 =	vadd.s32 v31, v38  }
0x320: {  	s26 =	sadd.s32 $0xB, s23;
	v43 =	vmov s25;
	s25 =	sadd.s32 $0x7, s23;
	v39 =	vld [tilespmem:s22+$0xFFFFFE80];
	v34 =	vbroadcast v34, $0x0;
	v35 =	vadd.s32 v31, v35  }
0x321: {  	v44 =	vmov s26;
	v41 =	vmov s25;
	s25 =	sadd.s32 $0xF, s23;
	s23 =	smov.u32 s24;
	v36 =	vadd.s32 v27, v36  }
0x322: {  	v45 =	vmov s25;
	v34 =	vadd.s32 v27, v34;
	v40 =	vadd.f32 v40, v33  }
0x323: {  	v41 =	vshrl.u32 v41, $0x3;
	v45 =	vshrl.u32 v45, $0x3;
	v42 =	vadd.f32 v42, v33  }
0x324: {  	v44 =	vshrl.u32 v44, $0x3;
	v37 =	vadd.f32 v37, v33;
	[tilespmem:v38+s17+$0x0] =	vst.idx.msk $0xffff, v40;
	v38 =	vshll.u32 v45, v1  }
.Ltmp8:
0x325: {  	v39 =	vadd.f32 v39, v33;
	[tilespmem:v35+s17+$0x0] =	vst.idx.msk $0xffff, v42;
	v35 =	vshll.u32 v41, v1;
	v41 =	vld [tilespmem:s22+$0x1C0];
	v38 =	vbroadcast v38, $0x0;
	(pc) =	sbr.rel @p0 .LBB2_19-.Ltmp8, $4  }
0x326: {  	v40 =	vshrl.u32 v43, $0x3;
	v42 =	vld [tilespmem:s22+$0xFFFFFFC0];
	v43 =	vbroadcast v35, $0x0;
	[tilespmem:v36+s17+$0x0] =	vst.idx.msk $0xffff, v37;
	v35 =	vshll.u32 v44, v1  }
0x327: {  	v37 =	vshll.u32 v40, v1;
	[tilespmem:v34+s17+$0x0] =	vst.idx.msk $0xffff, v39;
	v34 =	vld [tilespmem:s22+$0xC0];
	v45 =	vbroadcast v35, $0x0;
	v35 =	vadd.s32 v32, v38  }
0x328: {  	s26 =	sadd.s32 $0x8, s24;
	s25 =	sadd.s32 $0x4, s24;
	v40 =	vmov s24;
	v39 =	vbroadcast v37, $0x0;
	v36 =	vld [tilespmem:s22+$0xFFFFFEC0];
	v37 =	vadd.s32 v32, v43  }
0x329: {  	v44 =	vmov s25;
	s25 =	sadd.s32 $0xC, s23;
	s24 =	sadd.s32 $0x10, s24;
	v43 =	vmov s26;
	v38 =	vadd.s32 v28, v45  }
0x32a: {  	v45 =	vmov s25  }
0x32b: {  	v39 =	vadd.s32 v28, v39;
	v41 =	vadd.f32 v41, v33;
	v44 =	vshrl.u32 v44, $0x3  }
0x32c: {  	s22 =	sadd.s32 $0x400, s22;
	v43 =	vshrl.u32 v43, $0x3;
	v40 =	vshrl.u32 v40, $0x3;
	v44 =	vshll.u32 v44, v1  }
0x32d: {  	v45 =	vshrl.u32 v45, $0x3;
	v47 =	vld [tilespmem:s22+$0xFFFFFF00];
	v43 =	vshll.u32 v43, v1;
	v44 =	vbroadcast v44, $0x0  }
0x32e: {  	s24 =	sadd.s32 $0x1, s23;
	v40 =	vshll.u32 v40, v1;
	v48 =	vld [tilespmem:s22+$0x0];
	v45 =	vshll.u32 v45, v1;
	v43 =	vbroadcast v43, $0x0  }
0x32f: {  	s25 =	sadd.s32 $0x5, s23;
	v46 =	vld [tilespmem:s22+$0x100];
	v50 =	vmov s24;
	v45 =	vbroadcast v45, $0x0;
	v44 =	vadd.s32 v29, v44  }
0x330: {  	s26 =	sadd.s32 $0x9, s23;
	s28 =	sadd.s32 $0xD, s23;
	v49 =	vld [tilespmem:s22+$0xFFFFFE00];
	v51 =	vmov s25;
	v40 =	vbroadcast v40, $0x0;
	v43 =	vadd.s32 v25, v43  }
0x331: {  	v52 =	vmov s26;
	v53 =	vmov s28;
	v45 =	vadd.s32 v29, v45  }
0x332: {  	v51 =	vshrl.u32 v51, $0x3;
	v40 =	vadd.s32 v25, v40;
	v47 =	vadd.f32 v47, v33  }
0x333: {  	v53 =	vshrl.u32 v53, $0x3;
	v52 =	vshrl.u32 v52, $0x3;
	v48 =	vadd.f32 v48, v33  }
0x334: {  	v56 =	vshrl.u32 v50, $0x3;
	v55 =	vshll.u32 v51, v1;
	v46 =	vadd.f32 v46, v33;
	[tilespmem:v44+s17+$0x0] =	vst.idx.msk $0xffff, v47  }
0x335: {  	s29 =	sadd.s32 $0x2, s23;
	v57 =	vshll.u32 v52, v1;
	v54 =	vadd.f32 v49, v33;
	v44 =	vbroadcast v55, $0x0;
	[tilespmem:v43+s17+$0x0] =	vst.idx.msk $0xffff, v48;
	v50 =	vld [tilespmem:s22+$0xFFFFFF40]  }
0x336: {  	v61 =	vmov s29;
	v53 =	vshll.u32 v53, v1;
	v43 =	vbroadcast v57, $0x0;
	[tilespmem:v45+s17+$0x0] =	vst.idx.msk $0xffff, v46;
	v59 =	vld [tilespmem:s22+$0x40]  }
0x337: {  	s30 =	sadd.s32 $0x6, s23;
	v58 =	vshll.u32 v56, v1;
	[tilespmem:v40+s17+$0x0] =	vst.idx.msk $0xffff, v54;
	v45 =	vbroadcast v53, $0x0;
	v47 =	vld [tilespmem:s22+$0x140];
	v44 =	vadd.s32 v30, v44  }
0x338: {  	s31 =	sadd.s32 $0xA, s23;
	v62 =	vmov s30;
	v40 =	vbroadcast v58, $0x0;
	v60 =	vld [tilespmem:s22+$0xFFFFFE40];
	v43 =	vadd.s32 v26, v43  }
0x339: {  	v63 =	vmov s31;
	v51 =	vshrl.u32 v62, $0x3;
	v45 =	vadd.s32 v30, v45  }
0x33a: {  	v52 =	vshrl.u32 v63, $0x3;
	v40 =	vadd.s32 v26, v40;
	v50 =	vadd.f32 v50, v33  }
0x33b: {  	s26 =	sadd.s32 $0xE, s23;
	v49 =	vshrl.u32 v61, $0x3;
	v61 =	vshll.u32 v52, v1;
	v46 =	vadd.f32 v59, v33  }
0x33c: {  	v56 =	vmov s26;
	v59 =	vshll.u32 v51, v1;
	v47 =	vadd.f32 v47, v33;
	[tilespmem:v44+s17+$0x0] =	vst.idx.msk $0xffff, v50  }
0x33d: {  	v53 =	vshrl.u32 v56, $0x3;
	v58 =	vadd.f32 v60, v33;
	v44 =	vbroadcast v59, $0x0;
	[tilespmem:v43+s17+$0x0] =	vst.idx.msk $0xffff, v46;
	v50 =	vld [tilespmem:s22+$0xFFFFFF80]  }
0x33e: {  	v42 =	vadd.f32 v42, v33;
	v57 =	vshll.u32 v53, v1;
	v43 =	vbroadcast v61, $0x0;
	[tilespmem:v45+s17+$0x0] =	vst.idx.msk $0xffff, v47;
	v46 =	vld [tilespmem:s22+$0x80]  }
0x33f: {  	s29 =	sadd.s32 $0x7, s23;
	v62 =	vshll.u32 v49, v1;
	[tilespmem:v40+s17+$0x0] =	vst.idx.msk $0xffff, v58;
	v45 =	vbroadcast v57, $0x0;
	v60 =	vld [tilespmem:s22+$0x180];
	v44 =	vadd.s32 v31, v44  }
0x340: {  	s28 =	sadd.s32 $0x3, s23;
	s30 =	sadd.s32 $0xB, s23;
	v63 =	vmov s29;
	v40 =	vbroadcast v62, $0x0;
	v47 =	vld [tilespmem:s22+$0xFFFFFE80];
	v43 =	vadd.s32 v27, v43  }
0x341: {  	v49 =	vmov s28;
	v56 =	vmov s30;
	v45 =	vadd.s32 v31, v45  }
0x342: {  	s31 =	sadd.s32 $0xF, s23;
	v51 =	vshrl.u32 v63, $0x3;
	v40 =	vadd.s32 v27, v40;
	v50 =	vadd.f32 v50, v33  }
0x343: {  	v59 =	vshrl.u32 v56, $0x3;
	v57 =	vmov s31;
	v58 =	vadd.f32 v46, v33  }
0x344: {  	v62 =	vshll.u32 v51, v1;
	v53 =	vshrl.u32 v57, $0x3;
	v48 =	vadd.f32 v60, v33;
	[tilespmem:v44+s17+$0x0] =	vst.idx.msk $0xffff, v50  }
0x345: {  	v61 =	vadd.f32 v47, v33;
	v47 =	vbroadcast v62, $0x0;
	v46 =	vshll.u32 v59, v1;
	[tilespmem:v43+s17+$0x0] =	vst.idx.msk $0xffff, v58;
	v51 =	vld [tilespmem:s22+$0xFFFFFFC0]  }
0x346: {  	v49 =	vshrl.u32 v49, $0x3;
	v60 =	vshll.u32 v53, v1;
	v54 =	vbroadcast v46, $0x0;
	[tilespmem:v45+s17+$0x0] =	vst.idx.msk $0xffff, v48;
	v53 =	vld [tilespmem:s22+$0xC0]  }
0x347: {  	v52 =	vshll.u32 v49, v1;
	[tilespmem:v40+s17+$0x0] =	vst.idx.msk $0xffff, v61;
	v57 =	vadd.s32 v32, v47;
	v48 =	vbroadcast v60, $0x0;
	v63 =	vld [tilespmem:s22+$0x1C0]  }
0x348: {  	[tilespmem:v35+s17+$0x0] =	vst.idx.msk $0xffff, v41;
	v34 =	vadd.f32 v34, v33;
	v40 =	vbroadcast v52, $0x0;
	v56 =	vld [tilespmem:s22+$0xFFFFFEC0];
	v58 =	vadd.s32 v28, v54  }
0x349: {  	[tilespmem:v37+s17+$0x0] =	vst.idx.msk $0xffff, v42;
	v36 =	vadd.f32 v36, v33;
	v55 =	vadd.s32 v32, v48  }
0x34a: {  	[tilespmem:v38+s17+$0x0] =	vst.idx.msk $0xffff, v34;
	v59 =	vadd.s32 v28, v40;
	v61 =	vadd.f32 v51, v33  }
0x34b: {  	s21 =	sshll.u32 s21, $0x12;
	[tilespmem:v39+s17+$0x0] =	vst.idx.msk $0xffff, v36;
	v62 =	vadd.f32 v53, v33  }
0x34c: {  	s21 =	sor.u32 s4, s21;
	v60 =	vadd.f32 v63, v33;
	[tilespmem:v57+s17+$0x0] =	vst.idx.msk $0xffff, v61  }
0x34d: {  	s21 =	sshrl.u32 s21, $0x3;
	v63 =	vadd.f32 v56, v33;
	[tilespmem:v58+s17+$0x0] =	vst.idx.msk $0xffff, v62  }
0x34e: {  	s23 =	simm.s32 $0x200;
	s21 =	sadd.s32 s6, s21;
	[tilespmem:v55+s17+$0x0] =	vst.idx.msk $0xffff, v60  }
0x34f: {  	s24 =	simm.s32 $0xC890;
	s25 =	sadd.s32 $0x0, s21;
	s22 =	simm.s32 $0xC800;
	[tilespmem:v59+s17+$0x0] =	vst.idx.msk $0xffff, v63  }
.LBB2_21:
0x350: {  	[hbm4b:s25+s3] =	stream.linear.scatter [tilespmem:s22], [sflag:$0x2], $0x80, $0x38;
	[tilespmem:$0x11E00] =	vst v63  }
0x351: {  	s25 =	smov.u32 s23;
	s22 =	smov.u32 s24;
	p0 =	sne.s32 s23, $0x7E00  }
.Ltmp9:
0x352: {  	s23 =	sadd.s32 $0x200, s23;
	(pc) =	sbr.rel @p0 .LBB2_21-.Ltmp9, $2  }
0x353: {  	_ =	sdelay $0x2  }
0x354: {  	s24 =	sadd.s32 $0x90, s24;
	s25 =	sadd.s32 s25, s21  }
0x355: {  	s20 =	sadd.s32 $0x1, s20  }
0x356: {  	p0 =	sne.s32 s20, $0x64  }
.Ltmp10:
0x357: {  	_ = 	snop;
	(pc) =	sbr.rel @p0 .LBB2_2-.Ltmp10, $2  }
0x358: {  	_ =	sdelay $0x2  }
0x359: {  	[hbm4b:s25+s3] =	stream.linear.scatter [tilespmem:s22], [sflag:$0x2], $0x80, $0x38;
	[tilespmem:$0x11E00] =	vst v63  }
0x35a: {  	s19 =	sadd.s32 $0x1, s19  }
0x35b: {  	p0 =	sne.s32 s19, s8  }
.Ltmp11:
0x35c: {  	_ = 	snop;
	(pc) =	sbr.rel @p0 .LBB2_1-.Ltmp11, $4  }
0x35d: {  	_ = 	snop  }
0x35e: {  	_ =	swait.ge [sflag:s18], $0x2000  }
0x35f: {  	[sflag:s18] =	ssyncset.done $0x0  }
0x360: {  	[sflag:s18] =	ssyncadd.s32 $0xFFFFE000  }
0x361: {  	_ =	sfence.sel $0x180000  }
0x362: {  	[bflag:$0x0] =	sbarrier.arrive $0xFFFF  }
0x363: {  	p0 =	sne.s32 s2, $0x0;
	_ =	strace $0x90000047  }
0x364: {  	s0 =	sadd.s32 @!p0 $0x100000, s0;
	[bflag:$0x2] =	sbarrier.arrive $0xFFFF  }
0x365: {  	[sflag:s0] =	ssyncadd.tile.s32 @!p0 $0x1;
	_ =	shalt  }
.Lfunc_end2:
_tile_overlayer_lowered:
.L_overlay_start_2:
0x366: {  	(tag) =	ssettag $0x2  }
0x367: {  	s0 =	rddreg [dreg:$0x0];
	s2 =	stileid.u32  }
0x368: {  	s1 =	rddreg [dreg:$0x1];
	p0 =	sne.s32 s2, $0x0  }
0x369: {  	s3 =	rddreg [dreg:$0x2];
	[bflag:$0x3] =	sbarrier.arrive $0xFFFF;
	s2 =	simm.s32 @!p0 $0x1C03  }
0x36a: {  	[timem:s3], [sflag:s2] =	dma.local @!p0 [hbm:s0], s1  }
0x36b: {  	s0 =	simm.s32 @!p0 $0x3  }
0x36c: {  	_ =	swait.ge @!p0 [sflag:s0], s1  }
0x36d: {  	s1 =	ssub.s32 @!p0 $0x0, s1;
	[sflag:s0] =	ssyncset.done @!p0 $0x0  }
0x36e: {  	[sflag:s0] =	ssyncadd.s32 @!p0 s1  }
0x36f: {  	[bflag:$0x3] =	sbarrier.arrive $0xFFFF  }
0x370: {  	_ =	shalt  }

</sc_bundles>
